<compile_context>
chip_gen: v7x
topology: tpu7x:2x2x1
jax: 0.10.2.dev20260603
libtpu: 0.0.44.dev20260713+nightly
codegen_flags: <defaults>
</compile_context>

<pallas_src>
import functools

import jax
import jax.numpy as jnp
from jax import lax
from jax.experimental import pallas as pl
from jax.experimental.pallas import tpu as pltpu
from jax.experimental.pallas import tpu_sc as plsc

NUM_FEATURES = 26
CAT_SIZE = 1000
D_EMBED = 128
BATCH = 16384
TOTAL = BATCH * NUM_FEATURES

NC = 2
NS = 16
NW = NC * NS
PER_W = TOTAL // NW
SAMP_W = BATCH // NW
G_IDX = 104
CH_ROWS = G_IDX
SAMP_C = CH_ROWS // NUM_FEATURES
N_CH = PER_W // CH_ROWS
N_BUF = 8
DEPTH = 4
N_GRP = PER_W // 16
ADJ_OUTER = 8
ADJ_INNER = N_GRP // ADJ_OUTER


def _sc_embedding_gather(x1d, weight):
    mesh = plsc.VectorSubcoreMesh(core_axis_name="c", subcore_axis_name="s")

    @functools.partial(
        pl.kernel,
        mesh=mesh,
        out_type=jax.ShapeDtypeStruct((BATCH, NUM_FEATURES, D_EMBED), jnp.float32),
        scratch_types=[pltpu.VMEM((PER_W,), jnp.int32)]
        + [pltpu.VMEM((CH_ROWS, D_EMBED), jnp.float32) for _ in range(N_BUF)]
        + [pltpu.SemaphoreType.DMA for _ in range(2 * N_BUF)],
    )
    def body(x_hbm, w_hbm, out_hbm, idx_all, *rest):
        bufs = rest[:N_BUF]
        semgs = rest[N_BUF:2 * N_BUF]
        semws = rest[2 * N_BUF:]
        wid = lax.axis_index("s") * NC + lax.axis_index("c")
        base = pl.multiple_of(wid * PER_W, PER_W)
        sbase = wid * SAMP_W

        pltpu.sync_copy(x_hbm.at[pl.ds(base, PER_W)], idx_all)

        lane = lax.iota(jnp.int32, 16)
        offs = [
            lax.rem(lane + (16 * k) % NUM_FEATURES, NUM_FEATURES) * CAT_SIZE
            for k in range(13)
        ]

        def adj_body(c, carry):
            g0 = c * ADJ_INNER
            for k in range(ADJ_INNER):
                sl = pl.ds(pl.multiple_of((g0 + k) * 16, 16), 16)
                idx_all[sl] = idx_all[sl] + offs[k % 13]
            return carry

        lax.fori_loop(0, ADJ_OUTER, adj_body, 0)

        def gather_copy(n, b):
            f0 = pl.multiple_of(n * CH_ROWS, CH_ROWS)
            return (
                w_hbm.at[idx_all.at[pl.ds(f0, G_IDX)]],
                bufs[b],
                semgs[b],
            )

        def wb_copy(n, b):
            sb = sbase + n * SAMP_C
            return (
                bufs[b].reshape(SAMP_C, NUM_FEATURES, D_EMBED),
                out_hbm.at[pl.ds(sb, SAMP_C)],
                semws[b],
            )

        for n in range(DEPTH):
            pltpu.async_copy(*gather_copy(n, n))

        def ring_body(c, carry):
            for j in range(N_BUF):
                n = N_BUF * c + j
                pltpu.make_async_copy(*gather_copy(n, j)).wait()
                pltpu.async_copy(*wb_copy(n, j))
                bn = (j + DEPTH) % N_BUF
                drain = lambda: pltpu.make_async_copy(
                    *wb_copy(n - DEPTH, bn)
                ).wait()
                def fire(n=n, bn=bn):
                    pltpu.async_copy(*gather_copy(n + DEPTH, bn))
                if j < DEPTH:
                    pl.when(c > 0)(drain)
                    fire()
                else:
                    drain()
                    pl.when(c < N_CH // N_BUF - 1)(fire)
            return carry

        lax.fori_loop(0, N_CH // N_BUF, ring_body, 0)

        for n in range(N_CH - DEPTH, N_CH):
            pltpu.make_async_copy(*wb_copy(n, n % N_BUF)).wait()

    return body(x1d, weight)


def kernel(x_cat, weight):
    return _sc_embedding_gather(x_cat.reshape(TOTAL), weight)

# --- scband reference (transcript-rebuilt; emitter-appended) ---
"""Pipeline reference for scband-cat-embedding-79577154060973 (READ-ONLY COPY).

The authoritative reference and input builder live on the scoring server;
editing this copy changes nothing except your own understanding.
"""

import jax, jax.numpy as jnp
import numpy as np

CATEGORIES = [1000] * 26
D_EMBED = 128
BATCH = 16384


def setup_inputs(seed: int = 0) -> dict:
    key = jax.random.key(seed)
    k1, k2 = jax.random.split(key)
    x_cat = jax.random.randint(k1, (BATCH, len(CATEGORIES)), 0, 1000, dtype=jnp.int32)
    total = int(sum(CATEGORIES))
    # xavier_uniform init for nn.Embedding weight of shape [total, D_EMBED]
    limit = float(np.sqrt(6.0 / (total + D_EMBED)))
    weight = jax.random.uniform(k2, (total, D_EMBED), minval=-limit, maxval=limit, dtype=jnp.float32)
    return {"x_cat": x_cat, "weight": weight}


def reference(x_cat, weight):
    # offsets = cumsum([0] + categories[:-1])
    offsets = jnp.asarray(np.concatenate([[0], np.cumsum(CATEGORIES[:-1])]).astype(np.int32))
    x = x_cat + offsets[None]
    # embedding lookup -> [batch, num_features, d_embed]
    return jnp.take(weight, x, axis=0)

if __name__ == "__main__":
    import jax
    _d = setup_inputs()
    print(jax.jit(kernel)(*tuple(_d.values())))

</pallas_src>

<mosaic_0001>
#map = affine_map<(d0, d1) -> (0)>
#map1 = affine_map<(d0, d1) -> (0, 0)>
#map2 = affine_map<(d0, d1) -> (0, 0, 0)>
module attributes {stable_mosaic.version = 14 : i64} {
  func.func @body(%arg0: i32, %arg1: i32, %arg2: memref<425984xi32, #tpu.memory_space<hbm>>, %arg3: memref<26000x128xf32, #tpu.memory_space<hbm>>, %arg4: memref<16384x26x128xf32, #tpu.memory_space<hbm>>, %arg5: memref<13312xi32, #tpu.memory_space<vmem>>, %arg6: memref<104x128xf32, #tpu.memory_space<vmem>>, %arg7: memref<104x128xf32, #tpu.memory_space<vmem>>, %arg8: memref<104x128xf32, #tpu.memory_space<vmem>>, %arg9: memref<104x128xf32, #tpu.memory_space<vmem>>, %arg10: memref<104x128xf32, #tpu.memory_space<vmem>>, %arg11: memref<104x128xf32, #tpu.memory_space<vmem>>, %arg12: memref<104x128xf32, #tpu.memory_space<vmem>>, %arg13: memref<104x128xf32, #tpu.memory_space<vmem>>, %arg14: memref<!tpu.dma_semaphore, #tpu.memory_space<semaphore_mem>>, %arg15: memref<!tpu.dma_semaphore, #tpu.memory_space<semaphore_mem>>, %arg16: memref<!tpu.dma_semaphore, #tpu.memory_space<semaphore_mem>>, %arg17: memref<!tpu.dma_semaphore, #tpu.memory_space<semaphore_mem>>, %arg18: memref<!tpu.dma_semaphore, #tpu.memory_space<semaphore_mem>>, %arg19: memref<!tpu.dma_semaphore, #tpu.memory_space<semaphore_mem>>, %arg20: memref<!tpu.dma_semaphore, #tpu.memory_space<semaphore_mem>>, %arg21: memref<!tpu.dma_semaphore, #tpu.memory_space<semaphore_mem>>, %arg22: memref<!tpu.dma_semaphore, #tpu.memory_space<semaphore_mem>>, %arg23: memref<!tpu.dma_semaphore, #tpu.memory_space<semaphore_mem>>, %arg24: memref<!tpu.dma_semaphore, #tpu.memory_space<semaphore_mem>>, %arg25: memref<!tpu.dma_semaphore, #tpu.memory_space<semaphore_mem>>, %arg26: memref<!tpu.dma_semaphore, #tpu.memory_space<semaphore_mem>>, %arg27: memref<!tpu.dma_semaphore, #tpu.memory_space<semaphore_mem>>, %arg28: memref<!tpu.dma_semaphore, #tpu.memory_space<semaphore_mem>>, %arg29: memref<!tpu.dma_semaphore, #tpu.memory_space<semaphore_mem>>) attributes {dimension_semantics = [#tpu.dimension_semantics<core_parallel>, #tpu.dimension_semantics<subcore_parallel>], iteration_bounds = array<i64: 2, 16>, scalar_prefetch = 0 : i64, scratch_operands = 25 : i64, tpu.core_type = #tpu.core_type<sc_vector_subcore>, window_params = [{transform_indices = #map}, {transform_indices = #map1}, {transform_indices = #map2}]} {
    %mul3A = arith.constant 2 : i32
    %mul3A_0 = arith.muli %arg1, %mul3A : i32
    %add3A = arith.addi %mul3A_0, %arg0 : i32
    %mul3A_1 = arith.constant 13312 : i32
    %mul3A_2 = arith.muli %add3A, %mul3A_1 : i32
    %multiple_of3A = tpu.assume_multiple %mul3A_2, 13312 : i32
    %mul3A_3 = arith.constant 512 : i32
    %mul3A_4 = arith.muli %add3A, %mul3A_3 : i32
    "tpu.region"() ({
      %run_scoped3A = tpu.sem_alloc : memref<!tpu.dma_semaphore, #tpu.memory_space<semaphore_mem>>
      %dma_start3A_194 = tpu.memref_slice %arg2[%multiple_of3A] : memref<425984xi32, #tpu.memory_space<hbm>> -> memref<13312xi32, #tpu.memory_space<hbm>>
      %dma_start3A_195 = tpu.memref_slice %arg2[%multiple_of3A] : memref<425984xi32, #tpu.memory_space<hbm>> -> memref<13312xi32, #tpu.memory_space<hbm>>
      tpu.enqueue_dma source(%dma_start3A_195 : memref<13312xi32, #tpu.memory_space<hbm>>) target(%arg5 : memref<13312xi32, #tpu.memory_space<vmem>>) target_semaphore(%run_scoped3A : memref<!tpu.dma_semaphore, #tpu.memory_space<semaphore_mem>>)
      %dma_wait3A_196 = tpu.memref_slice %arg2[%multiple_of3A] : memref<425984xi32, #tpu.memory_space<hbm>> -> memref<13312xi32, #tpu.memory_space<hbm>>
      %dma_wait3A_197 = tpu.memref_slice %arg2[%multiple_of3A] : memref<425984xi32, #tpu.memory_space<hbm>> -> memref<13312xi32, #tpu.memory_space<hbm>>
      tpu.wait_dma2 semaphore(%run_scoped3A : memref<!tpu.dma_semaphore, #tpu.memory_space<semaphore_mem>>) src(%dma_wait3A_197 : memref<13312xi32, #tpu.memory_space<hbm>>) dst(%arg5 : memref<13312xi32, #tpu.memory_space<vmem>>)
      tpu.yield
    }) : () -> ()
    %iota3A = tpu.iota {dimensions = array<i32: 0>} : vector<16xi32>
    %add3A_5 = arith.constant 0 : i32
    %add3A_6 = vector.broadcast %add3A_5 : i32 to vector<16xi32>
    %add3A_7 = arith.addi %iota3A, %add3A_6 : vector<16xi32>
    %rem3A = arith.constant 26 : i32
    %rem3A_8 = vector.broadcast %rem3A : i32 to vector<16xi32>
    %rem3A_9 = arith.remsi %add3A_7, %rem3A_8 : vector<16xi32>
    %mul3A_10 = arith.constant 1000 : i32
    %mul3A_11 = vector.broadcast %mul3A_10 : i32 to vector<16xi32>
    %mul3A_12 = arith.muli %rem3A_9, %mul3A_11 : vector<16xi32>
    %add3A_13 = arith.constant 16 : i32
    %add3A_14 = vector.broadcast %add3A_13 : i32 to vector<16xi32>
    %add3A_15 = arith.addi %iota3A, %add3A_14 : vector<16xi32>
    %rem3A_16 = arith.constant 26 : i32
    %rem3A_17 = vector.broadcast %rem3A_16 : i32 to vector<16xi32>
    %rem3A_18 = arith.remsi %add3A_15, %rem3A_17 : vector<16xi32>
    %mul3A_19 = arith.constant 1000 : i32
    %mul3A_20 = vector.broadcast %mul3A_19 : i32 to vector<16xi32>
    %mul3A_21 = arith.muli %rem3A_18, %mul3A_20 : vector<16xi32>
    %add3A_22 = arith.constant 6 : i32
    %add3A_23 = vector.broadcast %add3A_22 : i32 to vector<16xi32>
    %add3A_24 = arith.addi %iota3A, %add3A_23 : vector<16xi32>
    %rem3A_25 = arith.constant 26 : i32
    %rem3A_26 = vector.broadcast %rem3A_25 : i32 to vector<16xi32>
    %rem3A_27 = arith.remsi %add3A_24, %rem3A_26 : vector<16xi32>
    %mul3A_28 = arith.constant 1000 : i32
    %mul3A_29 = vector.broadcast %mul3A_28 : i32 to vector<16xi32>
    %mul3A_30 = arith.muli %rem3A_27, %mul3A_29 : vector<16xi32>
    %add3A_31 = arith.constant 22 : i32
    %add3A_32 = vector.broadcast %add3A_31 : i32 to vector<16xi32>
    %add3A_33 = arith.addi %iota3A, %add3A_32 : vector<16xi32>
    %rem3A_34 = arith.constant 26 : i32
    %rem3A_35 = vector.broadcast %rem3A_34 : i32 to vector<16xi32>
    %rem3A_36 = arith.remsi %add3A_33, %rem3A_35 : vector<16xi32>
    %mul3A_37 = arith.constant 1000 : i32
    %mul3A_38 = vector.broadcast %mul3A_37 : i32 to vector<16xi32>
    %mul3A_39 = arith.muli %rem3A_36, %mul3A_38 : vector<16xi32>
    %add3A_40 = arith.constant 12 : i32
    %add3A_41 = vector.broadcast %add3A_40 : i32 to vector<16xi32>
    %add3A_42 = arith.addi %iota3A, %add3A_41 : vector<16xi32>
    %rem3A_43 = arith.constant 26 : i32
    %rem3A_44 = vector.broadcast %rem3A_43 : i32 to vector<16xi32>
    %rem3A_45 = arith.remsi %add3A_42, %rem3A_44 : vector<16xi32>
    %mul3A_46 = arith.constant 1000 : i32
    %mul3A_47 = vector.broadcast %mul3A_46 : i32 to vector<16xi32>
    %mul3A_48 = arith.muli %rem3A_45, %mul3A_47 : vector<16xi32>
    %add3A_49 = arith.constant 2 : i32
    %add3A_50 = vector.broadcast %add3A_49 : i32 to vector<16xi32>
    %add3A_51 = arith.addi %iota3A, %add3A_50 : vector<16xi32>
    %rem3A_52 = arith.constant 26 : i32
    %rem3A_53 = vector.broadcast %rem3A_52 : i32 to vector<16xi32>
    %rem3A_54 = arith.remsi %add3A_51, %rem3A_53 : vector<16xi32>
    %mul3A_55 = arith.constant 1000 : i32
    %mul3A_56 = vector.broadcast %mul3A_55 : i32 to vector<16xi32>
    %mul3A_57 = arith.muli %rem3A_54, %mul3A_56 : vector<16xi32>
    %add3A_58 = arith.constant 18 : i32
    %add3A_59 = vector.broadcast %add3A_58 : i32 to vector<16xi32>
    %add3A_60 = arith.addi %iota3A, %add3A_59 : vector<16xi32>
    %rem3A_61 = arith.constant 26 : i32
    %rem3A_62 = vector.broadcast %rem3A_61 : i32 to vector<16xi32>
    %rem3A_63 = arith.remsi %add3A_60, %rem3A_62 : vector<16xi32>
    %mul3A_64 = arith.constant 1000 : i32
    %mul3A_65 = vector.broadcast %mul3A_64 : i32 to vector<16xi32>
    %mul3A_66 = arith.muli %rem3A_63, %mul3A_65 : vector<16xi32>
    %add3A_67 = arith.constant 8 : i32
    %add3A_68 = vector.broadcast %add3A_67 : i32 to vector<16xi32>
    %add3A_69 = arith.addi %iota3A, %add3A_68 : vector<16xi32>
    %rem3A_70 = arith.constant 26 : i32
    %rem3A_71 = vector.broadcast %rem3A_70 : i32 to vector<16xi32>
    %rem3A_72 = arith.remsi %add3A_69, %rem3A_71 : vector<16xi32>
    %mul3A_73 = arith.constant 1000 : i32
    %mul3A_74 = vector.broadcast %mul3A_73 : i32 to vector<16xi32>
    %mul3A_75 = arith.muli %rem3A_72, %mul3A_74 : vector<16xi32>
    %add3A_76 = arith.constant 24 : i32
    %add3A_77 = vector.broadcast %add3A_76 : i32 to vector<16xi32>
    %add3A_78 = arith.addi %iota3A, %add3A_77 : vector<16xi32>
    %rem3A_79 = arith.constant 26 : i32
    %rem3A_80 = vector.broadcast %rem3A_79 : i32 to vector<16xi32>
    %rem3A_81 = arith.remsi %add3A_78, %rem3A_80 : vector<16xi32>
    %mul3A_82 = arith.constant 1000 : i32
    %mul3A_83 = vector.broadcast %mul3A_82 : i32 to vector<16xi32>
    %mul3A_84 = arith.muli %rem3A_81, %mul3A_83 : vector<16xi32>
    %add3A_85 = arith.constant 14 : i32
    %add3A_86 = vector.broadcast %add3A_85 : i32 to vector<16xi32>
    %add3A_87 = arith.addi %iota3A, %add3A_86 : vector<16xi32>
    %rem3A_88 = arith.constant 26 : i32
    %rem3A_89 = vector.broadcast %rem3A_88 : i32 to vector<16xi32>
    %rem3A_90 = arith.remsi %add3A_87, %rem3A_89 : vector<16xi32>
    %mul3A_91 = arith.constant 1000 : i32
    %mul3A_92 = vector.broadcast %mul3A_91 : i32 to vector<16xi32>
    %mul3A_93 = arith.muli %rem3A_90, %mul3A_92 : vector<16xi32>
    %add3A_94 = arith.constant 4 : i32
    %add3A_95 = vector.broadcast %add3A_94 : i32 to vector<16xi32>
    %add3A_96 = arith.addi %iota3A, %add3A_95 : vector<16xi32>
    %rem3A_97 = arith.constant 26 : i32
    %rem3A_98 = vector.broadcast %rem3A_97 : i32 to vector<16xi32>
    %rem3A_99 = arith.remsi %add3A_96, %rem3A_98 : vector<16xi32>
    %mul3A_100 = arith.constant 1000 : i32
    %mul3A_101 = vector.broadcast %mul3A_100 : i32 to vector<16xi32>
    %mul3A_102 = arith.muli %rem3A_99, %mul3A_101 : vector<16xi32>
    %add3A_103 = arith.constant 20 : i32
    %add3A_104 = vector.broadcast %add3A_103 : i32 to vector<16xi32>
    %add3A_105 = arith.addi %iota3A, %add3A_104 : vector<16xi32>
    %rem3A_106 = arith.constant 26 : i32
    %rem3A_107 = vector.broadcast %rem3A_106 : i32 to vector<16xi32>
    %rem3A_108 = arith.remsi %add3A_105, %rem3A_107 : vector<16xi32>
    %mul3A_109 = arith.constant 1000 : i32
    %mul3A_110 = vector.broadcast %mul3A_109 : i32 to vector<16xi32>
    %mul3A_111 = arith.muli %rem3A_108, %mul3A_110 : vector<16xi32>
    %add3A_112 = arith.constant 10 : i32
    %add3A_113 = vector.broadcast %add3A_112 : i32 to vector<16xi32>
    %add3A_114 = arith.addi %iota3A, %add3A_113 : vector<16xi32>
    %rem3A_115 = arith.constant 26 : i32
    %rem3A_116 = vector.broadcast %rem3A_115 : i32 to vector<16xi32>
    %rem3A_117 = arith.remsi %add3A_114, %rem3A_116 : vector<16xi32>
    %mul3A_118 = arith.constant 1000 : i32
    %mul3A_119 = vector.broadcast %mul3A_118 : i32 to vector<16xi32>
    %mul3A_120 = arith.muli %rem3A_117, %mul3A_119 : vector<16xi32>
    %scan3A = arith.constant 0 : i32
    %scan3A_121 = arith.constant 0 : i32
    %scan3A_122 = arith.constant 8 : i32
    %scan3A_123 = arith.addi %scan3A_121, %scan3A_122 : i32
    %scan3A_124 = arith.constant 1 : i32
    scf.for %scan3A_194 = %scan3A_121 to %scan3A_123 step %scan3A_124  : i32 {
      %mul3A_195 = arith.constant 104 : i32
      %mul3A_196 = arith.muli %scan3A_194, %mul3A_195 : i32
      %add3A_197 = arith.constant 0 : i32
      %add3A_198 = arith.addi %mul3A_196, %add3A_197 : i32
      %mul3A_199 = arith.constant 16 : i32
      %mul3A_200 = arith.muli %add3A_198, %mul3A_199 : i32
      %multiple_of3A_201 = tpu.assume_multiple %mul3A_200, 16 : i32
      %get3A = arith.index_cast %multiple_of3A_201 : i32 to index
      %get3A_202 = tpu.vector_load %arg5[%get3A] {strides = array<i32>} : memref<13312xi32, #tpu.memory_space<vmem>>, vector<16xi32>,
      %get3A_203 = vector.shape_cast %get3A_202 : vector<16xi32> to vector<16xi32>
      %add3A_204 = arith.addi %get3A_203, %mul3A_12 : vector<16xi32>
      %swap3A = arith.index_cast %multiple_of3A_201 : i32 to index
      %swap3A_205 = tpu.vector_load %arg5[%swap3A] {strides = array<i32>} : memref<13312xi32, #tpu.memory_space<vmem>>, vector<16xi32>,
      %swap3A_206 = vector.shape_cast %swap3A_205 : vector<16xi32> to vector<16xi32>
      %swap3A_207 = vector.shape_cast %add3A_204 : vector<16xi32> to vector<16xi32>
      tpu.vector_store %arg5[%swap3A], %swap3A_207 {strides = array<i32>} : memref<13312xi32, #tpu.memory_space<vmem>>, vector<16xi32>,
      %add3A_208 = arith.constant 1 : i32
      %add3A_209 = arith.addi %mul3A_196, %add3A_208 : i32
      %mul3A_210 = arith.constant 16 : i32
      %mul3A_211 = arith.muli %add3A_209, %mul3A_210 : i32
      %multiple_of3A_212 = tpu.assume_multiple %mul3A_211, 16 : i32
      %get3A_213 = arith.index_cast %multiple_of3A_212 : i32 to index
      %get3A_214 = tpu.vector_load %arg5[%get3A_213] {strides = array<i32>} : memref<13312xi32, #tpu.memory_space<vmem>>, vector<16xi32>,
      %get3A_215 = vector.shape_cast %get3A_214 : vector<16xi32> to vector<16xi32>
      %add3A_216 = arith.addi %get3A_215, %mul3A_21 : vector<16xi32>
      %swap3A_217 = arith.index_cast %multiple_of3A_212 : i32 to index
      %swap3A_218 = tpu.vector_load %arg5[%swap3A_217] {strides = array<i32>} : memref<13312xi32, #tpu.memory_space<vmem>>, vector<16xi32>,
      %swap3A_219 = vector.shape_cast %swap3A_218 : vector<16xi32> to vector<16xi32>
      %swap3A_220 = vector.shape_cast %add3A_216 : vector<16xi32> to vector<16xi32>
      tpu.vector_store %arg5[%swap3A_217], %swap3A_220 {strides = array<i32>} : memref<13312xi32, #tpu.memory_space<vmem>>, vector<16xi32>,
      %add3A_221 = arith.constant 2 : i32
      %add3A_222 = arith.addi %mul3A_196, %add3A_221 : i32
      %mul3A_223 = arith.constant 16 : i32
      %mul3A_224 = arith.muli %add3A_222, %mul3A_223 : i32
      %multiple_of3A_225 = tpu.assume_multiple %mul3A_224, 16 : i32
      %get3A_226 = arith.index_cast %multiple_of3A_225 : i32 to index
      %get3A_227 = tpu.vector_load %arg5[%get3A_226] {strides = array<i32>} : memref<13312xi32, #tpu.memory_space<vmem>>, vector<16xi32>,
      %get3A_228 = vector.shape_cast %get3A_227 : vector<16xi32> to vector<16xi32>
      %add3A_229 = arith.addi %get3A_228, %mul3A_30 : vector<16xi32>
      %swap3A_230 = arith.index_cast %multiple_of3A_225 : i32 to index
      %swap3A_231 = tpu.vector_load %arg5[%swap3A_230] {strides = array<i32>} : memref<13312xi32, #tpu.memory_space<vmem>>, vector<16xi32>,
      %swap3A_232 = vector.shape_cast %swap3A_231 : vector<16xi32> to vector<16xi32>
      %swap3A_233 = vector.shape_cast %add3A_229 : vector<16xi32> to vector<16xi32>
      tpu.vector_store %arg5[%swap3A_230], %swap3A_233 {strides = array<i32>} : memref<13312xi32, #tpu.memory_space<vmem>>, vector<16xi32>,
      %add3A_234 = arith.constant 3 : i32
      %add3A_235 = arith.addi %mul3A_196, %add3A_234 : i32
      %mul3A_236 = arith.constant 16 : i32
      %mul3A_237 = arith.muli %add3A_235, %mul3A_236 : i32
      %multiple_of3A_238 = tpu.assume_multiple %mul3A_237, 16 : i32
      %get3A_239 = arith.index_cast %multiple_of3A_238 : i32 to index
      %get3A_240 = tpu.vector_load %arg5[%get3A_239] {strides = array<i32>} : memref<13312xi32, #tpu.memory_space<vmem>>, vector<16xi32>,
      %get3A_241 = vector.shape_cast %get3A_240 : vector<16xi32> to vector<16xi32>
      %add3A_242 = arith.addi %get3A_241, %mul3A_39 : vector<16xi32>
      %swap3A_243 = arith.index_cast %multiple_of3A_238 : i32 to index
      %swap3A_244 = tpu.vector_load %arg5[%swap3A_243] {strides = array<i32>} : memref<13312xi32, #tpu.memory_space<vmem>>, vector<16xi32>,
      %swap3A_245 = vector.shape_cast %swap3A_244 : vector<16xi32> to vector<16xi32>
      %swap3A_246 = vector.shape_cast %add3A_242 : vector<16xi32> to vector<16xi32>
      tpu.vector_store %arg5[%swap3A_243], %swap3A_246 {strides = array<i32>} : memref<13312xi32, #tpu.memory_space<vmem>>, vector<16xi32>,
      %add3A_247 = arith.constant 4 : i32
      %add3A_248 = arith.addi %mul3A_196, %add3A_247 : i32
      %mul3A_249 = arith.constant 16 : i32
      %mul3A_250 = arith.muli %add3A_248, %mul3A_249 : i32
      %multiple_of3A_251 = tpu.assume_multiple %mul3A_250, 16 : i32
      %get3A_252 = arith.index_cast %multiple_of3A_251 : i32 to index
      %get3A_253 = tpu.vector_load %arg5[%get3A_252] {strides = array<i32>} : memref<13312xi32, #tpu.memory_space<vmem>>, vector<16xi32>,
      %get3A_254 = vector.shape_cast %get3A_253 : vector<16xi32> to vector<16xi32>
      %add3A_255 = arith.addi %get3A_254, %mul3A_48 : vector<16xi32>
      %swap3A_256 = arith.index_cast %multiple_of3A_251 : i32 to index
      %swap3A_257 = tpu.vector_load %arg5[%swap3A_256] {strides = array<i32>} : memref<13312xi32, #tpu.memory_space<vmem>>, vector<16xi32>,
      %swap3A_258 = vector.shape_cast %swap3A_257 : vector<16xi32> to vector<16xi32>
      %swap3A_259 = vector.shape_cast %add3A_255 : vector<16xi32> to vector<16xi32>
      tpu.vector_store %arg5[%swap3A_256], %swap3A_259 {strides = array<i32>} : memref<13312xi32, #tpu.memory_space<vmem>>, vector<16xi32>,
      %add3A_260 = arith.constant 5 : i32
      %add3A_261 = arith.addi %mul3A_196, %add3A_260 : i32
      %mul3A_262 = arith.constant 16 : i32
      %mul3A_263 = arith.muli %add3A_261, %mul3A_262 : i32
      %multiple_of3A_264 = tpu.assume_multiple %mul3A_263, 16 : i32
      %get3A_265 = arith.index_cast %multiple_of3A_264 : i32 to index
      %get3A_266 = tpu.vector_load %arg5[%get3A_265] {strides = array<i32>} : memref<13312xi32, #tpu.memory_space<vmem>>, vector<16xi32>,
      %get3A_267 = vector.shape_cast %get3A_266 : vector<16xi32> to vector<16xi32>
      %add3A_268 = arith.addi %get3A_267, %mul3A_57 : vector<16xi32>
      %swap3A_269 = arith.index_cast %multiple_of3A_264 : i32 to index
      %swap3A_270 = tpu.vector_load %arg5[%swap3A_269] {strides = array<i32>} : memref<13312xi32, #tpu.memory_space<vmem>>, vector<16xi32>,
      %swap3A_271 = vector.shape_cast %swap3A_270 : vector<16xi32> to vector<16xi32>
      %swap3A_272 = vector.shape_cast %add3A_268 : vector<16xi32> to vector<16xi32>
      tpu.vector_store %arg5[%swap3A_269], %swap3A_272 {strides = array<i32>} : memref<13312xi32, #tpu.memory_space<vmem>>, vector<16xi32>,
      %add3A_273 = arith.constant 6 : i32
      %add3A_274 = arith.addi %mul3A_196, %add3A_273 : i32
      %mul3A_275 = arith.constant 16 : i32
      %mul3A_276 = arith.muli %add3A_274, %mul3A_275 : i32
      %multiple_of3A_277 = tpu.assume_multiple %mul3A_276, 16 : i32
      %get3A_278 = arith.index_cast %multiple_of3A_277 : i32 to index
      %get3A_279 = tpu.vector_load %arg5[%get3A_278] {strides = array<i32>} : memref<13312xi32, #tpu.memory_space<vmem>>, vector<16xi32>,
      %get3A_280 = vector.shape_cast %get3A_279 : vector<16xi32> to vector<16xi32>
      %add3A_281 = arith.addi %get3A_280, %mul3A_66 : vector<16xi32>
      %swap3A_282 = arith.index_cast %multiple_of3A_277 : i32 to index
      %swap3A_283 = tpu.vector_load %arg5[%swap3A_282] {strides = array<i32>} : memref<13312xi32, #tpu.memory_space<vmem>>, vector<16xi32>,
      %swap3A_284 = vector.shape_cast %swap3A_283 : vector<16xi32> to vector<16xi32>
      %swap3A_285 = vector.shape_cast %add3A_281 : vector<16xi32> to vector<16xi32>
      tpu.vector_store %arg5[%swap3A_282], %swap3A_285 {strides = array<i32>} : memref<13312xi32, #tpu.memory_space<vmem>>, vector<16xi32>,
      %add3A_286 = arith.constant 7 : i32
      %add3A_287 = arith.addi %mul3A_196, %add3A_286 : i32
      %mul3A_288 = arith.constant 16 : i32
      %mul3A_289 = arith.muli %add3A_287, %mul3A_288 : i32
      %multiple_of3A_290 = tpu.assume_multiple %mul3A_289, 16 : i32
      %get3A_291 = arith.index_cast %multiple_of3A_290 : i32 to index
      %get3A_292 = tpu.vector_load %arg5[%get3A_291] {strides = array<i32>} : memref<13312xi32, #tpu.memory_space<vmem>>, vector<16xi32>,
      %get3A_293 = vector.shape_cast %get3A_292 : vector<16xi32> to vector<16xi32>
      %add3A_294 = arith.addi %get3A_293, %mul3A_75 : vector<16xi32>
      %swap3A_295 = arith.index_cast %multiple_of3A_290 : i32 to index
      %swap3A_296 = tpu.vector_load %arg5[%swap3A_295] {strides = array<i32>} : memref<13312xi32, #tpu.memory_space<vmem>>, vector<16xi32>,
      %swap3A_297 = vector.shape_cast %swap3A_296 : vector<16xi32> to vector<16xi32>
      %swap3A_298 = vector.shape_cast %add3A_294 : vector<16xi32> to vector<16xi32>
      tpu.vector_store %arg5[%swap3A_295], %swap3A_298 {strides = array<i32>} : memref<13312xi32, #tpu.memory_space<vmem>>, vector<16xi32>,
      %add3A_299 = arith.constant 8 : i32
      %add3A_300 = arith.addi %mul3A_196, %add3A_299 : i32
      %mul3A_301 = arith.constant 16 : i32
      %mul3A_302 = arith.muli %add3A_300, %mul3A_301 : i32
      %multiple_of3A_303 = tpu.assume_multiple %mul3A_302, 16 : i32
      %get3A_304 = arith.index_cast %multiple_of3A_303 : i32 to index
      %get3A_305 = tpu.vector_load %arg5[%get3A_304] {strides = array<i32>} : memref<13312xi32, #tpu.memory_space<vmem>>, vector<16xi32>,
      %get3A_306 = vector.shape_cast %get3A_305 : vector<16xi32> to vector<16xi32>
      %add3A_307 = arith.addi %get3A_306, %mul3A_84 : vector<16xi32>
      %swap3A_308 = arith.index_cast %multiple_of3A_303 : i32 to index
      %swap3A_309 = tpu.vector_load %arg5[%swap3A_308] {strides = array<i32>} : memref<13312xi32, #tpu.memory_space<vmem>>, vector<16xi32>,
      %swap3A_310 = vector.shape_cast %swap3A_309 : vector<16xi32> to vector<16xi32>
      %swap3A_311 = vector.shape_cast %add3A_307 : vector<16xi32> to vector<16xi32>
      tpu.vector_store %arg5[%swap3A_308], %swap3A_311 {strides = array<i32>} : memref<13312xi32, #tpu.memory_space<vmem>>, vector<16xi32>,
      %add3A_312 = arith.constant 9 : i32
      %add3A_313 = arith.addi %mul3A_196, %add3A_312 : i32
      %mul3A_314 = arith.constant 16 : i32
      %mul3A_315 = arith.muli %add3A_313, %mul3A_314 : i32
      %multiple_of3A_316 = tpu.assume_multiple %mul3A_315, 16 : i32
      %get3A_317 = arith.index_cast %multiple_of3A_316 : i32 to index
      %get3A_318 = tpu.vector_load %arg5[%get3A_317] {strides = array<i32>} : memref<13312xi32, #tpu.memory_space<vmem>>, vector<16xi32>,
      %get3A_319 = vector.shape_cast %get3A_318 : vector<16xi32> to vector<16xi32>
      %add3A_320 = arith.addi %get3A_319, %mul3A_93 : vector<16xi32>
      %swap3A_321 = arith.index_cast %multiple_of3A_316 : i32 to index
      %swap3A_322 = tpu.vector_load %arg5[%swap3A_321] {strides = array<i32>} : memref<13312xi32, #tpu.memory_space<vmem>>, vector<16xi32>,
      %swap3A_323 = vector.shape_cast %swap3A_322 : vector<16xi32> to vector<16xi32>
      %swap3A_324 = vector.shape_cast %add3A_320 : vector<16xi32> to vector<16xi32>
      tpu.vector_store %arg5[%swap3A_321], %swap3A_324 {strides = array<i32>} : memref<13312xi32, #tpu.memory_space<vmem>>, vector<16xi32>,
      %add3A_325 = arith.constant 10 : i32
      %add3A_326 = arith.addi %mul3A_196, %add3A_325 : i32
      %mul3A_327 = arith.constant 16 : i32
      %mul3A_328 = arith.muli %add3A_326, %mul3A_327 : i32
      %multiple_of3A_329 = tpu.assume_multiple %mul3A_328, 16 : i32
      %get3A_330 = arith.index_cast %multiple_of3A_329 : i32 to index
      %get3A_331 = tpu.vector_load %arg5[%get3A_330] {strides = array<i32>} : memref<13312xi32, #tpu.memory_space<vmem>>, vector<16xi32>,
      %get3A_332 = vector.shape_cast %get3A_331 : vector<16xi32> to vector<16xi32>
      %add3A_333 = arith.addi %get3A_332, %mul3A_102 : vector<16xi32>
      %swap3A_334 = arith.index_cast %multiple_of3A_329 : i32 to index
      %swap3A_335 = tpu.vector_load %arg5[%swap3A_334] {strides = array<i32>} : memref<13312xi32, #tpu.memory_space<vmem>>, vector<16xi32>,
      %swap3A_336 = vector.shape_cast %swap3A_335 : vector<16xi32> to vector<16xi32>
      %swap3A_337 = vector.shape_cast %add3A_333 : vector<16xi32> to vector<16xi32>
      tpu.vector_store %arg5[%swap3A_334], %swap3A_337 {strides = array<i32>} : memref<13312xi32, #tpu.memory_space<vmem>>, vector<16xi32>,
      %add3A_338 = arith.constant 11 : i32
      %add3A_339 = arith.addi %mul3A_196, %add3A_338 : i32
      %mul3A_340 = arith.constant 16 : i32
      %mul3A_341 = arith.muli %add3A_339, %mul3A_340 : i32
      %multiple_of3A_342 = tpu.assume_multiple %mul3A_341, 16 : i32
      %get3A_343 = arith.index_cast %multiple_of3A_342 : i32 to index
      %get3A_344 = tpu.vector_load %arg5[%get3A_343] {strides = array<i32>} : memref<13312xi32, #tpu.memory_space<vmem>>, vector<16xi32>,
      %get3A_345 = vector.shape_cast %get3A_344 : vector<16xi32> to vector<16xi32>
      %add3A_346 = arith.addi %get3A_345, %mul3A_111 : vector<16xi32>
      %swap3A_347 = arith.index_cast %multiple_of3A_342 : i32 to index
      %swap3A_348 = tpu.vector_load %arg5[%swap3A_347] {strides = array<i32>} : memref<13312xi32, #tpu.memory_space<vmem>>, vector<16xi32>,
      %swap3A_349 = vector.shape_cast %swap3A_348 : vector<16xi32> to vector<16xi32>
      %swap3A_350 = vector.shape_cast %add3A_346 : vector<16xi32> to vector<16xi32>
      tpu.vector_store %arg5[%swap3A_347], %swap3A_350 {strides = array<i32>} : memref<13312xi32, #tpu.memory_space<vmem>>, vector<16xi32>,
      %add3A_351 = arith.constant 12 : i32
      %add3A_352 = arith.addi %mul3A_196, %add3A_351 : i32
      %mul3A_353 = arith.constant 16 : i32
      %mul3A_354 = arith.muli %add3A_352, %mul3A_353 : i32
      %multiple_of3A_355 = tpu.assume_multiple %mul3A_354, 16 : i32
      %get3A_356 = arith.index_cast %multiple_of3A_355 : i32 to index
      %get3A_357 = tpu.vector_load %arg5[%get3A_356] {strides = array<i32>} : memref<13312xi32, #tpu.memory_space<vmem>>, vector<16xi32>,
      %get3A_358 = vector.shape_cast %get3A_357 : vector<16xi32> to vector<16xi32>
      %add3A_359 = arith.addi %get3A_358, %mul3A_120 : vector<16xi32>
      %swap3A_360 = arith.index_cast %multiple_of3A_355 : i32 to index
      %swap3A_361 = tpu.vector_load %arg5[%swap3A_360] {strides = array<i32>} : memref<13312xi32, #tpu.memory_space<vmem>>, vector<16xi32>,
      %swap3A_362 = vector.shape_cast %swap3A_361 : vector<16xi32> to vector<16xi32>
      %swap3A_363 = vector.shape_cast %add3A_359 : vector<16xi32> to vector<16xi32>
      tpu.vector_store %arg5[%swap3A_360], %swap3A_363 {strides = array<i32>} : memref<13312xi32, #tpu.memory_space<vmem>>, vector<16xi32>,
      %add3A_364 = arith.constant 13 : i32
      %add3A_365 = arith.addi %mul3A_196, %add3A_364 : i32
      %mul3A_366 = arith.constant 16 : i32
      %mul3A_367 = arith.muli %add3A_365, %mul3A_366 : i32
      %multiple_of3A_368 = tpu.assume_multiple %mul3A_367, 16 : i32
      %get3A_369 = arith.index_cast %multiple_of3A_368 : i32 to index
      %get3A_370 = tpu.vector_load %arg5[%get3A_369] {strides = array<i32>} : memref<13312xi32, #tpu.memory_space<vmem>>, vector<16xi32>,
      %get3A_371 = vector.shape_cast %get3A_370 : vector<16xi32> to vector<16xi32>
      %add3A_372 = arith.addi %get3A_371, %mul3A_12 : vector<16xi32>
      %swap3A_373 = arith.index_cast %multiple_of3A_368 : i32 to index
      %swap3A_374 = tpu.vector_load %arg5[%swap3A_373] {strides = array<i32>} : memref<13312xi32, #tpu.memory_space<vmem>>, vector<16xi32>,
      %swap3A_375 = vector.shape_cast %swap3A_374 : vector<16xi32> to vector<16xi32>
      %swap3A_376 = vector.shape_cast %add3A_372 : vector<16xi32> to vector<16xi32>
      tpu.vector_store %arg5[%swap3A_373], %swap3A_376 {strides = array<i32>} : memref<13312xi32, #tpu.memory_space<vmem>>, vector<16xi32>,
      %add3A_377 = arith.constant 14 : i32
      %add3A_378 = arith.addi %mul3A_196, %add3A_377 : i32
      %mul3A_379 = arith.constant 16 : i32
      %mul3A_380 = arith.muli %add3A_378, %mul3A_379 : i32
      %multiple_of3A_381 = tpu.assume_multiple %mul3A_380, 16 : i32
      %get3A_382 = arith.index_cast %multiple_of3A_381 : i32 to index
      %get3A_383 = tpu.vector_load %arg5[%get3A_382] {strides = array<i32>} : memref<13312xi32, #tpu.memory_space<vmem>>, vector<16xi32>,
      %get3A_384 = vector.shape_cast %get3A_383 : vector<16xi32> to vector<16xi32>
      %add3A_385 = arith.addi %get3A_384, %mul3A_21 : vector<16xi32>
      %swap3A_386 = arith.index_cast %multiple_of3A_381 : i32 to index
      %swap3A_387 = tpu.vector_load %arg5[%swap3A_386] {strides = array<i32>} : memref<13312xi32, #tpu.memory_space<vmem>>, vector<16xi32>,
      %swap3A_388 = vector.shape_cast %swap3A_387 : vector<16xi32> to vector<16xi32>
      %swap3A_389 = vector.shape_cast %add3A_385 : vector<16xi32> to vector<16xi32>
      tpu.vector_store %arg5[%swap3A_386], %swap3A_389 {strides = array<i32>} : memref<13312xi32, #tpu.memory_space<vmem>>, vector<16xi32>,
      %add3A_390 = arith.constant 15 : i32
      %add3A_391 = arith.addi %mul3A_196, %add3A_390 : i32
      %mul3A_392 = arith.constant 16 : i32
      %mul3A_393 = arith.muli %add3A_391, %mul3A_392 : i32
      %multiple_of3A_394 = tpu.assume_multiple %mul3A_393, 16 : i32
      %get3A_395 = arith.index_cast %multiple_of3A_394 : i32 to index
      %get3A_396 = tpu.vector_load %arg5[%get3A_395] {strides = array<i32>} : memref<13312xi32, #tpu.memory_space<vmem>>, vector<16xi32>,
      %get3A_397 = vector.shape_cast %get3A_396 : vector<16xi32> to vector<16xi32>
      %add3A_398 = arith.addi %get3A_397, %mul3A_30 : vector<16xi32>
      %swap3A_399 = arith.index_cast %multiple_of3A_394 : i32 to index
      %swap3A_400 = tpu.vector_load %arg5[%swap3A_399] {strides = array<i32>} : memref<13312xi32, #tpu.memory_space<vmem>>, vector<16xi32>,
      %swap3A_401 = vector.shape_cast %swap3A_400 : vector<16xi32> to vector<16xi32>
      %swap3A_402 = vector.shape_cast %add3A_398 : vector<16xi32> to vector<16xi32>
      tpu.vector_store %arg5[%swap3A_399], %swap3A_402 {strides = array<i32>} : memref<13312xi32, #tpu.memory_space<vmem>>, vector<16xi32>,
      %add3A_403 = arith.constant 16 : i32
      %add3A_404 = arith.addi %mul3A_196, %add3A_403 : i32
      %mul3A_405 = arith.constant 16 : i32
      %mul3A_406 = arith.muli %add3A_404, %mul3A_405 : i32
      %multiple_of3A_407 = tpu.assume_multiple %mul3A_406, 16 : i32
      %get3A_408 = arith.index_cast %multiple_of3A_407 : i32 to index
      %get3A_409 = tpu.vector_load %arg5[%get3A_408] {strides = array<i32>} : memref<13312xi32, #tpu.memory_space<vmem>>, vector<16xi32>,
      %get3A_410 = vector.shape_cast %get3A_409 : vector<16xi32> to vector<16xi32>
      %add3A_411 = arith.addi %get3A_410, %mul3A_39 : vector<16xi32>
      %swap3A_412 = arith.index_cast %multiple_of3A_407 : i32 to index
      %swap3A_413 = tpu.vector_load %arg5[%swap3A_412] {strides = array<i32>} : memref<13312xi32, #tpu.memory_space<vmem>>, vector<16xi32>,
      %swap3A_414 = vector.shape_cast %swap3A_413 : vector<16xi32> to vector<16xi32>
      %swap3A_415 = vector.shape_cast %add3A_411 : vector<16xi32> to vector<16xi32>
      tpu.vector_store %arg5[%swap3A_412], %swap3A_415 {strides = array<i32>} : memref<13312xi32, #tpu.memory_space<vmem>>, vector<16xi32>,
      %add3A_416 = arith.constant 17 : i32
      %add3A_417 = arith.addi %mul3A_196, %add3A_416 : i32
      %mul3A_418 = arith.constant 16 : i32
      %mul3A_419 = arith.muli %add3A_417, %mul3A_418 : i32
      %multiple_of3A_420 = tpu.assume_multiple %mul3A_419, 16 : i32
      %get3A_421 = arith.index_cast %multiple_of3A_420 : i32 to index
      %get3A_422 = tpu.vector_load %arg5[%get3A_421] {strides = array<i32>} : memref<13312xi32, #tpu.memory_space<vmem>>, vector<16xi32>,
      %get3A_423 = vector.shape_cast %get3A_422 : vector<16xi32> to vector<16xi32>
      %add3A_424 = arith.addi %get3A_423, %mul3A_48 : vector<16xi32>
      %swap3A_425 = arith.index_cast %multiple_of3A_420 : i32 to index
      %swap3A_426 = tpu.vector_load %arg5[%swap3A_425] {strides = array<i32>} : memref<13312xi32, #tpu.memory_space<vmem>>, vector<16xi32>,
      %swap3A_427 = vector.shape_cast %swap3A_426 : vector<16xi32> to vector<16xi32>
      %swap3A_428 = vector.shape_cast %add3A_424 : vector<16xi32> to vector<16xi32>
      tpu.vector_store %arg5[%swap3A_425], %swap3A_428 {strides = array<i32>} : memref<13312xi32, #tpu.memory_space<vmem>>, vector<16xi32>,
      %add3A_429 = arith.constant 18 : i32
      %add3A_430 = arith.addi %mul3A_196, %add3A_429 : i32
      %mul3A_431 = arith.constant 16 : i32
      %mul3A_432 = arith.muli %add3A_430, %mul3A_431 : i32
      %multiple_of3A_433 = tpu.assume_multiple %mul3A_432, 16 : i32
      %get3A_434 = arith.index_cast %multiple_of3A_433 : i32 to index
      %get3A_435 = tpu.vector_load %arg5[%get3A_434] {strides = array<i32>} : memref<13312xi32, #tpu.memory_space<vmem>>, vector<16xi32>,
      %get3A_436 = vector.shape_cast %get3A_435 : vector<16xi32> to vector<16xi32>
      %add3A_437 = arith.addi %get3A_436, %mul3A_57 : vector<16xi32>
      %swap3A_438 = arith.index_cast %multiple_of3A_433 : i32 to index
      %swap3A_439 = tpu.vector_load %arg5[%swap3A_438] {strides = array<i32>} : memref<13312xi32, #tpu.memory_space<vmem>>, vector<16xi32>,
      %swap3A_440 = vector.shape_cast %swap3A_439 : vector<16xi32> to vector<16xi32>
      %swap3A_441 = vector.shape_cast %add3A_437 : vector<16xi32> to vector<16xi32>
      tpu.vector_store %arg5[%swap3A_438], %swap3A_441 {strides = array<i32>} : memref<13312xi32, #tpu.memory_space<vmem>>, vector<16xi32>,
      %add3A_442 = arith.constant 19 : i32
      %add3A_443 = arith.addi %mul3A_196, %add3A_442 : i32
      %mul3A_444 = arith.constant 16 : i32
      %mul3A_445 = arith.muli %add3A_443, %mul3A_444 : i32
      %multiple_of3A_446 = tpu.assume_multiple %mul3A_445, 16 : i32
      %get3A_447 = arith.index_cast %multiple_of3A_446 : i32 to index
      %get3A_448 = tpu.vector_load %arg5[%get3A_447] {strides = array<i32>} : memref<13312xi32, #tpu.memory_space<vmem>>, vector<16xi32>,
      %get3A_449 = vector.shape_cast %get3A_448 : vector<16xi32> to vector<16xi32>
      %add3A_450 = arith.addi %get3A_449, %mul3A_66 : vector<16xi32>
      %swap3A_451 = arith.index_cast %multiple_of3A_446 : i32 to index
      %swap3A_452 = tpu.vector_load %arg5[%swap3A_451] {strides = array<i32>} : memref<13312xi32, #tpu.memory_space<vmem>>, vector<16xi32>,
      %swap3A_453 = vector.shape_cast %swap3A_452 : vector<16xi32> to vector<16xi32>
      %swap3A_454 = vector.shape_cast %add3A_450 : vector<16xi32> to vector<16xi32>
      tpu.vector_store %arg5[%swap3A_451], %swap3A_454 {strides = array<i32>} : memref<13312xi32, #tpu.memory_space<vmem>>, vector<16xi32>,
      %add3A_455 = arith.constant 20 : i32
      %add3A_456 = arith.addi %mul3A_196, %add3A_455 : i32
      %mul3A_457 = arith.constant 16 : i32
      %mul3A_458 = arith.muli %add3A_456, %mul3A_457 : i32
      %multiple_of3A_459 = tpu.assume_multiple %mul3A_458, 16 : i32
      %get3A_460 = arith.index_cast %multiple_of3A_459 : i32 to index
      %get3A_461 = tpu.vector_load %arg5[%get3A_460] {strides = array<i32>} : memref<13312xi32, #tpu.memory_space<vmem>>, vector<16xi32>,
      %get3A_462 = vector.shape_cast %get3A_461 : vector<16xi32> to vector<16xi32>
      %add3A_463 = arith.addi %get3A_462, %mul3A_75 : vector<16xi32>
      %swap3A_464 = arith.index_cast %multiple_of3A_459 : i32 to index
      %swap3A_465 = tpu.vector_load %arg5[%swap3A_464] {strides = array<i32>} : memref<13312xi32, #tpu.memory_space<vmem>>, vector<16xi32>,
      %swap3A_466 = vector.shape_cast %swap3A_465 : vector<16xi32> to vector<16xi32>
      %swap3A_467 = vector.shape_cast %add3A_463 : vector<16xi32> to vector<16xi32>
      tpu.vector_store %arg5[%swap3A_464], %swap3A_467 {strides = array<i32>} : memref<13312xi32, #tpu.memory_space<vmem>>, vector<16xi32>,
      %add3A_468 = arith.constant 21 : i32
      %add3A_469 = arith.addi %mul3A_196, %add3A_468 : i32
      %mul3A_470 = arith.constant 16 : i32
      %mul3A_471 = arith.muli %add3A_469, %mul3A_470 : i32
      %multiple_of3A_472 = tpu.assume_multiple %mul3A_471, 16 : i32
      %get3A_473 = arith.index_cast %multiple_of3A_472 : i32 to index
      %get3A_474 = tpu.vector_load %arg5[%get3A_473] {strides = array<i32>} : memref<13312xi32, #tpu.memory_space<vmem>>, vector<16xi32>,
      %get3A_475 = vector.shape_cast %get3A_474 : vector<16xi32> to vector<16xi32>
      %add3A_476 = arith.addi %get3A_475, %mul3A_84 : vector<16xi32>
      %swap3A_477 = arith.index_cast %multiple_of3A_472 : i32 to index
      %swap3A_478 = tpu.vector_load %arg5[%swap3A_477] {strides = array<i32>} : memref<13312xi32, #tpu.memory_space<vmem>>, vector<16xi32>,
      %swap3A_479 = vector.shape_cast %swap3A_478 : vector<16xi32> to vector<16xi32>
      %swap3A_480 = vector.shape_cast %add3A_476 : vector<16xi32> to vector<16xi32>
      tpu.vector_store %arg5[%swap3A_477], %swap3A_480 {strides = array<i32>} : memref<13312xi32, #tpu.memory_space<vmem>>, vector<16xi32>,
      %add3A_481 = arith.constant 22 : i32
      %add3A_482 = arith.addi %mul3A_196, %add3A_481 : i32
      %mul3A_483 = arith.constant 16 : i32
      %mul3A_484 = arith.muli %add3A_482, %mul3A_483 : i32
      %multiple_of3A_485 = tpu.assume_multiple %mul3A_484, 16 : i32
      %get3A_486 = arith.index_cast %multiple_of3A_485 : i32 to index
      %get3A_487 = tpu.vector_load %arg5[%get3A_486] {strides = array<i32>} : memref<13312xi32, #tpu.memory_space<vmem>>, vector<16xi32>,
      %get3A_488 = vector.shape_cast %get3A_487 : vector<16xi32> to vector<16xi32>
      %add3A_489 = arith.addi %get3A_488, %mul3A_93 : vector<16xi32>
      %swap3A_490 = arith.index_cast %multiple_of3A_485 : i32 to index
      %swap3A_491 = tpu.vector_load %arg5[%swap3A_490] {strides = array<i32>} : memref<13312xi32, #tpu.memory_space<vmem>>, vector<16xi32>,
      %swap3A_492 = vector.shape_cast %swap3A_491 : vector<16xi32> to vector<16xi32>
      %swap3A_493 = vector.shape_cast %add3A_489 : vector<16xi32> to vector<16xi32>
      tpu.vector_store %arg5[%swap3A_490], %swap3A_493 {strides = array<i32>} : memref<13312xi32, #tpu.memory_space<vmem>>, vector<16xi32>,
      %add3A_494 = arith.constant 23 : i32
      %add3A_495 = arith.addi %mul3A_196, %add3A_494 : i32
      %mul3A_496 = arith.constant 16 : i32
      %mul3A_497 = arith.muli %add3A_495, %mul3A_496 : i32
      %multiple_of3A_498 = tpu.assume_multiple %mul3A_497, 16 : i32
      %get3A_499 = arith.index_cast %multiple_of3A_498 : i32 to index
      %get3A_500 = tpu.vector_load %arg5[%get3A_499] {strides = array<i32>} : memref<13312xi32, #tpu.memory_space<vmem>>, vector<16xi32>,
      %get3A_501 = vector.shape_cast %get3A_500 : vector<16xi32> to vector<16xi32>
      %add3A_502 = arith.addi %get3A_501, %mul3A_102 : vector<16xi32>
      %swap3A_503 = arith.index_cast %multiple_of3A_498 : i32 to index
      %swap3A_504 = tpu.vector_load %arg5[%swap3A_503] {strides = array<i32>} : memref<13312xi32, #tpu.memory_space<vmem>>, vector<16xi32>,
      %swap3A_505 = vector.shape_cast %swap3A_504 : vector<16xi32> to vector<16xi32>
      %swap3A_506 = vector.shape_cast %add3A_502 : vector<16xi32> to vector<16xi32>
      tpu.vector_store %arg5[%swap3A_503], %swap3A_506 {strides = array<i32>} : memref<13312xi32, #tpu.memory_space<vmem>>, vector<16xi32>,
      %add3A_507 = arith.constant 24 : i32
      %add3A_508 = arith.addi %mul3A_196, %add3A_507 : i32
      %mul3A_509 = arith.constant 16 : i32
      %mul3A_510 = arith.muli %add3A_508, %mul3A_509 : i32
      %multiple_of3A_511 = tpu.assume_multiple %mul3A_510, 16 : i32
      %get3A_512 = arith.index_cast %multiple_of3A_511 : i32 to index
      %get3A_513 = tpu.vector_load %arg5[%get3A_512] {strides = array<i32>} : memref<13312xi32, #tpu.memory_space<vmem>>, vector<16xi32>,
      %get3A_514 = vector.shape_cast %get3A_513 : vector<16xi32> to vector<16xi32>
      %add3A_515 = arith.addi %get3A_514, %mul3A_111 : vector<16xi32>
      %swap3A_516 = arith.index_cast %multiple_of3A_511 : i32 to index
      %swap3A_517 = tpu.vector_load %arg5[%swap3A_516] {strides = array<i32>} : memref<13312xi32, #tpu.memory_space<vmem>>, vector<16xi32>,
      %swap3A_518 = vector.shape_cast %swap3A_517 : vector<16xi32> to vector<16xi32>
      %swap3A_519 = vector.shape_cast %add3A_515 : vector<16xi32> to vector<16xi32>
      tpu.vector_store %arg5[%swap3A_516], %swap3A_519 {strides = array<i32>} : memref<13312xi32, #tpu.memory_space<vmem>>, vector<16xi32>,
      %add3A_520 = arith.constant 25 : i32
      %add3A_521 = arith.addi %mul3A_196, %add3A_520 : i32
      %mul3A_522 = arith.constant 16 : i32
      %mul3A_523 = arith.muli %add3A_521, %mul3A_522 : i32
      %multiple_of3A_524 = tpu.assume_multiple %mul3A_523, 16 : i32
      %get3A_525 = arith.index_cast %multiple_of3A_524 : i32 to index
      %get3A_526 = tpu.vector_load %arg5[%get3A_525] {strides = array<i32>} : memref<13312xi32, #tpu.memory_space<vmem>>, vector<16xi32>,
      %get3A_527 = vector.shape_cast %get3A_526 : vector<16xi32> to vector<16xi32>
      %add3A_528 = arith.addi %get3A_527, %mul3A_120 : vector<16xi32>
      %swap3A_529 = arith.index_cast %multiple_of3A_524 : i32 to index
      %swap3A_530 = tpu.vector_load %arg5[%swap3A_529] {strides = array<i32>} : memref<13312xi32, #tpu.memory_space<vmem>>, vector<16xi32>,
      %swap3A_531 = vector.shape_cast %swap3A_530 : vector<16xi32> to vector<16xi32>
      %swap3A_532 = vector.shape_cast %add3A_528 : vector<16xi32> to vector<16xi32>
      tpu.vector_store %arg5[%swap3A_529], %swap3A_532 {strides = array<i32>} : memref<13312xi32, #tpu.memory_space<vmem>>, vector<16xi32>,
      %add3A_533 = arith.constant 26 : i32
      %add3A_534 = arith.addi %mul3A_196, %add3A_533 : i32
      %mul3A_535 = arith.constant 16 : i32
      %mul3A_536 = arith.muli %add3A_534, %mul3A_535 : i32
      %multiple_of3A_537 = tpu.assume_multiple %mul3A_536, 16 : i32
      %get3A_538 = arith.index_cast %multiple_of3A_537 : i32 to index
      %get3A_539 = tpu.vector_load %arg5[%get3A_538] {strides = array<i32>} : memref<13312xi32, #tpu.memory_space<vmem>>, vector<16xi32>,
      %get3A_540 = vector.shape_cast %get3A_539 : vector<16xi32> to vector<16xi32>
      %add3A_541 = arith.addi %get3A_540, %mul3A_12 : vector<16xi32>
      %swap3A_542 = arith.index_cast %multiple_of3A_537 : i32 to index
      %swap3A_543 = tpu.vector_load %arg5[%swap3A_542] {strides = array<i32>} : memref<13312xi32, #tpu.memory_space<vmem>>, vector<16xi32>,
      %swap3A_544 = vector.shape_cast %swap3A_543 : vector<16xi32> to vector<16xi32>
      %swap3A_545 = vector.shape_cast %add3A_541 : vector<16xi32> to vector<16xi32>
      tpu.vector_store %arg5[%swap3A_542], %swap3A_545 {strides = array<i32>} : memref<13312xi32, #tpu.memory_space<vmem>>, vector<16xi32>,
      %add3A_546 = arith.constant 27 : i32
      %add3A_547 = arith.addi %mul3A_196, %add3A_546 : i32
      %mul3A_548 = arith.constant 16 : i32
      %mul3A_549 = arith.muli %add3A_547, %mul3A_548 : i32
      %multiple_of3A_550 = tpu.assume_multiple %mul3A_549, 16 : i32
      %get3A_551 = arith.index_cast %multiple_of3A_550 : i32 to index
      %get3A_552 = tpu.vector_load %arg5[%get3A_551] {strides = array<i32>} : memref<13312xi32, #tpu.memory_space<vmem>>, vector<16xi32>,
      %get3A_553 = vector.shape_cast %get3A_552 : vector<16xi32> to vector<16xi32>
      %add3A_554 = arith.addi %get3A_553, %mul3A_21 : vector<16xi32>
      %swap3A_555 = arith.index_cast %multiple_of3A_550 : i32 to index
      %swap3A_556 = tpu.vector_load %arg5[%swap3A_555] {strides = array<i32>} : memref<13312xi32, #tpu.memory_space<vmem>>, vector<16xi32>,
      %swap3A_557 = vector.shape_cast %swap3A_556 : vector<16xi32> to vector<16xi32>
      %swap3A_558 = vector.shape_cast %add3A_554 : vector<16xi32> to vector<16xi32>
      tpu.vector_store %arg5[%swap3A_555], %swap3A_558 {strides = array<i32>} : memref<13312xi32, #tpu.memory_space<vmem>>, vector<16xi32>,
      %add3A_559 = arith.constant 28 : i32
      %add3A_560 = arith.addi %mul3A_196, %add3A_559 : i32
      %mul3A_561 = arith.constant 16 : i32
      %mul3A_562 = arith.muli %add3A_560, %mul3A_561 : i32
      %multiple_of3A_563 = tpu.assume_multiple %mul3A_562, 16 : i32
      %get3A_564 = arith.index_cast %multiple_of3A_563 : i32 to index
      %get3A_565 = tpu.vector_load %arg5[%get3A_564] {strides = array<i32>} : memref<13312xi32, #tpu.memory_space<vmem>>, vector<16xi32>,
      %get3A_566 = vector.shape_cast %get3A_565 : vector<16xi32> to vector<16xi32>
      %add3A_567 = arith.addi %get3A_566, %mul3A_30 : vector<16xi32>
      %swap3A_568 = arith.index_cast %multiple_of3A_563 : i32 to index
      %swap3A_569 = tpu.vector_load %arg5[%swap3A_568] {strides = array<i32>} : memref<13312xi32, #tpu.memory_space<vmem>>, vector<16xi32>,
      %swap3A_570 = vector.shape_cast %swap3A_569 : vector<16xi32> to vector<16xi32>
      %swap3A_571 = vector.shape_cast %add3A_567 : vector<16xi32> to vector<16xi32>
      tpu.vector_store %arg5[%swap3A_568], %swap3A_571 {strides = array<i32>} : memref<13312xi32, #tpu.memory_space<vmem>>, vector<16xi32>,
      %add3A_572 = arith.constant 29 : i32
      %add3A_573 = arith.addi %mul3A_196, %add3A_572 : i32
      %mul3A_574 = arith.constant 16 : i32
      %mul3A_575 = arith.muli %add3A_573, %mul3A_574 : i32
      %multiple_of3A_576 = tpu.assume_multiple %mul3A_575, 16 : i32
      %get3A_577 = arith.index_cast %multiple_of3A_576 : i32 to index
      %get3A_578 = tpu.vector_load %arg5[%get3A_577] {strides = array<i32>} : memref<13312xi32, #tpu.memory_space<vmem>>, vector<16xi32>,
      %get3A_579 = vector.shape_cast %get3A_578 : vector<16xi32> to vector<16xi32>
      %add3A_580 = arith.addi %get3A_579, %mul3A_39 : vector<16xi32>
      %swap3A_581 = arith.index_cast %multiple_of3A_576 : i32 to index
      %swap3A_582 = tpu.vector_load %arg5[%swap3A_581] {strides = array<i32>} : memref<13312xi32, #tpu.memory_space<vmem>>, vector<16xi32>,
      %swap3A_583 = vector.shape_cast %swap3A_582 : vector<16xi32> to vector<16xi32>
      %swap3A_584 = vector.shape_cast %add3A_580 : vector<16xi32> to vector<16xi32>
      tpu.vector_store %arg5[%swap3A_581], %swap3A_584 {strides = array<i32>} : memref<13312xi32, #tpu.memory_space<vmem>>, vector<16xi32>,
      %add3A_585 = arith.constant 30 : i32
      %add3A_586 = arith.addi %mul3A_196, %add3A_585 : i32
      %mul3A_587 = arith.constant 16 : i32
      %mul3A_588 = arith.muli %add3A_586, %mul3A_587 : i32
      %multiple_of3A_589 = tpu.assume_multiple %mul3A_588, 16 : i32
      %get3A_590 = arith.index_cast %multiple_of3A_589 : i32 to index
      %get3A_591 = tpu.vector_load %arg5[%get3A_590] {strides = array<i32>} : memref<13312xi32, #tpu.memory_space<vmem>>, vector<16xi32>,
      %get3A_592 = vector.shape_cast %get3A_591 : vector<16xi32> to vector<16xi32>
      %add3A_593 = arith.addi %get3A_592, %mul3A_48 : vector<16xi32>
      %swap3A_594 = arith.index_cast %multiple_of3A_589 : i32 to index
      %swap3A_595 = tpu.vector_load %arg5[%swap3A_594] {strides = array<i32>} : memref<13312xi32, #tpu.memory_space<vmem>>, vector<16xi32>,
      %swap3A_596 = vector.shape_cast %swap3A_595 : vector<16xi32> to vector<16xi32>
      %swap3A_597 = vector.shape_cast %add3A_593 : vector<16xi32> to vector<16xi32>
      tpu.vector_store %arg5[%swap3A_594], %swap3A_597 {strides = array<i32>} : memref<13312xi32, #tpu.memory_space<vmem>>, vector<16xi32>,
      %add3A_598 = arith.constant 31 : i32
      %add3A_599 = arith.addi %mul3A_196, %add3A_598 : i32
      %mul3A_600 = arith.constant 16 : i32
      %mul3A_601 = arith.muli %add3A_599, %mul3A_600 : i32
      %multiple_of3A_602 = tpu.assume_multiple %mul3A_601, 16 : i32
      %get3A_603 = arith.index_cast %multiple_of3A_602 : i32 to index
      %get3A_604 = tpu.vector_load %arg5[%get3A_603] {strides = array<i32>} : memref<13312xi32, #tpu.memory_space<vmem>>, vector<16xi32>,
      %get3A_605 = vector.shape_cast %get3A_604 : vector<16xi32> to vector<16xi32>
      %add3A_606 = arith.addi %get3A_605, %mul3A_57 : vector<16xi32>
      %swap3A_607 = arith.index_cast %multiple_of3A_602 : i32 to index
      %swap3A_608 = tpu.vector_load %arg5[%swap3A_607] {strides = array<i32>} : memref<13312xi32, #tpu.memory_space<vmem>>, vector<16xi32>,
      %swap3A_609 = vector.shape_cast %swap3A_608 : vector<16xi32> to vector<16xi32>
      %swap3A_610 = vector.shape_cast %add3A_606 : vector<16xi32> to vector<16xi32>
      tpu.vector_store %arg5[%swap3A_607], %swap3A_610 {strides = array<i32>} : memref<13312xi32, #tpu.memory_space<vmem>>, vector<16xi32>,
      %add3A_611 = arith.constant 32 : i32
      %add3A_612 = arith.addi %mul3A_196, %add3A_611 : i32
      %mul3A_613 = arith.constant 16 : i32
      %mul3A_614 = arith.muli %add3A_612, %mul3A_613 : i32
      %multiple_of3A_615 = tpu.assume_multiple %mul3A_614, 16 : i32
      %get3A_616 = arith.index_cast %multiple_of3A_615 : i32 to index
      %get3A_617 = tpu.vector_load %arg5[%get3A_616] {strides = array<i32>} : memref<13312xi32, #tpu.memory_space<vmem>>, vector<16xi32>,
      %get3A_618 = vector.shape_cast %get3A_617 : vector<16xi32> to vector<16xi32>
      %add3A_619 = arith.addi %get3A_618, %mul3A_66 : vector<16xi32>
      %swap3A_620 = arith.index_cast %multiple_of3A_615 : i32 to index
      %swap3A_621 = tpu.vector_load %arg5[%swap3A_620] {strides = array<i32>} : memref<13312xi32, #tpu.memory_space<vmem>>, vector<16xi32>,
      %swap3A_622 = vector.shape_cast %swap3A_621 : vector<16xi32> to vector<16xi32>
      %swap3A_623 = vector.shape_cast %add3A_619 : vector<16xi32> to vector<16xi32>
      tpu.vector_store %arg5[%swap3A_620], %swap3A_623 {strides = array<i32>} : memref<13312xi32, #tpu.memory_space<vmem>>, vector<16xi32>,
      %add3A_624 = arith.constant 33 : i32
      %add3A_625 = arith.addi %mul3A_196, %add3A_624 : i32
      %mul3A_626 = arith.constant 16 : i32
      %mul3A_627 = arith.muli %add3A_625, %mul3A_626 : i32
      %multiple_of3A_628 = tpu.assume_multiple %mul3A_627, 16 : i32
      %get3A_629 = arith.index_cast %multiple_of3A_628 : i32 to index
      %get3A_630 = tpu.vector_load %arg5[%get3A_629] {strides = array<i32>} : memref<13312xi32, #tpu.memory_space<vmem>>, vector<16xi32>,
      %get3A_631 = vector.shape_cast %get3A_630 : vector<16xi32> to vector<16xi32>
      %add3A_632 = arith.addi %get3A_631, %mul3A_75 : vector<16xi32>
      %swap3A_633 = arith.index_cast %multiple_of3A_628 : i32 to index
      %swap3A_634 = tpu.vector_load %arg5[%swap3A_633] {strides = array<i32>} : memref<13312xi32, #tpu.memory_space<vmem>>, vector<16xi32>,
      %swap3A_635 = vector.shape_cast %swap3A_634 : vector<16xi32> to vector<16xi32>
      %swap3A_636 = vector.shape_cast %add3A_632 : vector<16xi32> to vector<16xi32>
      tpu.vector_store %arg5[%swap3A_633], %swap3A_636 {strides = array<i32>} : memref<13312xi32, #tpu.memory_space<vmem>>, vector<16xi32>,
      %add3A_637 = arith.constant 34 : i32
      %add3A_638 = arith.addi %mul3A_196, %add3A_637 : i32
      %mul3A_639 = arith.constant 16 : i32
      %mul3A_640 = arith.muli %add3A_638, %mul3A_639 : i32
      %multiple_of3A_641 = tpu.assume_multiple %mul3A_640, 16 : i32
      %get3A_642 = arith.index_cast %multiple_of3A_641 : i32 to index
      %get3A_643 = tpu.vector_load %arg5[%get3A_642] {strides = array<i32>} : memref<13312xi32, #tpu.memory_space<vmem>>, vector<16xi32>,
      %get3A_644 = vector.shape_cast %get3A_643 : vector<16xi32> to vector<16xi32>
      %add3A_645 = arith.addi %get3A_644, %mul3A_84 : vector<16xi32>
      %swap3A_646 = arith.index_cast %multiple_of3A_641 : i32 to index
      %swap3A_647 = tpu.vector_load %arg5[%swap3A_646] {strides = array<i32>} : memref<13312xi32, #tpu.memory_space<vmem>>, vector<16xi32>,
      %swap3A_648 = vector.shape_cast %swap3A_647 : vector<16xi32> to vector<16xi32>
      %swap3A_649 = vector.shape_cast %add3A_645 : vector<16xi32> to vector<16xi32>
      tpu.vector_store %arg5[%swap3A_646], %swap3A_649 {strides = array<i32>} : memref<13312xi32, #tpu.memory_space<vmem>>, vector<16xi32>,
      %add3A_650 = arith.constant 35 : i32
      %add3A_651 = arith.addi %mul3A_196, %add3A_650 : i32
      %mul3A_652 = arith.constant 16 : i32
      %mul3A_653 = arith.muli %add3A_651, %mul3A_652 : i32
      %multiple_of3A_654 = tpu.assume_multiple %mul3A_653, 16 : i32
      %get3A_655 = arith.index_cast %multiple_of3A_654 : i32 to index
      %get3A_656 = tpu.vector_load %arg5[%get3A_655] {strides = array<i32>} : memref<13312xi32, #tpu.memory_space<vmem>>, vector<16xi32>,
      %get3A_657 = vector.shape_cast %get3A_656 : vector<16xi32> to vector<16xi32>
      %add3A_658 = arith.addi %get3A_657, %mul3A_93 : vector<16xi32>
      %swap3A_659 = arith.index_cast %multiple_of3A_654 : i32 to index
      %swap3A_660 = tpu.vector_load %arg5[%swap3A_659] {strides = array<i32>} : memref<13312xi32, #tpu.memory_space<vmem>>, vector<16xi32>,
      %swap3A_661 = vector.shape_cast %swap3A_660 : vector<16xi32> to vector<16xi32>
      %swap3A_662 = vector.shape_cast %add3A_658 : vector<16xi32> to vector<16xi32>
      tpu.vector_store %arg5[%swap3A_659], %swap3A_662 {strides = array<i32>} : memref<13312xi32, #tpu.memory_space<vmem>>, vector<16xi32>,
      %add3A_663 = arith.constant 36 : i32
      %add3A_664 = arith.addi %mul3A_196, %add3A_663 : i32
      %mul3A_665 = arith.constant 16 : i32
      %mul3A_666 = arith.muli %add3A_664, %mul3A_665 : i32
      %multiple_of3A_667 = tpu.assume_multiple %mul3A_666, 16 : i32
      %get3A_668 = arith.index_cast %multiple_of3A_667 : i32 to index
      %get3A_669 = tpu.vector_load %arg5[%get3A_668] {strides = array<i32>} : memref<13312xi32, #tpu.memory_space<vmem>>, vector<16xi32>,
      %get3A_670 = vector.shape_cast %get3A_669 : vector<16xi32> to vector<16xi32>
      %add3A_671 = arith.addi %get3A_670, %mul3A_102 : vector<16xi32>
      %swap3A_672 = arith.index_cast %multiple_of3A_667 : i32 to index
      %swap3A_673 = tpu.vector_load %arg5[%swap3A_672] {strides = array<i32>} : memref<13312xi32, #tpu.memory_space<vmem>>, vector<16xi32>,
      %swap3A_674 = vector.shape_cast %swap3A_673 : vector<16xi32> to vector<16xi32>
      %swap3A_675 = vector.shape_cast %add3A_671 : vector<16xi32> to vector<16xi32>
      tpu.vector_store %arg5[%swap3A_672], %swap3A_675 {strides = array<i32>} : memref<13312xi32, #tpu.memory_space<vmem>>, vector<16xi32>,
      %add3A_676 = arith.constant 37 : i32
      %add3A_677 = arith.addi %mul3A_196, %add3A_676 : i32
      %mul3A_678 = arith.constant 16 : i32
      %mul3A_679 = arith.muli %add3A_677, %mul3A_678 : i32
      %multiple_of3A_680 = tpu.assume_multiple %mul3A_679, 16 : i32
      %get3A_681 = arith.index_cast %multiple_of3A_680 : i32 to index
      %get3A_682 = tpu.vector_load %arg5[%get3A_681] {strides = array<i32>} : memref<13312xi32, #tpu.memory_space<vmem>>, vector<16xi32>,
      %get3A_683 = vector.shape_cast %get3A_682 : vector<16xi32> to vector<16xi32>
      %add3A_684 = arith.addi %get3A_683, %mul3A_111 : vector<16xi32>
      %swap3A_685 = arith.index_cast %multiple_of3A_680 : i32 to index
      %swap3A_686 = tpu.vector_load %arg5[%swap3A_685] {strides = array<i32>} : memref<13312xi32, #tpu.memory_space<vmem>>, vector<16xi32>,
      %swap3A_687 = vector.shape_cast %swap3A_686 : vector<16xi32> to vector<16xi32>
      %swap3A_688 = vector.shape_cast %add3A_684 : vector<16xi32> to vector<16xi32>
      tpu.vector_store %arg5[%swap3A_685], %swap3A_688 {strides = array<i32>} : memref<13312xi32, #tpu.memory_space<vmem>>, vector<16xi32>,
      %add3A_689 = arith.constant 38 : i32
      %add3A_690 = arith.addi %mul3A_196, %add3A_689 : i32
      %mul3A_691 = arith.constant 16 : i32
      %mul3A_692 = arith.muli %add3A_690, %mul3A_691 : i32
      %multiple_of3A_693 = tpu.assume_multiple %mul3A_692, 16 : i32
      %get3A_694 = arith.index_cast %multiple_of3A_693 : i32 to index
      %get3A_695 = tpu.vector_load %arg5[%get3A_694] {strides = array<i32>} : memref<13312xi32, #tpu.memory_space<vmem>>, vector<16xi32>,
      %get3A_696 = vector.shape_cast %get3A_695 : vector<16xi32> to vector<16xi32>
      %add3A_697 = arith.addi %get3A_696, %mul3A_120 : vector<16xi32>
      %swap3A_698 = arith.index_cast %multiple_of3A_693 : i32 to index
      %swap3A_699 = tpu.vector_load %arg5[%swap3A_698] {strides = array<i32>} : memref<13312xi32, #tpu.memory_space<vmem>>, vector<16xi32>,
      %swap3A_700 = vector.shape_cast %swap3A_699 : vector<16xi32> to vector<16xi32>
      %swap3A_701 = vector.shape_cast %add3A_697 : vector<16xi32> to vector<16xi32>
      tpu.vector_store %arg5[%swap3A_698], %swap3A_701 {strides = array<i32>} : memref<13312xi32, #tpu.memory_space<vmem>>, vector<16xi32>,
      %add3A_702 = arith.constant 39 : i32
      %add3A_703 = arith.addi %mul3A_196, %add3A_702 : i32
      %mul3A_704 = arith.constant 16 : i32
      %mul3A_705 = arith.muli %add3A_703, %mul3A_704 : i32
      %multiple_of3A_706 = tpu.assume_multiple %mul3A_705, 16 : i32
      %get3A_707 = arith.index_cast %multiple_of3A_706 : i32 to index
      %get3A_708 = tpu.vector_load %arg5[%get3A_707] {strides = array<i32>} : memref<13312xi32, #tpu.memory_space<vmem>>, vector<16xi32>,
      %get3A_709 = vector.shape_cast %get3A_708 : vector<16xi32> to vector<16xi32>
      %add3A_710 = arith.addi %get3A_709, %mul3A_12 : vector<16xi32>
      %swap3A_711 = arith.index_cast %multiple_of3A_706 : i32 to index
      %swap3A_712 = tpu.vector_load %arg5[%swap3A_711] {strides = array<i32>} : memref<13312xi32, #tpu.memory_space<vmem>>, vector<16xi32>,
      %swap3A_713 = vector.shape_cast %swap3A_712 : vector<16xi32> to vector<16xi32>
      %swap3A_714 = vector.shape_cast %add3A_710 : vector<16xi32> to vector<16xi32>
      tpu.vector_store %arg5[%swap3A_711], %swap3A_714 {strides = array<i32>} : memref<13312xi32, #tpu.memory_space<vmem>>, vector<16xi32>,
      %add3A_715 = arith.constant 40 : i32
      %add3A_716 = arith.addi %mul3A_196, %add3A_715 : i32
      %mul3A_717 = arith.constant 16 : i32
      %mul3A_718 = arith.muli %add3A_716, %mul3A_717 : i32
      %multiple_of3A_719 = tpu.assume_multiple %mul3A_718, 16 : i32
      %get3A_720 = arith.index_cast %multiple_of3A_719 : i32 to index
      %get3A_721 = tpu.vector_load %arg5[%get3A_720] {strides = array<i32>} : memref<13312xi32, #tpu.memory_space<vmem>>, vector<16xi32>,
      %get3A_722 = vector.shape_cast %get3A_721 : vector<16xi32> to vector<16xi32>
      %add3A_723 = arith.addi %get3A_722, %mul3A_21 : vector<16xi32>
      %swap3A_724 = arith.index_cast %multiple_of3A_719 : i32 to index
      %swap3A_725 = tpu.vector_load %arg5[%swap3A_724] {strides = array<i32>} : memref<13312xi32, #tpu.memory_space<vmem>>, vector<16xi32>,
      %swap3A_726 = vector.shape_cast %swap3A_725 : vector<16xi32> to vector<16xi32>
      %swap3A_727 = vector.shape_cast %add3A_723 : vector<16xi32> to vector<16xi32>
      tpu.vector_store %arg5[%swap3A_724], %swap3A_727 {strides = array<i32>} : memref<13312xi32, #tpu.memory_space<vmem>>, vector<16xi32>,
      %add3A_728 = arith.constant 41 : i32
      %add3A_729 = arith.addi %mul3A_196, %add3A_728 : i32
      %mul3A_730 = arith.constant 16 : i32
      %mul3A_731 = arith.muli %add3A_729, %mul3A_730 : i32
      %multiple_of3A_732 = tpu.assume_multiple %mul3A_731, 16 : i32
      %get3A_733 = arith.index_cast %multiple_of3A_732 : i32 to index
      %get3A_734 = tpu.vector_load %arg5[%get3A_733] {strides = array<i32>} : memref<13312xi32, #tpu.memory_space<vmem>>, vector<16xi32>,
      %get3A_735 = vector.shape_cast %get3A_734 : vector<16xi32> to vector<16xi32>
      %add3A_736 = arith.addi %get3A_735, %mul3A_30 : vector<16xi32>
      %swap3A_737 = arith.index_cast %multiple_of3A_732 : i32 to index
      %swap3A_738 = tpu.vector_load %arg5[%swap3A_737] {strides = array<i32>} : memref<13312xi32, #tpu.memory_space<vmem>>, vector<16xi32>,
      %swap3A_739 = vector.shape_cast %swap3A_738 : vector<16xi32> to vector<16xi32>
      %swap3A_740 = vector.shape_cast %add3A_736 : vector<16xi32> to vector<16xi32>
      tpu.vector_store %arg5[%swap3A_737], %swap3A_740 {strides = array<i32>} : memref<13312xi32, #tpu.memory_space<vmem>>, vector<16xi32>,
      %add3A_741 = arith.constant 42 : i32
      %add3A_742 = arith.addi %mul3A_196, %add3A_741 : i32
      %mul3A_743 = arith.constant 16 : i32
      %mul3A_744 = arith.muli %add3A_742, %mul3A_743 : i32
      %multiple_of3A_745 = tpu.assume_multiple %mul3A_744, 16 : i32
      %get3A_746 = arith.index_cast %multiple_of3A_745 : i32 to index
      %get3A_747 = tpu.vector_load %arg5[%get3A_746] {strides = array<i32>} : memref<13312xi32, #tpu.memory_space<vmem>>, vector<16xi32>,
      %get3A_748 = vector.shape_cast %get3A_747 : vector<16xi32> to vector<16xi32>
      %add3A_749 = arith.addi %get3A_748, %mul3A_39 : vector<16xi32>
      %swap3A_750 = arith.index_cast %multiple_of3A_745 : i32 to index
      %swap3A_751 = tpu.vector_load %arg5[%swap3A_750] {strides = array<i32>} : memref<13312xi32, #tpu.memory_space<vmem>>, vector<16xi32>,
      %swap3A_752 = vector.shape_cast %swap3A_751 : vector<16xi32> to vector<16xi32>
      %swap3A_753 = vector.shape_cast %add3A_749 : vector<16xi32> to vector<16xi32>
      tpu.vector_store %arg5[%swap3A_750], %swap3A_753 {strides = array<i32>} : memref<13312xi32, #tpu.memory_space<vmem>>, vector<16xi32>,
      %add3A_754 = arith.constant 43 : i32
      %add3A_755 = arith.addi %mul3A_196, %add3A_754 : i32
      %mul3A_756 = arith.constant 16 : i32
      %mul3A_757 = arith.muli %add3A_755, %mul3A_756 : i32
      %multiple_of3A_758 = tpu.assume_multiple %mul3A_757, 16 : i32
      %get3A_759 = arith.index_cast %multiple_of3A_758 : i32 to index
      %get3A_760 = tpu.vector_load %arg5[%get3A_759] {strides = array<i32>} : memref<13312xi32, #tpu.memory_space<vmem>>, vector<16xi32>,
      %get3A_761 = vector.shape_cast %get3A_760 : vector<16xi32> to vector<16xi32>
      %add3A_762 = arith.addi %get3A_761, %mul3A_48 : vector<16xi32>
      %swap3A_763 = arith.index_cast %multiple_of3A_758 : i32 to index
      %swap3A_764 = tpu.vector_load %arg5[%swap3A_763] {strides = array<i32>} : memref<13312xi32, #tpu.memory_space<vmem>>, vector<16xi32>,
      %swap3A_765 = vector.shape_cast %swap3A_764 : vector<16xi32> to vector<16xi32>
      %swap3A_766 = vector.shape_cast %add3A_762 : vector<16xi32> to vector<16xi32>
      tpu.vector_store %arg5[%swap3A_763], %swap3A_766 {strides = array<i32>} : memref<13312xi32, #tpu.memory_space<vmem>>, vector<16xi32>,
      %add3A_767 = arith.constant 44 : i32
      %add3A_768 = arith.addi %mul3A_196, %add3A_767 : i32
      %mul3A_769 = arith.constant 16 : i32
      %mul3A_770 = arith.muli %add3A_768, %mul3A_769 : i32
      %multiple_of3A_771 = tpu.assume_multiple %mul3A_770, 16 : i32
      %get3A_772 = arith.index_cast %multiple_of3A_771 : i32 to index
      %get3A_773 = tpu.vector_load %arg5[%get3A_772] {strides = array<i32>} : memref<13312xi32, #tpu.memory_space<vmem>>, vector<16xi32>,
      %get3A_774 = vector.shape_cast %get3A_773 : vector<16xi32> to vector<16xi32>
      %add3A_775 = arith.addi %get3A_774, %mul3A_57 : vector<16xi32>
      %swap3A_776 = arith.index_cast %multiple_of3A_771 : i32 to index
      %swap3A_777 = tpu.vector_load %arg5[%swap3A_776] {strides = array<i32>} : memref<13312xi32, #tpu.memory_space<vmem>>, vector<16xi32>,
      %swap3A_778 = vector.shape_cast %swap3A_777 : vector<16xi32> to vector<16xi32>
      %swap3A_779 = vector.shape_cast %add3A_775 : vector<16xi32> to vector<16xi32>
      tpu.vector_store %arg5[%swap3A_776], %swap3A_779 {strides = array<i32>} : memref<13312xi32, #tpu.memory_space<vmem>>, vector<16xi32>,
      %add3A_780 = arith.constant 45 : i32
      %add3A_781 = arith.addi %mul3A_196, %add3A_780 : i32
      %mul3A_782 = arith.constant 16 : i32
      %mul3A_783 = arith.muli %add3A_781, %mul3A_782 : i32
      %multiple_of3A_784 = tpu.assume_multiple %mul3A_783, 16 : i32
      %get3A_785 = arith.index_cast %multiple_of3A_784 : i32 to index
      %get3A_786 = tpu.vector_load %arg5[%get3A_785] {strides = array<i32>} : memref<13312xi32, #tpu.memory_space<vmem>>, vector<16xi32>,
      %get3A_787 = vector.shape_cast %get3A_786 : vector<16xi32> to vector<16xi32>
      %add3A_788 = arith.addi %get3A_787, %mul3A_66 : vector<16xi32>
      %swap3A_789 = arith.index_cast %multiple_of3A_784 : i32 to index
      %swap3A_790 = tpu.vector_load %arg5[%swap3A_789] {strides = array<i32>} : memref<13312xi32, #tpu.memory_space<vmem>>, vector<16xi32>,
      %swap3A_791 = vector.shape_cast %swap3A_790 : vector<16xi32> to vector<16xi32>
      %swap3A_792 = vector.shape_cast %add3A_788 : vector<16xi32> to vector<16xi32>
      tpu.vector_store %arg5[%swap3A_789], %swap3A_792 {strides = array<i32>} : memref<13312xi32, #tpu.memory_space<vmem>>, vector<16xi32>,
      %add3A_793 = arith.constant 46 : i32
      %add3A_794 = arith.addi %mul3A_196, %add3A_793 : i32
      %mul3A_795 = arith.constant 16 : i32
      %mul3A_796 = arith.muli %add3A_794, %mul3A_795 : i32
      %multiple_of3A_797 = tpu.assume_multiple %mul3A_796, 16 : i32
      %get3A_798 = arith.index_cast %multiple_of3A_797 : i32 to index
      %get3A_799 = tpu.vector_load %arg5[%get3A_798] {strides = array<i32>} : memref<13312xi32, #tpu.memory_space<vmem>>, vector<16xi32>,
      %get3A_800 = vector.shape_cast %get3A_799 : vector<16xi32> to vector<16xi32>
      %add3A_801 = arith.addi %get3A_800, %mul3A_75 : vector<16xi32>
      %swap3A_802 = arith.index_cast %multiple_of3A_797 : i32 to index
      %swap3A_803 = tpu.vector_load %arg5[%swap3A_802] {strides = array<i32>} : memref<13312xi32, #tpu.memory_space<vmem>>, vector<16xi32>,
      %swap3A_804 = vector.shape_cast %swap3A_803 : vector<16xi32> to vector<16xi32>
      %swap3A_805 = vector.shape_cast %add3A_801 : vector<16xi32> to vector<16xi32>
      tpu.vector_store %arg5[%swap3A_802], %swap3A_805 {strides = array<i32>} : memref<13312xi32, #tpu.memory_space<vmem>>, vector<16xi32>,
      %add3A_806 = arith.constant 47 : i32
      %add3A_807 = arith.addi %mul3A_196, %add3A_806 : i32
      %mul3A_808 = arith.constant 16 : i32
      %mul3A_809 = arith.muli %add3A_807, %mul3A_808 : i32
      %multiple_of3A_810 = tpu.assume_multiple %mul3A_809, 16 : i32
      %get3A_811 = arith.index_cast %multiple_of3A_810 : i32 to index
      %get3A_812 = tpu.vector_load %arg5[%get3A_811] {strides = array<i32>} : memref<13312xi32, #tpu.memory_space<vmem>>, vector<16xi32>,
      %get3A_813 = vector.shape_cast %get3A_812 : vector<16xi32> to vector<16xi32>
      %add3A_814 = arith.addi %get3A_813, %mul3A_84 : vector<16xi32>
      %swap3A_815 = arith.index_cast %multiple_of3A_810 : i32 to index
      %swap3A_816 = tpu.vector_load %arg5[%swap3A_815] {strides = array<i32>} : memref<13312xi32, #tpu.memory_space<vmem>>, vector<16xi32>,
      %swap3A_817 = vector.shape_cast %swap3A_816 : vector<16xi32> to vector<16xi32>
      %swap3A_818 = vector.shape_cast %add3A_814 : vector<16xi32> to vector<16xi32>
      tpu.vector_store %arg5[%swap3A_815], %swap3A_818 {strides = array<i32>} : memref<13312xi32, #tpu.memory_space<vmem>>, vector<16xi32>,
      %add3A_819 = arith.constant 48 : i32
      %add3A_820 = arith.addi %mul3A_196, %add3A_819 : i32
      %mul3A_821 = arith.constant 16 : i32
      %mul3A_822 = arith.muli %add3A_820, %mul3A_821 : i32
      %multiple_of3A_823 = tpu.assume_multiple %mul3A_822, 16 : i32
      %get3A_824 = arith.index_cast %multiple_of3A_823 : i32 to index
      %get3A_825 = tpu.vector_load %arg5[%get3A_824] {strides = array<i32>} : memref<13312xi32, #tpu.memory_space<vmem>>, vector<16xi32>,
      %get3A_826 = vector.shape_cast %get3A_825 : vector<16xi32> to vector<16xi32>
      %add3A_827 = arith.addi %get3A_826, %mul3A_93 : vector<16xi32>
      %swap3A_828 = arith.index_cast %multiple_of3A_823 : i32 to index
      %swap3A_829 = tpu.vector_load %arg5[%swap3A_828] {strides = array<i32>} : memref<13312xi32, #tpu.memory_space<vmem>>, vector<16xi32>,
      %swap3A_830 = vector.shape_cast %swap3A_829 : vector<16xi32> to vector<16xi32>
      %swap3A_831 = vector.shape_cast %add3A_827 : vector<16xi32> to vector<16xi32>
      tpu.vector_store %arg5[%swap3A_828], %swap3A_831 {strides = array<i32>} : memref<13312xi32, #tpu.memory_space<vmem>>, vector<16xi32>,
      %add3A_832 = arith.constant 49 : i32
      %add3A_833 = arith.addi %mul3A_196, %add3A_832 : i32
      %mul3A_834 = arith.constant 16 : i32
      %mul3A_835 = arith.muli %add3A_833, %mul3A_834 : i32
      %multiple_of3A_836 = tpu.assume_multiple %mul3A_835, 16 : i32
      %get3A_837 = arith.index_cast %multiple_of3A_836 : i32 to index
      %get3A_838 = tpu.vector_load %arg5[%get3A_837] {strides = array<i32>} : memref<13312xi32, #tpu.memory_space<vmem>>, vector<16xi32>,
      %get3A_839 = vector.shape_cast %get3A_838 : vector<16xi32> to vector<16xi32>
      %add3A_840 = arith.addi %get3A_839, %mul3A_102 : vector<16xi32>
      %swap3A_841 = arith.index_cast %multiple_of3A_836 : i32 to index
      %swap3A_842 = tpu.vector_load %arg5[%swap3A_841] {strides = array<i32>} : memref<13312xi32, #tpu.memory_space<vmem>>, vector<16xi32>,
      %swap3A_843 = vector.shape_cast %swap3A_842 : vector<16xi32> to vector<16xi32>
      %swap3A_844 = vector.shape_cast %add3A_840 : vector<16xi32> to vector<16xi32>
      tpu.vector_store %arg5[%swap3A_841], %swap3A_844 {strides = array<i32>} : memref<13312xi32, #tpu.memory_space<vmem>>, vector<16xi32>,
      %add3A_845 = arith.constant 50 : i32
      %add3A_846 = arith.addi %mul3A_196, %add3A_845 : i32
      %mul3A_847 = arith.constant 16 : i32
      %mul3A_848 = arith.muli %add3A_846, %mul3A_847 : i32
      %multiple_of3A_849 = tpu.assume_multiple %mul3A_848, 16 : i32
      %get3A_850 = arith.index_cast %multiple_of3A_849 : i32 to index
      %get3A_851 = tpu.vector_load %arg5[%get3A_850] {strides = array<i32>} : memref<13312xi32, #tpu.memory_space<vmem>>, vector<16xi32>,
      %get3A_852 = vector.shape_cast %get3A_851 : vector<16xi32> to vector<16xi32>
      %add3A_853 = arith.addi %get3A_852, %mul3A_111 : vector<16xi32>
      %swap3A_854 = arith.index_cast %multiple_of3A_849 : i32 to index
      %swap3A_855 = tpu.vector_load %arg5[%swap3A_854] {strides = array<i32>} : memref<13312xi32, #tpu.memory_space<vmem>>, vector<16xi32>,
      %swap3A_856 = vector.shape_cast %swap3A_855 : vector<16xi32> to vector<16xi32>
      %swap3A_857 = vector.shape_cast %add3A_853 : vector<16xi32> to vector<16xi32>
      tpu.vector_store %arg5[%swap3A_854], %swap3A_857 {strides = array<i32>} : memref<13312xi32, #tpu.memory_space<vmem>>, vector<16xi32>,
      %add3A_858 = arith.constant 51 : i32
      %add3A_859 = arith.addi %mul3A_196, %add3A_858 : i32
      %mul3A_860 = arith.constant 16 : i32
      %mul3A_861 = arith.muli %add3A_859, %mul3A_860 : i32
      %multiple_of3A_862 = tpu.assume_multiple %mul3A_861, 16 : i32
      %get3A_863 = arith.index_cast %multiple_of3A_862 : i32 to index
      %get3A_864 = tpu.vector_load %arg5[%get3A_863] {strides = array<i32>} : memref<13312xi32, #tpu.memory_space<vmem>>, vector<16xi32>,
      %get3A_865 = vector.shape_cast %get3A_864 : vector<16xi32> to vector<16xi32>
      %add3A_866 = arith.addi %get3A_865, %mul3A_120 : vector<16xi32>
      %swap3A_867 = arith.index_cast %multiple_of3A_862 : i32 to index
      %swap3A_868 = tpu.vector_load %arg5[%swap3A_867] {strides = array<i32>} : memref<13312xi32, #tpu.memory_space<vmem>>, vector<16xi32>,
      %swap3A_869 = vector.shape_cast %swap3A_868 : vector<16xi32> to vector<16xi32>
      %swap3A_870 = vector.shape_cast %add3A_866 : vector<16xi32> to vector<16xi32>
      tpu.vector_store %arg5[%swap3A_867], %swap3A_870 {strides = array<i32>} : memref<13312xi32, #tpu.memory_space<vmem>>, vector<16xi32>,
      %add3A_871 = arith.constant 52 : i32
      %add3A_872 = arith.addi %mul3A_196, %add3A_871 : i32
      %mul3A_873 = arith.constant 16 : i32
      %mul3A_874 = arith.muli %add3A_872, %mul3A_873 : i32
      %multiple_of3A_875 = tpu.assume_multiple %mul3A_874, 16 : i32
      %get3A_876 = arith.index_cast %multiple_of3A_875 : i32 to index
      %get3A_877 = tpu.vector_load %arg5[%get3A_876] {strides = array<i32>} : memref<13312xi32, #tpu.memory_space<vmem>>, vector<16xi32>,
      %get3A_878 = vector.shape_cast %get3A_877 : vector<16xi32> to vector<16xi32>
      %add3A_879 = arith.addi %get3A_878, %mul3A_12 : vector<16xi32>
      %swap3A_880 = arith.index_cast %multiple_of3A_875 : i32 to index
      %swap3A_881 = tpu.vector_load %arg5[%swap3A_880] {strides = array<i32>} : memref<13312xi32, #tpu.memory_space<vmem>>, vector<16xi32>,
      %swap3A_882 = vector.shape_cast %swap3A_881 : vector<16xi32> to vector<16xi32>
      %swap3A_883 = vector.shape_cast %add3A_879 : vector<16xi32> to vector<16xi32>
      tpu.vector_store %arg5[%swap3A_880], %swap3A_883 {strides = array<i32>} : memref<13312xi32, #tpu.memory_space<vmem>>, vector<16xi32>,
      %add3A_884 = arith.constant 53 : i32
      %add3A_885 = arith.addi %mul3A_196, %add3A_884 : i32
      %mul3A_886 = arith.constant 16 : i32
      %mul3A_887 = arith.muli %add3A_885, %mul3A_886 : i32
      %multiple_of3A_888 = tpu.assume_multiple %mul3A_887, 16 : i32
      %get3A_889 = arith.index_cast %multiple_of3A_888 : i32 to index
      %get3A_890 = tpu.vector_load %arg5[%get3A_889] {strides = array<i32>} : memref<13312xi32, #tpu.memory_space<vmem>>, vector<16xi32>,
      %get3A_891 = vector.shape_cast %get3A_890 : vector<16xi32> to vector<16xi32>
      %add3A_892 = arith.addi %get3A_891, %mul3A_21 : vector<16xi32>
      %swap3A_893 = arith.index_cast %multiple_of3A_888 : i32 to index
      %swap3A_894 = tpu.vector_load %arg5[%swap3A_893] {strides = array<i32>} : memref<13312xi32, #tpu.memory_space<vmem>>, vector<16xi32>,
      %swap3A_895 = vector.shape_cast %swap3A_894 : vector<16xi32> to vector<16xi32>
      %swap3A_896 = vector.shape_cast %add3A_892 : vector<16xi32> to vector<16xi32>
      tpu.vector_store %arg5[%swap3A_893], %swap3A_896 {strides = array<i32>} : memref<13312xi32, #tpu.memory_space<vmem>>, vector<16xi32>,
      %add3A_897 = arith.constant 54 : i32
      %add3A_898 = arith.addi %mul3A_196, %add3A_897 : i32
      %mul3A_899 = arith.constant 16 : i32
      %mul3A_900 = arith.muli %add3A_898, %mul3A_899 : i32
      %multiple_of3A_901 = tpu.assume_multiple %mul3A_900, 16 : i32
      %get3A_902 = arith.index_cast %multiple_of3A_901 : i32 to index
      %get3A_903 = tpu.vector_load %arg5[%get3A_902] {strides = array<i32>} : memref<13312xi32, #tpu.memory_space<vmem>>, vector<16xi32>,
      %get3A_904 = vector.shape_cast %get3A_903 : vector<16xi32> to vector<16xi32>
      %add3A_905 = arith.addi %get3A_904, %mul3A_30 : vector<16xi32>
      %swap3A_906 = arith.index_cast %multiple_of3A_901 : i32 to index
      %swap3A_907 = tpu.vector_load %arg5[%swap3A_906] {strides = array<i32>} : memref<13312xi32, #tpu.memory_space<vmem>>, vector<16xi32>,
      %swap3A_908 = vector.shape_cast %swap3A_907 : vector<16xi32> to vector<16xi32>
      %swap3A_909 = vector.shape_cast %add3A_905 : vector<16xi32> to vector<16xi32>
      tpu.vector_store %arg5[%swap3A_906], %swap3A_909 {strides = array<i32>} : memref<13312xi32, #tpu.memory_space<vmem>>, vector<16xi32>,
      %add3A_910 = arith.constant 55 : i32
      %add3A_911 = arith.addi %mul3A_196, %add3A_910 : i32
      %mul3A_912 = arith.constant 16 : i32
      %mul3A_913 = arith.muli %add3A_911, %mul3A_912 : i32
      %multiple_of3A_914 = tpu.assume_multiple %mul3A_913, 16 : i32
      %get3A_915 = arith.index_cast %multiple_of3A_914 : i32 to index
      %get3A_916 = tpu.vector_load %arg5[%get3A_915] {strides = array<i32>} : memref<13312xi32, #tpu.memory_space<vmem>>, vector<16xi32>,
      %get3A_917 = vector.shape_cast %get3A_916 : vector<16xi32> to vector<16xi32>
      %add3A_918 = arith.addi %get3A_917, %mul3A_39 : vector<16xi32>
      %swap3A_919 = arith.index_cast %multiple_of3A_914 : i32 to index
      %swap3A_920 = tpu.vector_load %arg5[%swap3A_919] {strides = array<i32>} : memref<13312xi32, #tpu.memory_space<vmem>>, vector<16xi32>,
      %swap3A_921 = vector.shape_cast %swap3A_920 : vector<16xi32> to vector<16xi32>
      %swap3A_922 = vector.shape_cast %add3A_918 : vector<16xi32> to vector<16xi32>
      tpu.vector_store %arg5[%swap3A_919], %swap3A_922 {strides = array<i32>} : memref<13312xi32, #tpu.memory_space<vmem>>, vector<16xi32>,
      %add3A_923 = arith.constant 56 : i32
      %add3A_924 = arith.addi %mul3A_196, %add3A_923 : i32
      %mul3A_925 = arith.constant 16 : i32
      %mul3A_926 = arith.muli %add3A_924, %mul3A_925 : i32
      %multiple_of3A_927 = tpu.assume_multiple %mul3A_926, 16 : i32
      %get3A_928 = arith.index_cast %multiple_of3A_927 : i32 to index
      %get3A_929 = tpu.vector_load %arg5[%get3A_928] {strides = array<i32>} : memref<13312xi32, #tpu.memory_space<vmem>>, vector<16xi32>,
      %get3A_930 = vector.shape_cast %get3A_929 : vector<16xi32> to vector<16xi32>
      %add3A_931 = arith.addi %get3A_930, %mul3A_48 : vector<16xi32>
      %swap3A_932 = arith.index_cast %multiple_of3A_927 : i32 to index
      %swap3A_933 = tpu.vector_load %arg5[%swap3A_932] {strides = array<i32>} : memref<13312xi32, #tpu.memory_space<vmem>>, vector<16xi32>,
      %swap3A_934 = vector.shape_cast %swap3A_933 : vector<16xi32> to vector<16xi32>
      %swap3A_935 = vector.shape_cast %add3A_931 : vector<16xi32> to vector<16xi32>
      tpu.vector_store %arg5[%swap3A_932], %swap3A_935 {strides = array<i32>} : memref<13312xi32, #tpu.memory_space<vmem>>, vector<16xi32>,
      %add3A_936 = arith.constant 57 : i32
      %add3A_937 = arith.addi %mul3A_196, %add3A_936 : i32
      %mul3A_938 = arith.constant 16 : i32
      %mul3A_939 = arith.muli %add3A_937, %mul3A_938 : i32
      %multiple_of3A_940 = tpu.assume_multiple %mul3A_939, 16 : i32
      %get3A_941 = arith.index_cast %multiple_of3A_940 : i32 to index
      %get3A_942 = tpu.vector_load %arg5[%get3A_941] {strides = array<i32>} : memref<13312xi32, #tpu.memory_space<vmem>>, vector<16xi32>,
      %get3A_943 = vector.shape_cast %get3A_942 : vector<16xi32> to vector<16xi32>
      %add3A_944 = arith.addi %get3A_943, %mul3A_57 : vector<16xi32>
      %swap3A_945 = arith.index_cast %multiple_of3A_940 : i32 to index
      %swap3A_946 = tpu.vector_load %arg5[%swap3A_945] {strides = array<i32>} : memref<13312xi32, #tpu.memory_space<vmem>>, vector<16xi32>,
      %swap3A_947 = vector.shape_cast %swap3A_946 : vector<16xi32> to vector<16xi32>
      %swap3A_948 = vector.shape_cast %add3A_944 : vector<16xi32> to vector<16xi32>
      tpu.vector_store %arg5[%swap3A_945], %swap3A_948 {strides = array<i32>} : memref<13312xi32, #tpu.memory_space<vmem>>, vector<16xi32>,
      %add3A_949 = arith.constant 58 : i32
      %add3A_950 = arith.addi %mul3A_196, %add3A_949 : i32
      %mul3A_951 = arith.constant 16 : i32
      %mul3A_952 = arith.muli %add3A_950, %mul3A_951 : i32
      %multiple_of3A_953 = tpu.assume_multiple %mul3A_952, 16 : i32
      %get3A_954 = arith.index_cast %multiple_of3A_953 : i32 to index
      %get3A_955 = tpu.vector_load %arg5[%get3A_954] {strides = array<i32>} : memref<13312xi32, #tpu.memory_space<vmem>>, vector<16xi32>,
      %get3A_956 = vector.shape_cast %get3A_955 : vector<16xi32> to vector<16xi32>
      %add3A_957 = arith.addi %get3A_956, %mul3A_66 : vector<16xi32>
      %swap3A_958 = arith.index_cast %multiple_of3A_953 : i32 to index
      %swap3A_959 = tpu.vector_load %arg5[%swap3A_958] {strides = array<i32>} : memref<13312xi32, #tpu.memory_space<vmem>>, vector<16xi32>,
      %swap3A_960 = vector.shape_cast %swap3A_959 : vector<16xi32> to vector<16xi32>
      %swap3A_961 = vector.shape_cast %add3A_957 : vector<16xi32> to vector<16xi32>
      tpu.vector_store %arg5[%swap3A_958], %swap3A_961 {strides = array<i32>} : memref<13312xi32, #tpu.memory_space<vmem>>, vector<16xi32>,
      %add3A_962 = arith.constant 59 : i32
      %add3A_963 = arith.addi %mul3A_196, %add3A_962 : i32
      %mul3A_964 = arith.constant 16 : i32
      %mul3A_965 = arith.muli %add3A_963, %mul3A_964 : i32
      %multiple_of3A_966 = tpu.assume_multiple %mul3A_965, 16 : i32
      %get3A_967 = arith.index_cast %multiple_of3A_966 : i32 to index
      %get3A_968 = tpu.vector_load %arg5[%get3A_967] {strides = array<i32>} : memref<13312xi32, #tpu.memory_space<vmem>>, vector<16xi32>,
      %get3A_969 = vector.shape_cast %get3A_968 : vector<16xi32> to vector<16xi32>
      %add3A_970 = arith.addi %get3A_969, %mul3A_75 : vector<16xi32>
      %swap3A_971 = arith.index_cast %multiple_of3A_966 : i32 to index
      %swap3A_972 = tpu.vector_load %arg5[%swap3A_971] {strides = array<i32>} : memref<13312xi32, #tpu.memory_space<vmem>>, vector<16xi32>,
      %swap3A_973 = vector.shape_cast %swap3A_972 : vector<16xi32> to vector<16xi32>
      %swap3A_974 = vector.shape_cast %add3A_970 : vector<16xi32> to vector<16xi32>
      tpu.vector_store %arg5[%swap3A_971], %swap3A_974 {strides = array<i32>} : memref<13312xi32, #tpu.memory_space<vmem>>, vector<16xi32>,
      %add3A_975 = arith.constant 60 : i32
      %add3A_976 = arith.addi %mul3A_196, %add3A_975 : i32
      %mul3A_977 = arith.constant 16 : i32
      %mul3A_978 = arith.muli %add3A_976, %mul3A_977 : i32
      %multiple_of3A_979 = tpu.assume_multiple %mul3A_978, 16 : i32
      %get3A_980 = arith.index_cast %multiple_of3A_979 : i32 to index
      %get3A_981 = tpu.vector_load %arg5[%get3A_980] {strides = array<i32>} : memref<13312xi32, #tpu.memory_space<vmem>>, vector<16xi32>,
      %get3A_982 = vector.shape_cast %get3A_981 : vector<16xi32> to vector<16xi32>
      %add3A_983 = arith.addi %get3A_982, %mul3A_84 : vector<16xi32>
      %swap3A_984 = arith.index_cast %multiple_of3A_979 : i32 to index
      %swap3A_985 = tpu.vector_load %arg5[%swap3A_984] {strides = array<i32>} : memref<13312xi32, #tpu.memory_space<vmem>>, vector<16xi32>,
      %swap3A_986 = vector.shape_cast %swap3A_985 : vector<16xi32> to vector<16xi32>
      %swap3A_987 = vector.shape_cast %add3A_983 : vector<16xi32> to vector<16xi32>
      tpu.vector_store %arg5[%swap3A_984], %swap3A_987 {strides = array<i32>} : memref<13312xi32, #tpu.memory_space<vmem>>, vector<16xi32>,
      %add3A_988 = arith.constant 61 : i32
      %add3A_989 = arith.addi %mul3A_196, %add3A_988 : i32
      %mul3A_990 = arith.constant 16 : i32
      %mul3A_991 = arith.muli %add3A_989, %mul3A_990 : i32
      %multiple_of3A_992 = tpu.assume_multiple %mul3A_991, 16 : i32
      %get3A_993 = arith.index_cast %multiple_of3A_992 : i32 to index
      %get3A_994 = tpu.vector_load %arg5[%get3A_993] {strides = array<i32>} : memref<13312xi32, #tpu.memory_space<vmem>>, vector<16xi32>,
      %get3A_995 = vector.shape_cast %get3A_994 : vector<16xi32> to vector<16xi32>
      %add3A_996 = arith.addi %get3A_995, %mul3A_93 : vector<16xi32>
      %swap3A_997 = arith.index_cast %multiple_of3A_992 : i32 to index
      %swap3A_998 = tpu.vector_load %arg5[%swap3A_997] {strides = array<i32>} : memref<13312xi32, #tpu.memory_space<vmem>>, vector<16xi32>,
      %swap3A_999 = vector.shape_cast %swap3A_998 : vector<16xi32> to vector<16xi32>
      %swap3A_1000 = vector.shape_cast %add3A_996 : vector<16xi32> to vector<16xi32>
      tpu.vector_store %arg5[%swap3A_997], %swap3A_1000 {strides = array<i32>} : memref<13312xi32, #tpu.memory_space<vmem>>, vector<16xi32>,
      %add3A_1001 = arith.constant 62 : i32
      %add3A_1002 = arith.addi %mul3A_196, %add3A_1001 : i32
      %mul3A_1003 = arith.constant 16 : i32
      %mul3A_1004 = arith.muli %add3A_1002, %mul3A_1003 : i32
      %multiple_of3A_1005 = tpu.assume_multiple %mul3A_1004, 16 : i32
      %get3A_1006 = arith.index_cast %multiple_of3A_1005 : i32 to index
      %get3A_1007 = tpu.vector_load %arg5[%get3A_1006] {strides = array<i32>} : memref<13312xi32, #tpu.memory_space<vmem>>, vector<16xi32>,
      %get3A_1008 = vector.shape_cast %get3A_1007 : vector<16xi32> to vector<16xi32>
      %add3A_1009 = arith.addi %get3A_1008, %mul3A_102 : vector<16xi32>
      %swap3A_1010 = arith.index_cast %multiple_of3A_1005 : i32 to index
      %swap3A_1011 = tpu.vector_load %arg5[%swap3A_1010] {strides = array<i32>} : memref<13312xi32, #tpu.memory_space<vmem>>, vector<16xi32>,
      %swap3A_1012 = vector.shape_cast %swap3A_1011 : vector<16xi32> to vector<16xi32>
      %swap3A_1013 = vector.shape_cast %add3A_1009 : vector<16xi32> to vector<16xi32>
      tpu.vector_store %arg5[%swap3A_1010], %swap3A_1013 {strides = array<i32>} : memref<13312xi32, #tpu.memory_space<vmem>>, vector<16xi32>,
      %add3A_1014 = arith.constant 63 : i32
      %add3A_1015 = arith.addi %mul3A_196, %add3A_1014 : i32
      %mul3A_1016 = arith.constant 16 : i32
      %mul3A_1017 = arith.muli %add3A_1015, %mul3A_1016 : i32
      %multiple_of3A_1018 = tpu.assume_multiple %mul3A_1017, 16 : i32
      %get3A_1019 = arith.index_cast %multiple_of3A_1018 : i32 to index
      %get3A_1020 = tpu.vector_load %arg5[%get3A_1019] {strides = array<i32>} : memref<13312xi32, #tpu.memory_space<vmem>>, vector<16xi32>,
      %get3A_1021 = vector.shape_cast %get3A_1020 : vector<16xi32> to vector<16xi32>
      %add3A_1022 = arith.addi %get3A_1021, %mul3A_111 : vector<16xi32>
      %swap3A_1023 = arith.index_cast %multiple_of3A_1018 : i32 to index
      %swap3A_1024 = tpu.vector_load %arg5[%swap3A_1023] {strides = array<i32>} : memref<13312xi32, #tpu.memory_space<vmem>>, vector<16xi32>,
      %swap3A_1025 = vector.shape_cast %swap3A_1024 : vector<16xi32> to vector<16xi32>
      %swap3A_1026 = vector.shape_cast %add3A_1022 : vector<16xi32> to vector<16xi32>
      tpu.vector_store %arg5[%swap3A_1023], %swap3A_1026 {strides = array<i32>} : memref<13312xi32, #tpu.memory_space<vmem>>, vector<16xi32>,
      %add3A_1027 = arith.constant 64 : i32
      %add3A_1028 = arith.addi %mul3A_196, %add3A_1027 : i32
      %mul3A_1029 = arith.constant 16 : i32
      %mul3A_1030 = arith.muli %add3A_1028, %mul3A_1029 : i32
      %multiple_of3A_1031 = tpu.assume_multiple %mul3A_1030, 16 : i32
      %get3A_1032 = arith.index_cast %multiple_of3A_1031 : i32 to index
      %get3A_1033 = tpu.vector_load %arg5[%get3A_1032] {strides = array<i32>} : memref<13312xi32, #tpu.memory_space<vmem>>, vector<16xi32>,
      %get3A_1034 = vector.shape_cast %get3A_1033 : vector<16xi32> to vector<16xi32>
      %add3A_1035 = arith.addi %get3A_1034, %mul3A_120 : vector<16xi32>
      %swap3A_1036 = arith.index_cast %multiple_of3A_1031 : i32 to index
      %swap3A_1037 = tpu.vector_load %arg5[%swap3A_1036] {strides = array<i32>} : memref<13312xi32, #tpu.memory_space<vmem>>, vector<16xi32>,
      %swap3A_1038 = vector.shape_cast %swap3A_1037 : vector<16xi32> to vector<16xi32>
      %swap3A_1039 = vector.shape_cast %add3A_1035 : vector<16xi32> to vector<16xi32>
      tpu.vector_store %arg5[%swap3A_1036], %swap3A_1039 {strides = array<i32>} : memref<13312xi32, #tpu.memory_space<vmem>>, vector<16xi32>,
      %add3A_1040 = arith.constant 65 : i32
      %add3A_1041 = arith.addi %mul3A_196, %add3A_1040 : i32
      %mul3A_1042 = arith.constant 16 : i32
      %mul3A_1043 = arith.muli %add3A_1041, %mul3A_1042 : i32
      %multiple_of3A_1044 = tpu.assume_multiple %mul3A_1043, 16 : i32
      %get3A_1045 = arith.index_cast %multiple_of3A_1044 : i32 to index
      %get3A_1046 = tpu.vector_load %arg5[%get3A_1045] {strides = array<i32>} : memref<13312xi32, #tpu.memory_space<vmem>>, vector<16xi32>,
      %get3A_1047 = vector.shape_cast %get3A_1046 : vector<16xi32> to vector<16xi32>
      %add3A_1048 = arith.addi %get3A_1047, %mul3A_12 : vector<16xi32>
      %swap3A_1049 = arith.index_cast %multiple_of3A_1044 : i32 to index
      %swap3A_1050 = tpu.vector_load %arg5[%swap3A_1049] {strides = array<i32>} : memref<13312xi32, #tpu.memory_space<vmem>>, vector<16xi32>,
      %swap3A_1051 = vector.shape_cast %swap3A_1050 : vector<16xi32> to vector<16xi32>
      %swap3A_1052 = vector.shape_cast %add3A_1048 : vector<16xi32> to vector<16xi32>
      tpu.vector_store %arg5[%swap3A_1049], %swap3A_1052 {strides = array<i32>} : memref<13312xi32, #tpu.memory_space<vmem>>, vector<16xi32>,
      %add3A_1053 = arith.constant 66 : i32
      %add3A_1054 = arith.addi %mul3A_196, %add3A_1053 : i32
      %mul3A_1055 = arith.constant 16 : i32
      %mul3A_1056 = arith.muli %add3A_1054, %mul3A_1055 : i32
      %multiple_of3A_1057 = tpu.assume_multiple %mul3A_1056, 16 : i32
      %get3A_1058 = arith.index_cast %multiple_of3A_1057 : i32 to index
      %get3A_1059 = tpu.vector_load %arg5[%get3A_1058] {strides = array<i32>} : memref<13312xi32, #tpu.memory_space<vmem>>, vector<16xi32>,
      %get3A_1060 = vector.shape_cast %get3A_1059 : vector<16xi32> to vector<16xi32>
      %add3A_1061 = arith.addi %get3A_1060, %mul3A_21 : vector<16xi32>
      %swap3A_1062 = arith.index_cast %multiple_of3A_1057 : i32 to index
      %swap3A_1063 = tpu.vector_load %arg5[%swap3A_1062] {strides = array<i32>} : memref<13312xi32, #tpu.memory_space<vmem>>, vector<16xi32>,
      %swap3A_1064 = vector.shape_cast %swap3A_1063 : vector<16xi32> to vector<16xi32>
      %swap3A_1065 = vector.shape_cast %add3A_1061 : vector<16xi32> to vector<16xi32>
      tpu.vector_store %arg5[%swap3A_1062], %swap3A_1065 {strides = array<i32>} : memref<13312xi32, #tpu.memory_space<vmem>>, vector<16xi32>,
      %add3A_1066 = arith.constant 67 : i32
      %add3A_1067 = arith.addi %mul3A_196, %add3A_1066 : i32
      %mul3A_1068 = arith.constant 16 : i32
      %mul3A_1069 = arith.muli %add3A_1067, %mul3A_1068 : i32
      %multiple_of3A_1070 = tpu.assume_multiple %mul3A_1069, 16 : i32
      %get3A_1071 = arith.index_cast %multiple_of3A_1070 : i32 to index
      %get3A_1072 = tpu.vector_load %arg5[%get3A_1071] {strides = array<i32>} : memref<13312xi32, #tpu.memory_space<vmem>>, vector<16xi32>,
      %get3A_1073 = vector.shape_cast %get3A_1072 : vector<16xi32> to vector<16xi32>
      %add3A_1074 = arith.addi %get3A_1073, %mul3A_30 : vector<16xi32>
      %swap3A_1075 = arith.index_cast %multiple_of3A_1070 : i32 to index
      %swap3A_1076 = tpu.vector_load %arg5[%swap3A_1075] {strides = array<i32>} : memref<13312xi32, #tpu.memory_space<vmem>>, vector<16xi32>,
      %swap3A_1077 = vector.shape_cast %swap3A_1076 : vector<16xi32> to vector<16xi32>
      %swap3A_1078 = vector.shape_cast %add3A_1074 : vector<16xi32> to vector<16xi32>
      tpu.vector_store %arg5[%swap3A_1075], %swap3A_1078 {strides = array<i32>} : memref<13312xi32, #tpu.memory_space<vmem>>, vector<16xi32>,
      %add3A_1079 = arith.constant 68 : i32
      %add3A_1080 = arith.addi %mul3A_196, %add3A_1079 : i32
      %mul3A_1081 = arith.constant 16 : i32
      %mul3A_1082 = arith.muli %add3A_1080, %mul3A_1081 : i32
      %multiple_of3A_1083 = tpu.assume_multiple %mul3A_1082, 16 : i32
      %get3A_1084 = arith.index_cast %multiple_of3A_1083 : i32 to index
      %get3A_1085 = tpu.vector_load %arg5[%get3A_1084] {strides = array<i32>} : memref<13312xi32, #tpu.memory_space<vmem>>, vector<16xi32>,
      %get3A_1086 = vector.shape_cast %get3A_1085 : vector<16xi32> to vector<16xi32>
      %add3A_1087 = arith.addi %get3A_1086, %mul3A_39 : vector<16xi32>
      %swap3A_1088 = arith.index_cast %multiple_of3A_1083 : i32 to index
      %swap3A_1089 = tpu.vector_load %arg5[%swap3A_1088] {strides = array<i32>} : memref<13312xi32, #tpu.memory_space<vmem>>, vector<16xi32>,
      %swap3A_1090 = vector.shape_cast %swap3A_1089 : vector<16xi32> to vector<16xi32>
      %swap3A_1091 = vector.shape_cast %add3A_1087 : vector<16xi32> to vector<16xi32>
      tpu.vector_store %arg5[%swap3A_1088], %swap3A_1091 {strides = array<i32>} : memref<13312xi32, #tpu.memory_space<vmem>>, vector<16xi32>,
      %add3A_1092 = arith.constant 69 : i32
      %add3A_1093 = arith.addi %mul3A_196, %add3A_1092 : i32
      %mul3A_1094 = arith.constant 16 : i32
      %mul3A_1095 = arith.muli %add3A_1093, %mul3A_1094 : i32
      %multiple_of3A_1096 = tpu.assume_multiple %mul3A_1095, 16 : i32
      %get3A_1097 = arith.index_cast %multiple_of3A_1096 : i32 to index
      %get3A_1098 = tpu.vector_load %arg5[%get3A_1097] {strides = array<i32>} : memref<13312xi32, #tpu.memory_space<vmem>>, vector<16xi32>,
      %get3A_1099 = vector.shape_cast %get3A_1098 : vector<16xi32> to vector<16xi32>
      %add3A_1100 = arith.addi %get3A_1099, %mul3A_48 : vector<16xi32>
      %swap3A_1101 = arith.index_cast %multiple_of3A_1096 : i32 to index
      %swap3A_1102 = tpu.vector_load %arg5[%swap3A_1101] {strides = array<i32>} : memref<13312xi32, #tpu.memory_space<vmem>>, vector<16xi32>,
      %swap3A_1103 = vector.shape_cast %swap3A_1102 : vector<16xi32> to vector<16xi32>
      %swap3A_1104 = vector.shape_cast %add3A_1100 : vector<16xi32> to vector<16xi32>
      tpu.vector_store %arg5[%swap3A_1101], %swap3A_1104 {strides = array<i32>} : memref<13312xi32, #tpu.memory_space<vmem>>, vector<16xi32>,
      %add3A_1105 = arith.constant 70 : i32
      %add3A_1106 = arith.addi %mul3A_196, %add3A_1105 : i32
      %mul3A_1107 = arith.constant 16 : i32
      %mul3A_1108 = arith.muli %add3A_1106, %mul3A_1107 : i32
      %multiple_of3A_1109 = tpu.assume_multiple %mul3A_1108, 16 : i32
      %get3A_1110 = arith.index_cast %multiple_of3A_1109 : i32 to index
      %get3A_1111 = tpu.vector_load %arg5[%get3A_1110] {strides = array<i32>} : memref<13312xi32, #tpu.memory_space<vmem>>, vector<16xi32>,
      %get3A_1112 = vector.shape_cast %get3A_1111 : vector<16xi32> to vector<16xi32>
      %add3A_1113 = arith.addi %get3A_1112, %mul3A_57 : vector<16xi32>
      %swap3A_1114 = arith.index_cast %multiple_of3A_1109 : i32 to index
      %swap3A_1115 = tpu.vector_load %arg5[%swap3A_1114] {strides = array<i32>} : memref<13312xi32, #tpu.memory_space<vmem>>, vector<16xi32>,
      %swap3A_1116 = vector.shape_cast %swap3A_1115 : vector<16xi32> to vector<16xi32>
      %swap3A_1117 = vector.shape_cast %add3A_1113 : vector<16xi32> to vector<16xi32>
      tpu.vector_store %arg5[%swap3A_1114], %swap3A_1117 {strides = array<i32>} : memref<13312xi32, #tpu.memory_space<vmem>>, vector<16xi32>,
      %add3A_1118 = arith.constant 71 : i32
      %add3A_1119 = arith.addi %mul3A_196, %add3A_1118 : i32
      %mul3A_1120 = arith.constant 16 : i32
      %mul3A_1121 = arith.muli %add3A_1119, %mul3A_1120 : i32
      %multiple_of3A_1122 = tpu.assume_multiple %mul3A_1121, 16 : i32
      %get3A_1123 = arith.index_cast %multiple_of3A_1122 : i32 to index
      %get3A_1124 = tpu.vector_load %arg5[%get3A_1123] {strides = array<i32>} : memref<13312xi32, #tpu.memory_space<vmem>>, vector<16xi32>,
      %get3A_1125 = vector.shape_cast %get3A_1124 : vector<16xi32> to vector<16xi32>
      %add3A_1126 = arith.addi %get3A_1125, %mul3A_66 : vector<16xi32>
      %swap3A_1127 = arith.index_cast %multiple_of3A_1122 : i32 to index
      %swap3A_1128 = tpu.vector_load %arg5[%swap3A_1127] {strides = array<i32>} : memref<13312xi32, #tpu.memory_space<vmem>>, vector<16xi32>,
      %swap3A_1129 = vector.shape_cast %swap3A_1128 : vector<16xi32> to vector<16xi32>
      %swap3A_1130 = vector.shape_cast %add3A_1126 : vector<16xi32> to vector<16xi32>
      tpu.vector_store %arg5[%swap3A_1127], %swap3A_1130 {strides = array<i32>} : memref<13312xi32, #tpu.memory_space<vmem>>, vector<16xi32>,
      %add3A_1131 = arith.constant 72 : i32
      %add3A_1132 = arith.addi %mul3A_196, %add3A_1131 : i32
      %mul3A_1133 = arith.constant 16 : i32
      %mul3A_1134 = arith.muli %add3A_1132, %mul3A_1133 : i32
      %multiple_of3A_1135 = tpu.assume_multiple %mul3A_1134, 16 : i32
      %get3A_1136 = arith.index_cast %multiple_of3A_1135 : i32 to index
      %get3A_1137 = tpu.vector_load %arg5[%get3A_1136] {strides = array<i32>} : memref<13312xi32, #tpu.memory_space<vmem>>, vector<16xi32>,
      %get3A_1138 = vector.shape_cast %get3A_1137 : vector<16xi32> to vector<16xi32>
      %add3A_1139 = arith.addi %get3A_1138, %mul3A_75 : vector<16xi32>
      %swap3A_1140 = arith.index_cast %multiple_of3A_1135 : i32 to index
      %swap3A_1141 = tpu.vector_load %arg5[%swap3A_1140] {strides = array<i32>} : memref<13312xi32, #tpu.memory_space<vmem>>, vector<16xi32>,
      %swap3A_1142 = vector.shape_cast %swap3A_1141 : vector<16xi32> to vector<16xi32>
      %swap3A_1143 = vector.shape_cast %add3A_1139 : vector<16xi32> to vector<16xi32>
      tpu.vector_store %arg5[%swap3A_1140], %swap3A_1143 {strides = array<i32>} : memref<13312xi32, #tpu.memory_space<vmem>>, vector<16xi32>,
      %add3A_1144 = arith.constant 73 : i32
      %add3A_1145 = arith.addi %mul3A_196, %add3A_1144 : i32
      %mul3A_1146 = arith.constant 16 : i32
      %mul3A_1147 = arith.muli %add3A_1145, %mul3A_1146 : i32
      %multiple_of3A_1148 = tpu.assume_multiple %mul3A_1147, 16 : i32
      %get3A_1149 = arith.index_cast %multiple_of3A_1148 : i32 to index
      %get3A_1150 = tpu.vector_load %arg5[%get3A_1149] {strides = array<i32>} : memref<13312xi32, #tpu.memory_space<vmem>>, vector<16xi32>,
      %get3A_1151 = vector.shape_cast %get3A_1150 : vector<16xi32> to vector<16xi32>
      %add3A_1152 = arith.addi %get3A_1151, %mul3A_84 : vector<16xi32>
      %swap3A_1153 = arith.index_cast %multiple_of3A_1148 : i32 to index
      %swap3A_1154 = tpu.vector_load %arg5[%swap3A_1153] {strides = array<i32>} : memref<13312xi32, #tpu.memory_space<vmem>>, vector<16xi32>,
      %swap3A_1155 = vector.shape_cast %swap3A_1154 : vector<16xi32> to vector<16xi32>
      %swap3A_1156 = vector.shape_cast %add3A_1152 : vector<16xi32> to vector<16xi32>
      tpu.vector_store %arg5[%swap3A_1153], %swap3A_1156 {strides = array<i32>} : memref<13312xi32, #tpu.memory_space<vmem>>, vector<16xi32>,
      %add3A_1157 = arith.constant 74 : i32
      %add3A_1158 = arith.addi %mul3A_196, %add3A_1157 : i32
      %mul3A_1159 = arith.constant 16 : i32
      %mul3A_1160 = arith.muli %add3A_1158, %mul3A_1159 : i32
      %multiple_of3A_1161 = tpu.assume_multiple %mul3A_1160, 16 : i32
      %get3A_1162 = arith.index_cast %multiple_of3A_1161 : i32 to index
      %get3A_1163 = tpu.vector_load %arg5[%get3A_1162] {strides = array<i32>} : memref<13312xi32, #tpu.memory_space<vmem>>, vector<16xi32>,
      %get3A_1164 = vector.shape_cast %get3A_1163 : vector<16xi32> to vector<16xi32>
      %add3A_1165 = arith.addi %get3A_1164, %mul3A_93 : vector<16xi32>
      %swap3A_1166 = arith.index_cast %multiple_of3A_1161 : i32 to index
      %swap3A_1167 = tpu.vector_load %arg5[%swap3A_1166] {strides = array<i32>} : memref<13312xi32, #tpu.memory_space<vmem>>, vector<16xi32>,
      %swap3A_1168 = vector.shape_cast %swap3A_1167 : vector<16xi32> to vector<16xi32>
      %swap3A_1169 = vector.shape_cast %add3A_1165 : vector<16xi32> to vector<16xi32>
      tpu.vector_store %arg5[%swap3A_1166], %swap3A_1169 {strides = array<i32>} : memref<13312xi32, #tpu.memory_space<vmem>>, vector<16xi32>,
      %add3A_1170 = arith.constant 75 : i32
      %add3A_1171 = arith.addi %mul3A_196, %add3A_1170 : i32
      %mul3A_1172 = arith.constant 16 : i32
      %mul3A_1173 = arith.muli %add3A_1171, %mul3A_1172 : i32
      %multiple_of3A_1174 = tpu.assume_multiple %mul3A_1173, 16 : i32
      %get3A_1175 = arith.index_cast %multiple_of3A_1174 : i32 to index
      %get3A_1176 = tpu.vector_load %arg5[%get3A_1175] {strides = array<i32>} : memref<13312xi32, #tpu.memory_space<vmem>>, vector<16xi32>,
      %get3A_1177 = vector.shape_cast %get3A_1176 : vector<16xi32> to vector<16xi32>
      %add3A_1178 = arith.addi %get3A_1177, %mul3A_102 : vector<16xi32>
      %swap3A_1179 = arith.index_cast %multiple_of3A_1174 : i32 to index
      %swap3A_1180 = tpu.vector_load %arg5[%swap3A_1179] {strides = array<i32>} : memref<13312xi32, #tpu.memory_space<vmem>>, vector<16xi32>,
      %swap3A_1181 = vector.shape_cast %swap3A_1180 : vector<16xi32> to vector<16xi32>
      %swap3A_1182 = vector.shape_cast %add3A_1178 : vector<16xi32> to vector<16xi32>
      tpu.vector_store %arg5[%swap3A_1179], %swap3A_1182 {strides = array<i32>} : memref<13312xi32, #tpu.memory_space<vmem>>, vector<16xi32>,
      %add3A_1183 = arith.constant 76 : i32
      %add3A_1184 = arith.addi %mul3A_196, %add3A_1183 : i32
      %mul3A_1185 = arith.constant 16 : i32
      %mul3A_1186 = arith.muli %add3A_1184, %mul3A_1185 : i32
      %multiple_of3A_1187 = tpu.assume_multiple %mul3A_1186, 16 : i32
      %get3A_1188 = arith.index_cast %multiple_of3A_1187 : i32 to index
      %get3A_1189 = tpu.vector_load %arg5[%get3A_1188] {strides = array<i32>} : memref<13312xi32, #tpu.memory_space<vmem>>, vector<16xi32>,
      %get3A_1190 = vector.shape_cast %get3A_1189 : vector<16xi32> to vector<16xi32>
      %add3A_1191 = arith.addi %get3A_1190, %mul3A_111 : vector<16xi32>
      %swap3A_1192 = arith.index_cast %multiple_of3A_1187 : i32 to index
      %swap3A_1193 = tpu.vector_load %arg5[%swap3A_1192] {strides = array<i32>} : memref<13312xi32, #tpu.memory_space<vmem>>, vector<16xi32>,
      %swap3A_1194 = vector.shape_cast %swap3A_1193 : vector<16xi32> to vector<16xi32>
      %swap3A_1195 = vector.shape_cast %add3A_1191 : vector<16xi32> to vector<16xi32>
      tpu.vector_store %arg5[%swap3A_1192], %swap3A_1195 {strides = array<i32>} : memref<13312xi32, #tpu.memory_space<vmem>>, vector<16xi32>,
      %add3A_1196 = arith.constant 77 : i32
      %add3A_1197 = arith.addi %mul3A_196, %add3A_1196 : i32
      %mul3A_1198 = arith.constant 16 : i32
      %mul3A_1199 = arith.muli %add3A_1197, %mul3A_1198 : i32
      %multiple_of3A_1200 = tpu.assume_multiple %mul3A_1199, 16 : i32
      %get3A_1201 = arith.index_cast %multiple_of3A_1200 : i32 to index
      %get3A_1202 = tpu.vector_load %arg5[%get3A_1201] {strides = array<i32>} : memref<13312xi32, #tpu.memory_space<vmem>>, vector<16xi32>,
      %get3A_1203 = vector.shape_cast %get3A_1202 : vector<16xi32> to vector<16xi32>
      %add3A_1204 = arith.addi %get3A_1203, %mul3A_120 : vector<16xi32>
      %swap3A_1205 = arith.index_cast %multiple_of3A_1200 : i32 to index
      %swap3A_1206 = tpu.vector_load %arg5[%swap3A_1205] {strides = array<i32>} : memref<13312xi32, #tpu.memory_space<vmem>>, vector<16xi32>,
      %swap3A_1207 = vector.shape_cast %swap3A_1206 : vector<16xi32> to vector<16xi32>
      %swap3A_1208 = vector.shape_cast %add3A_1204 : vector<16xi32> to vector<16xi32>
      tpu.vector_store %arg5[%swap3A_1205], %swap3A_1208 {strides = array<i32>} : memref<13312xi32, #tpu.memory_space<vmem>>, vector<16xi32>,
      %add3A_1209 = arith.constant 78 : i32
      %add3A_1210 = arith.addi %mul3A_196, %add3A_1209 : i32
      %mul3A_1211 = arith.constant 16 : i32
      %mul3A_1212 = arith.muli %add3A_1210, %mul3A_1211 : i32
      %multiple_of3A_1213 = tpu.assume_multiple %mul3A_1212, 16 : i32
      %get3A_1214 = arith.index_cast %multiple_of3A_1213 : i32 to index
      %get3A_1215 = tpu.vector_load %arg5[%get3A_1214] {strides = array<i32>} : memref<13312xi32, #tpu.memory_space<vmem>>, vector<16xi32>,
      %get3A_1216 = vector.shape_cast %get3A_1215 : vector<16xi32> to vector<16xi32>
      %add3A_1217 = arith.addi %get3A_1216, %mul3A_12 : vector<16xi32>
      %swap3A_1218 = arith.index_cast %multiple_of3A_1213 : i32 to index
      %swap3A_1219 = tpu.vector_load %arg5[%swap3A_1218] {strides = array<i32>} : memref<13312xi32, #tpu.memory_space<vmem>>, vector<16xi32>,
      %swap3A_1220 = vector.shape_cast %swap3A_1219 : vector<16xi32> to vector<16xi32>
      %swap3A_1221 = vector.shape_cast %add3A_1217 : vector<16xi32> to vector<16xi32>
      tpu.vector_store %arg5[%swap3A_1218], %swap3A_1221 {strides = array<i32>} : memref<13312xi32, #tpu.memory_space<vmem>>, vector<16xi32>,
      %add3A_1222 = arith.constant 79 : i32
      %add3A_1223 = arith.addi %mul3A_196, %add3A_1222 : i32
      %mul3A_1224 = arith.constant 16 : i32
      %mul3A_1225 = arith.muli %add3A_1223, %mul3A_1224 : i32
      %multiple_of3A_1226 = tpu.assume_multiple %mul3A_1225, 16 : i32
      %get3A_1227 = arith.index_cast %multiple_of3A_1226 : i32 to index
      %get3A_1228 = tpu.vector_load %arg5[%get3A_1227] {strides = array<i32>} : memref<13312xi32, #tpu.memory_space<vmem>>, vector<16xi32>,
      %get3A_1229 = vector.shape_cast %get3A_1228 : vector<16xi32> to vector<16xi32>
      %add3A_1230 = arith.addi %get3A_1229, %mul3A_21 : vector<16xi32>
      %swap3A_1231 = arith.index_cast %multiple_of3A_1226 : i32 to index
      %swap3A_1232 = tpu.vector_load %arg5[%swap3A_1231] {strides = array<i32>} : memref<13312xi32, #tpu.memory_space<vmem>>, vector<16xi32>,
      %swap3A_1233 = vector.shape_cast %swap3A_1232 : vector<16xi32> to vector<16xi32>
      %swap3A_1234 = vector.shape_cast %add3A_1230 : vector<16xi32> to vector<16xi32>
      tpu.vector_store %arg5[%swap3A_1231], %swap3A_1234 {strides = array<i32>} : memref<13312xi32, #tpu.memory_space<vmem>>, vector<16xi32>,
      %add3A_1235 = arith.constant 80 : i32
      %add3A_1236 = arith.addi %mul3A_196, %add3A_1235 : i32
      %mul3A_1237 = arith.constant 16 : i32
      %mul3A_1238 = arith.muli %add3A_1236, %mul3A_1237 : i32
      %multiple_of3A_1239 = tpu.assume_multiple %mul3A_1238, 16 : i32
      %get3A_1240 = arith.index_cast %multiple_of3A_1239 : i32 to index
      %get3A_1241 = tpu.vector_load %arg5[%get3A_1240] {strides = array<i32>} : memref<13312xi32, #tpu.memory_space<vmem>>, vector<16xi32>,
      %get3A_1242 = vector.shape_cast %get3A_1241 : vector<16xi32> to vector<16xi32>
      %add3A_1243 = arith.addi %get3A_1242, %mul3A_30 : vector<16xi32>
      %swap3A_1244 = arith.index_cast %multiple_of3A_1239 : i32 to index
      %swap3A_1245 = tpu.vector_load %arg5[%swap3A_1244] {strides = array<i32>} : memref<13312xi32, #tpu.memory_space<vmem>>, vector<16xi32>,
      %swap3A_1246 = vector.shape_cast %swap3A_1245 : vector<16xi32> to vector<16xi32>
      %swap3A_1247 = vector.shape_cast %add3A_1243 : vector<16xi32> to vector<16xi32>
      tpu.vector_store %arg5[%swap3A_1244], %swap3A_1247 {strides = array<i32>} : memref<13312xi32, #tpu.memory_space<vmem>>, vector<16xi32>,
      %add3A_1248 = arith.constant 81 : i32
      %add3A_1249 = arith.addi %mul3A_196, %add3A_1248 : i32
      %mul3A_1250 = arith.constant 16 : i32
      %mul3A_1251 = arith.muli %add3A_1249, %mul3A_1250 : i32
      %multiple_of3A_1252 = tpu.assume_multiple %mul3A_1251, 16 : i32
      %get3A_1253 = arith.index_cast %multiple_of3A_1252 : i32 to index
      %get3A_1254 = tpu.vector_load %arg5[%get3A_1253] {strides = array<i32>} : memref<13312xi32, #tpu.memory_space<vmem>>, vector<16xi32>,
      %get3A_1255 = vector.shape_cast %get3A_1254 : vector<16xi32> to vector<16xi32>
      %add3A_1256 = arith.addi %get3A_1255, %mul3A_39 : vector<16xi32>
      %swap3A_1257 = arith.index_cast %multiple_of3A_1252 : i32 to index
      %swap3A_1258 = tpu.vector_load %arg5[%swap3A_1257] {strides = array<i32>} : memref<13312xi32, #tpu.memory_space<vmem>>, vector<16xi32>,
      %swap3A_1259 = vector.shape_cast %swap3A_1258 : vector<16xi32> to vector<16xi32>
      %swap3A_1260 = vector.shape_cast %add3A_1256 : vector<16xi32> to vector<16xi32>
      tpu.vector_store %arg5[%swap3A_1257], %swap3A_1260 {strides = array<i32>} : memref<13312xi32, #tpu.memory_space<vmem>>, vector<16xi32>,
      %add3A_1261 = arith.constant 82 : i32
      %add3A_1262 = arith.addi %mul3A_196, %add3A_1261 : i32
      %mul3A_1263 = arith.constant 16 : i32
      %mul3A_1264 = arith.muli %add3A_1262, %mul3A_1263 : i32
      %multiple_of3A_1265 = tpu.assume_multiple %mul3A_1264, 16 : i32
      %get3A_1266 = arith.index_cast %multiple_of3A_1265 : i32 to index
      %get3A_1267 = tpu.vector_load %arg5[%get3A_1266] {strides = array<i32>} : memref<13312xi32, #tpu.memory_space<vmem>>, vector<16xi32>,
      %get3A_1268 = vector.shape_cast %get3A_1267 : vector<16xi32> to vector<16xi32>
      %add3A_1269 = arith.addi %get3A_1268, %mul3A_48 : vector<16xi32>
      %swap3A_1270 = arith.index_cast %multiple_of3A_1265 : i32 to index
      %swap3A_1271 = tpu.vector_load %arg5[%swap3A_1270] {strides = array<i32>} : memref<13312xi32, #tpu.memory_space<vmem>>, vector<16xi32>,
      %swap3A_1272 = vector.shape_cast %swap3A_1271 : vector<16xi32> to vector<16xi32>
      %swap3A_1273 = vector.shape_cast %add3A_1269 : vector<16xi32> to vector<16xi32>
      tpu.vector_store %arg5[%swap3A_1270], %swap3A_1273 {strides = array<i32>} : memref<13312xi32, #tpu.memory_space<vmem>>, vector<16xi32>,
      %add3A_1274 = arith.constant 83 : i32
      %add3A_1275 = arith.addi %mul3A_196, %add3A_1274 : i32
      %mul3A_1276 = arith.constant 16 : i32
      %mul3A_1277 = arith.muli %add3A_1275, %mul3A_1276 : i32
      %multiple_of3A_1278 = tpu.assume_multiple %mul3A_1277, 16 : i32
      %get3A_1279 = arith.index_cast %multiple_of3A_1278 : i32 to index
      %get3A_1280 = tpu.vector_load %arg5[%get3A_1279] {strides = array<i32>} : memref<13312xi32, #tpu.memory_space<vmem>>, vector<16xi32>,
      %get3A_1281 = vector.shape_cast %get3A_1280 : vector<16xi32> to vector<16xi32>
      %add3A_1282 = arith.addi %get3A_1281, %mul3A_57 : vector<16xi32>
      %swap3A_1283 = arith.index_cast %multiple_of3A_1278 : i32 to index
      %swap3A_1284 = tpu.vector_load %arg5[%swap3A_1283] {strides = array<i32>} : memref<13312xi32, #tpu.memory_space<vmem>>, vector<16xi32>,
      %swap3A_1285 = vector.shape_cast %swap3A_1284 : vector<16xi32> to vector<16xi32>
      %swap3A_1286 = vector.shape_cast %add3A_1282 : vector<16xi32> to vector<16xi32>
      tpu.vector_store %arg5[%swap3A_1283], %swap3A_1286 {strides = array<i32>} : memref<13312xi32, #tpu.memory_space<vmem>>, vector<16xi32>,
      %add3A_1287 = arith.constant 84 : i32
      %add3A_1288 = arith.addi %mul3A_196, %add3A_1287 : i32
      %mul3A_1289 = arith.constant 16 : i32
      %mul3A_1290 = arith.muli %add3A_1288, %mul3A_1289 : i32
      %multiple_of3A_1291 = tpu.assume_multiple %mul3A_1290, 16 : i32
      %get3A_1292 = arith.index_cast %multiple_of3A_1291 : i32 to index
      %get3A_1293 = tpu.vector_load %arg5[%get3A_1292] {strides = array<i32>} : memref<13312xi32, #tpu.memory_space<vmem>>, vector<16xi32>,
      %get3A_1294 = vector.shape_cast %get3A_1293 : vector<16xi32> to vector<16xi32>
      %add3A_1295 = arith.addi %get3A_1294, %mul3A_66 : vector<16xi32>
      %swap3A_1296 = arith.index_cast %multiple_of3A_1291 : i32 to index
      %swap3A_1297 = tpu.vector_load %arg5[%swap3A_1296] {strides = array<i32>} : memref<13312xi32, #tpu.memory_space<vmem>>, vector<16xi32>,
      %swap3A_1298 = vector.shape_cast %swap3A_1297 : vector<16xi32> to vector<16xi32>
      %swap3A_1299 = vector.shape_cast %add3A_1295 : vector<16xi32> to vector<16xi32>
      tpu.vector_store %arg5[%swap3A_1296], %swap3A_1299 {strides = array<i32>} : memref<13312xi32, #tpu.memory_space<vmem>>, vector<16xi32>,
      %add3A_1300 = arith.constant 85 : i32
      %add3A_1301 = arith.addi %mul3A_196, %add3A_1300 : i32
      %mul3A_1302 = arith.constant 16 : i32
      %mul3A_1303 = arith.muli %add3A_1301, %mul3A_1302 : i32
      %multiple_of3A_1304 = tpu.assume_multiple %mul3A_1303, 16 : i32
      %get3A_1305 = arith.index_cast %multiple_of3A_1304 : i32 to index
      %get3A_1306 = tpu.vector_load %arg5[%get3A_1305] {strides = array<i32>} : memref<13312xi32, #tpu.memory_space<vmem>>, vector<16xi32>,
      %get3A_1307 = vector.shape_cast %get3A_1306 : vector<16xi32> to vector<16xi32>
      %add3A_1308 = arith.addi %get3A_1307, %mul3A_75 : vector<16xi32>
      %swap3A_1309 = arith.index_cast %multiple_of3A_1304 : i32 to index
      %swap3A_1310 = tpu.vector_load %arg5[%swap3A_1309] {strides = array<i32>} : memref<13312xi32, #tpu.memory_space<vmem>>, vector<16xi32>,
      %swap3A_1311 = vector.shape_cast %swap3A_1310 : vector<16xi32> to vector<16xi32>
      %swap3A_1312 = vector.shape_cast %add3A_1308 : vector<16xi32> to vector<16xi32>
      tpu.vector_store %arg5[%swap3A_1309], %swap3A_1312 {strides = array<i32>} : memref<13312xi32, #tpu.memory_space<vmem>>, vector<16xi32>,
      %add3A_1313 = arith.constant 86 : i32
      %add3A_1314 = arith.addi %mul3A_196, %add3A_1313 : i32
      %mul3A_1315 = arith.constant 16 : i32
      %mul3A_1316 = arith.muli %add3A_1314, %mul3A_1315 : i32
      %multiple_of3A_1317 = tpu.assume_multiple %mul3A_1316, 16 : i32
      %get3A_1318 = arith.index_cast %multiple_of3A_1317 : i32 to index
      %get3A_1319 = tpu.vector_load %arg5[%get3A_1318] {strides = array<i32>} : memref<13312xi32, #tpu.memory_space<vmem>>, vector<16xi32>,
      %get3A_1320 = vector.shape_cast %get3A_1319 : vector<16xi32> to vector<16xi32>
      %add3A_1321 = arith.addi %get3A_1320, %mul3A_84 : vector<16xi32>
      %swap3A_1322 = arith.index_cast %multiple_of3A_1317 : i32 to index
      %swap3A_1323 = tpu.vector_load %arg5[%swap3A_1322] {strides = array<i32>} : memref<13312xi32, #tpu.memory_space<vmem>>, vector<16xi32>,
      %swap3A_1324 = vector.shape_cast %swap3A_1323 : vector<16xi32> to vector<16xi32>
      %swap3A_1325 = vector.shape_cast %add3A_1321 : vector<16xi32> to vector<16xi32>
      tpu.vector_store %arg5[%swap3A_1322], %swap3A_1325 {strides = array<i32>} : memref<13312xi32, #tpu.memory_space<vmem>>, vector<16xi32>,
      %add3A_1326 = arith.constant 87 : i32
      %add3A_1327 = arith.addi %mul3A_196, %add3A_1326 : i32
      %mul3A_1328 = arith.constant 16 : i32
      %mul3A_1329 = arith.muli %add3A_1327, %mul3A_1328 : i32
      %multiple_of3A_1330 = tpu.assume_multiple %mul3A_1329, 16 : i32
      %get3A_1331 = arith.index_cast %multiple_of3A_1330 : i32 to index
      %get3A_1332 = tpu.vector_load %arg5[%get3A_1331] {strides = array<i32>} : memref<13312xi32, #tpu.memory_space<vmem>>, vector<16xi32>,
      %get3A_1333 = vector.shape_cast %get3A_1332 : vector<16xi32> to vector<16xi32>
      %add3A_1334 = arith.addi %get3A_1333, %mul3A_93 : vector<16xi32>
      %swap3A_1335 = arith.index_cast %multiple_of3A_1330 : i32 to index
      %swap3A_1336 = tpu.vector_load %arg5[%swap3A_1335] {strides = array<i32>} : memref<13312xi32, #tpu.memory_space<vmem>>, vector<16xi32>,
      %swap3A_1337 = vector.shape_cast %swap3A_1336 : vector<16xi32> to vector<16xi32>
      %swap3A_1338 = vector.shape_cast %add3A_1334 : vector<16xi32> to vector<16xi32>
      tpu.vector_store %arg5[%swap3A_1335], %swap3A_1338 {strides = array<i32>} : memref<13312xi32, #tpu.memory_space<vmem>>, vector<16xi32>,
      %add3A_1339 = arith.constant 88 : i32
      %add3A_1340 = arith.addi %mul3A_196, %add3A_1339 : i32
      %mul3A_1341 = arith.constant 16 : i32
      %mul3A_1342 = arith.muli %add3A_1340, %mul3A_1341 : i32
      %multiple_of3A_1343 = tpu.assume_multiple %mul3A_1342, 16 : i32
      %get3A_1344 = arith.index_cast %multiple_of3A_1343 : i32 to index
      %get3A_1345 = tpu.vector_load %arg5[%get3A_1344] {strides = array<i32>} : memref<13312xi32, #tpu.memory_space<vmem>>, vector<16xi32>,
      %get3A_1346 = vector.shape_cast %get3A_1345 : vector<16xi32> to vector<16xi32>
      %add3A_1347 = arith.addi %get3A_1346, %mul3A_102 : vector<16xi32>
      %swap3A_1348 = arith.index_cast %multiple_of3A_1343 : i32 to index
      %swap3A_1349 = tpu.vector_load %arg5[%swap3A_1348] {strides = array<i32>} : memref<13312xi32, #tpu.memory_space<vmem>>, vector<16xi32>,
      %swap3A_1350 = vector.shape_cast %swap3A_1349 : vector<16xi32> to vector<16xi32>
      %swap3A_1351 = vector.shape_cast %add3A_1347 : vector<16xi32> to vector<16xi32>
      tpu.vector_store %arg5[%swap3A_1348], %swap3A_1351 {strides = array<i32>} : memref<13312xi32, #tpu.memory_space<vmem>>, vector<16xi32>,
      %add3A_1352 = arith.constant 89 : i32
      %add3A_1353 = arith.addi %mul3A_196, %add3A_1352 : i32
      %mul3A_1354 = arith.constant 16 : i32
      %mul3A_1355 = arith.muli %add3A_1353, %mul3A_1354 : i32
      %multiple_of3A_1356 = tpu.assume_multiple %mul3A_1355, 16 : i32
      %get3A_1357 = arith.index_cast %multiple_of3A_1356 : i32 to index
      %get3A_1358 = tpu.vector_load %arg5[%get3A_1357] {strides = array<i32>} : memref<13312xi32, #tpu.memory_space<vmem>>, vector<16xi32>,
      %get3A_1359 = vector.shape_cast %get3A_1358 : vector<16xi32> to vector<16xi32>
      %add3A_1360 = arith.addi %get3A_1359, %mul3A_111 : vector<16xi32>
      %swap3A_1361 = arith.index_cast %multiple_of3A_1356 : i32 to index
      %swap3A_1362 = tpu.vector_load %arg5[%swap3A_1361] {strides = array<i32>} : memref<13312xi32, #tpu.memory_space<vmem>>, vector<16xi32>,
      %swap3A_1363 = vector.shape_cast %swap3A_1362 : vector<16xi32> to vector<16xi32>
      %swap3A_1364 = vector.shape_cast %add3A_1360 : vector<16xi32> to vector<16xi32>
      tpu.vector_store %arg5[%swap3A_1361], %swap3A_1364 {strides = array<i32>} : memref<13312xi32, #tpu.memory_space<vmem>>, vector<16xi32>,
      %add3A_1365 = arith.constant 90 : i32
      %add3A_1366 = arith.addi %mul3A_196, %add3A_1365 : i32
      %mul3A_1367 = arith.constant 16 : i32
      %mul3A_1368 = arith.muli %add3A_1366, %mul3A_1367 : i32
      %multiple_of3A_1369 = tpu.assume_multiple %mul3A_1368, 16 : i32
      %get3A_1370 = arith.index_cast %multiple_of3A_1369 : i32 to index
      %get3A_1371 = tpu.vector_load %arg5[%get3A_1370] {strides = array<i32>} : memref<13312xi32, #tpu.memory_space<vmem>>, vector<16xi32>,
      %get3A_1372 = vector.shape_cast %get3A_1371 : vector<16xi32> to vector<16xi32>
      %add3A_1373 = arith.addi %get3A_1372, %mul3A_120 : vector<16xi32>
      %swap3A_1374 = arith.index_cast %multiple_of3A_1369 : i32 to index
      %swap3A_1375 = tpu.vector_load %arg5[%swap3A_1374] {strides = array<i32>} : memref<13312xi32, #tpu.memory_space<vmem>>, vector<16xi32>,
      %swap3A_1376 = vector.shape_cast %swap3A_1375 : vector<16xi32> to vector<16xi32>
      %swap3A_1377 = vector.shape_cast %add3A_1373 : vector<16xi32> to vector<16xi32>
      tpu.vector_store %arg5[%swap3A_1374], %swap3A_1377 {strides = array<i32>} : memref<13312xi32, #tpu.memory_space<vmem>>, vector<16xi32>,
      %add3A_1378 = arith.constant 91 : i32
      %add3A_1379 = arith.addi %mul3A_196, %add3A_1378 : i32
      %mul3A_1380 = arith.constant 16 : i32
      %mul3A_1381 = arith.muli %add3A_1379, %mul3A_1380 : i32
      %multiple_of3A_1382 = tpu.assume_multiple %mul3A_1381, 16 : i32
      %get3A_1383 = arith.index_cast %multiple_of3A_1382 : i32 to index
      %get3A_1384 = tpu.vector_load %arg5[%get3A_1383] {strides = array<i32>} : memref<13312xi32, #tpu.memory_space<vmem>>, vector<16xi32>,
      %get3A_1385 = vector.shape_cast %get3A_1384 : vector<16xi32> to vector<16xi32>
      %add3A_1386 = arith.addi %get3A_1385, %mul3A_12 : vector<16xi32>
      %swap3A_1387 = arith.index_cast %multiple_of3A_1382 : i32 to index
      %swap3A_1388 = tpu.vector_load %arg5[%swap3A_1387] {strides = array<i32>} : memref<13312xi32, #tpu.memory_space<vmem>>, vector<16xi32>,
      %swap3A_1389 = vector.shape_cast %swap3A_1388 : vector<16xi32> to vector<16xi32>
      %swap3A_1390 = vector.shape_cast %add3A_1386 : vector<16xi32> to vector<16xi32>
      tpu.vector_store %arg5[%swap3A_1387], %swap3A_1390 {strides = array<i32>} : memref<13312xi32, #tpu.memory_space<vmem>>, vector<16xi32>,
      %add3A_1391 = arith.constant 92 : i32
      %add3A_1392 = arith.addi %mul3A_196, %add3A_1391 : i32
      %mul3A_1393 = arith.constant 16 : i32
      %mul3A_1394 = arith.muli %add3A_1392, %mul3A_1393 : i32
      %multiple_of3A_1395 = tpu.assume_multiple %mul3A_1394, 16 : i32
      %get3A_1396 = arith.index_cast %multiple_of3A_1395 : i32 to index
      %get3A_1397 = tpu.vector_load %arg5[%get3A_1396] {strides = array<i32>} : memref<13312xi32, #tpu.memory_space<vmem>>, vector<16xi32>,
      %get3A_1398 = vector.shape_cast %get3A_1397 : vector<16xi32> to vector<16xi32>
      %add3A_1399 = arith.addi %get3A_1398, %mul3A_21 : vector<16xi32>
      %swap3A_1400 = arith.index_cast %multiple_of3A_1395 : i32 to index
      %swap3A_1401 = tpu.vector_load %arg5[%swap3A_1400] {strides = array<i32>} : memref<13312xi32, #tpu.memory_space<vmem>>, vector<16xi32>,
      %swap3A_1402 = vector.shape_cast %swap3A_1401 : vector<16xi32> to vector<16xi32>
      %swap3A_1403 = vector.shape_cast %add3A_1399 : vector<16xi32> to vector<16xi32>
      tpu.vector_store %arg5[%swap3A_1400], %swap3A_1403 {strides = array<i32>} : memref<13312xi32, #tpu.memory_space<vmem>>, vector<16xi32>,
      %add3A_1404 = arith.constant 93 : i32
      %add3A_1405 = arith.addi %mul3A_196, %add3A_1404 : i32
      %mul3A_1406 = arith.constant 16 : i32
      %mul3A_1407 = arith.muli %add3A_1405, %mul3A_1406 : i32
      %multiple_of3A_1408 = tpu.assume_multiple %mul3A_1407, 16 : i32
      %get3A_1409 = arith.index_cast %multiple_of3A_1408 : i32 to index
      %get3A_1410 = tpu.vector_load %arg5[%get3A_1409] {strides = array<i32>} : memref<13312xi32, #tpu.memory_space<vmem>>, vector<16xi32>,
      %get3A_1411 = vector.shape_cast %get3A_1410 : vector<16xi32> to vector<16xi32>
      %add3A_1412 = arith.addi %get3A_1411, %mul3A_30 : vector<16xi32>
      %swap3A_1413 = arith.index_cast %multiple_of3A_1408 : i32 to index
      %swap3A_1414 = tpu.vector_load %arg5[%swap3A_1413] {strides = array<i32>} : memref<13312xi32, #tpu.memory_space<vmem>>, vector<16xi32>,
      %swap3A_1415 = vector.shape_cast %swap3A_1414 : vector<16xi32> to vector<16xi32>
      %swap3A_1416 = vector.shape_cast %add3A_1412 : vector<16xi32> to vector<16xi32>
      tpu.vector_store %arg5[%swap3A_1413], %swap3A_1416 {strides = array<i32>} : memref<13312xi32, #tpu.memory_space<vmem>>, vector<16xi32>,
      %add3A_1417 = arith.constant 94 : i32
      %add3A_1418 = arith.addi %mul3A_196, %add3A_1417 : i32
      %mul3A_1419 = arith.constant 16 : i32
      %mul3A_1420 = arith.muli %add3A_1418, %mul3A_1419 : i32
      %multiple_of3A_1421 = tpu.assume_multiple %mul3A_1420, 16 : i32
      %get3A_1422 = arith.index_cast %multiple_of3A_1421 : i32 to index
      %get3A_1423 = tpu.vector_load %arg5[%get3A_1422] {strides = array<i32>} : memref<13312xi32, #tpu.memory_space<vmem>>, vector<16xi32>,
      %get3A_1424 = vector.shape_cast %get3A_1423 : vector<16xi32> to vector<16xi32>
      %add3A_1425 = arith.addi %get3A_1424, %mul3A_39 : vector<16xi32>
      %swap3A_1426 = arith.index_cast %multiple_of3A_1421 : i32 to index
      %swap3A_1427 = tpu.vector_load %arg5[%swap3A_1426] {strides = array<i32>} : memref<13312xi32, #tpu.memory_space<vmem>>, vector<16xi32>,
      %swap3A_1428 = vector.shape_cast %swap3A_1427 : vector<16xi32> to vector<16xi32>
      %swap3A_1429 = vector.shape_cast %add3A_1425 : vector<16xi32> to vector<16xi32>
      tpu.vector_store %arg5[%swap3A_1426], %swap3A_1429 {strides = array<i32>} : memref<13312xi32, #tpu.memory_space<vmem>>, vector<16xi32>,
      %add3A_1430 = arith.constant 95 : i32
      %add3A_1431 = arith.addi %mul3A_196, %add3A_1430 : i32
      %mul3A_1432 = arith.constant 16 : i32
      %mul3A_1433 = arith.muli %add3A_1431, %mul3A_1432 : i32
      %multiple_of3A_1434 = tpu.assume_multiple %mul3A_1433, 16 : i32
      %get3A_1435 = arith.index_cast %multiple_of3A_1434 : i32 to index
      %get3A_1436 = tpu.vector_load %arg5[%get3A_1435] {strides = array<i32>} : memref<13312xi32, #tpu.memory_space<vmem>>, vector<16xi32>,
      %get3A_1437 = vector.shape_cast %get3A_1436 : vector<16xi32> to vector<16xi32>
      %add3A_1438 = arith.addi %get3A_1437, %mul3A_48 : vector<16xi32>
      %swap3A_1439 = arith.index_cast %multiple_of3A_1434 : i32 to index
      %swap3A_1440 = tpu.vector_load %arg5[%swap3A_1439] {strides = array<i32>} : memref<13312xi32, #tpu.memory_space<vmem>>, vector<16xi32>,
      %swap3A_1441 = vector.shape_cast %swap3A_1440 : vector<16xi32> to vector<16xi32>
      %swap3A_1442 = vector.shape_cast %add3A_1438 : vector<16xi32> to vector<16xi32>
      tpu.vector_store %arg5[%swap3A_1439], %swap3A_1442 {strides = array<i32>} : memref<13312xi32, #tpu.memory_space<vmem>>, vector<16xi32>,
      %add3A_1443 = arith.constant 96 : i32
      %add3A_1444 = arith.addi %mul3A_196, %add3A_1443 : i32
      %mul3A_1445 = arith.constant 16 : i32
      %mul3A_1446 = arith.muli %add3A_1444, %mul3A_1445 : i32
      %multiple_of3A_1447 = tpu.assume_multiple %mul3A_1446, 16 : i32
      %get3A_1448 = arith.index_cast %multiple_of3A_1447 : i32 to index
      %get3A_1449 = tpu.vector_load %arg5[%get3A_1448] {strides = array<i32>} : memref<13312xi32, #tpu.memory_space<vmem>>, vector<16xi32>,
      %get3A_1450 = vector.shape_cast %get3A_1449 : vector<16xi32> to vector<16xi32>
      %add3A_1451 = arith.addi %get3A_1450, %mul3A_57 : vector<16xi32>
      %swap3A_1452 = arith.index_cast %multiple_of3A_1447 : i32 to index
      %swap3A_1453 = tpu.vector_load %arg5[%swap3A_1452] {strides = array<i32>} : memref<13312xi32, #tpu.memory_space<vmem>>, vector<16xi32>,
      %swap3A_1454 = vector.shape_cast %swap3A_1453 : vector<16xi32> to vector<16xi32>
      %swap3A_1455 = vector.shape_cast %add3A_1451 : vector<16xi32> to vector<16xi32>
      tpu.vector_store %arg5[%swap3A_1452], %swap3A_1455 {strides = array<i32>} : memref<13312xi32, #tpu.memory_space<vmem>>, vector<16xi32>,
      %add3A_1456 = arith.constant 97 : i32
      %add3A_1457 = arith.addi %mul3A_196, %add3A_1456 : i32
      %mul3A_1458 = arith.constant 16 : i32
      %mul3A_1459 = arith.muli %add3A_1457, %mul3A_1458 : i32
      %multiple_of3A_1460 = tpu.assume_multiple %mul3A_1459, 16 : i32
      %get3A_1461 = arith.index_cast %multiple_of3A_1460 : i32 to index
      %get3A_1462 = tpu.vector_load %arg5[%get3A_1461] {strides = array<i32>} : memref<13312xi32, #tpu.memory_space<vmem>>, vector<16xi32>,
      %get3A_1463 = vector.shape_cast %get3A_1462 : vector<16xi32> to vector<16xi32>
      %add3A_1464 = arith.addi %get3A_1463, %mul3A_66 : vector<16xi32>
      %swap3A_1465 = arith.index_cast %multiple_of3A_1460 : i32 to index
      %swap3A_1466 = tpu.vector_load %arg5[%swap3A_1465] {strides = array<i32>} : memref<13312xi32, #tpu.memory_space<vmem>>, vector<16xi32>,
      %swap3A_1467 = vector.shape_cast %swap3A_1466 : vector<16xi32> to vector<16xi32>
      %swap3A_1468 = vector.shape_cast %add3A_1464 : vector<16xi32> to vector<16xi32>
      tpu.vector_store %arg5[%swap3A_1465], %swap3A_1468 {strides = array<i32>} : memref<13312xi32, #tpu.memory_space<vmem>>, vector<16xi32>,
      %add3A_1469 = arith.constant 98 : i32
      %add3A_1470 = arith.addi %mul3A_196, %add3A_1469 : i32
      %mul3A_1471 = arith.constant 16 : i32
      %mul3A_1472 = arith.muli %add3A_1470, %mul3A_1471 : i32
      %multiple_of3A_1473 = tpu.assume_multiple %mul3A_1472, 16 : i32
      %get3A_1474 = arith.index_cast %multiple_of3A_1473 : i32 to index
      %get3A_1475 = tpu.vector_load %arg5[%get3A_1474] {strides = array<i32>} : memref<13312xi32, #tpu.memory_space<vmem>>, vector<16xi32>,
      %get3A_1476 = vector.shape_cast %get3A_1475 : vector<16xi32> to vector<16xi32>
      %add3A_1477 = arith.addi %get3A_1476, %mul3A_75 : vector<16xi32>
      %swap3A_1478 = arith.index_cast %multiple_of3A_1473 : i32 to index
      %swap3A_1479 = tpu.vector_load %arg5[%swap3A_1478] {strides = array<i32>} : memref<13312xi32, #tpu.memory_space<vmem>>, vector<16xi32>,
      %swap3A_1480 = vector.shape_cast %swap3A_1479 : vector<16xi32> to vector<16xi32>
      %swap3A_1481 = vector.shape_cast %add3A_1477 : vector<16xi32> to vector<16xi32>
      tpu.vector_store %arg5[%swap3A_1478], %swap3A_1481 {strides = array<i32>} : memref<13312xi32, #tpu.memory_space<vmem>>, vector<16xi32>,
      %add3A_1482 = arith.constant 99 : i32
      %add3A_1483 = arith.addi %mul3A_196, %add3A_1482 : i32
      %mul3A_1484 = arith.constant 16 : i32
      %mul3A_1485 = arith.muli %add3A_1483, %mul3A_1484 : i32
      %multiple_of3A_1486 = tpu.assume_multiple %mul3A_1485, 16 : i32
      %get3A_1487 = arith.index_cast %multiple_of3A_1486 : i32 to index
      %get3A_1488 = tpu.vector_load %arg5[%get3A_1487] {strides = array<i32>} : memref<13312xi32, #tpu.memory_space<vmem>>, vector<16xi32>,
      %get3A_1489 = vector.shape_cast %get3A_1488 : vector<16xi32> to vector<16xi32>
      %add3A_1490 = arith.addi %get3A_1489, %mul3A_84 : vector<16xi32>
      %swap3A_1491 = arith.index_cast %multiple_of3A_1486 : i32 to index
      %swap3A_1492 = tpu.vector_load %arg5[%swap3A_1491] {strides = array<i32>} : memref<13312xi32, #tpu.memory_space<vmem>>, vector<16xi32>,
      %swap3A_1493 = vector.shape_cast %swap3A_1492 : vector<16xi32> to vector<16xi32>
      %swap3A_1494 = vector.shape_cast %add3A_1490 : vector<16xi32> to vector<16xi32>
      tpu.vector_store %arg5[%swap3A_1491], %swap3A_1494 {strides = array<i32>} : memref<13312xi32, #tpu.memory_space<vmem>>, vector<16xi32>,
      %add3A_1495 = arith.constant 100 : i32
      %add3A_1496 = arith.addi %mul3A_196, %add3A_1495 : i32
      %mul3A_1497 = arith.constant 16 : i32
      %mul3A_1498 = arith.muli %add3A_1496, %mul3A_1497 : i32
      %multiple_of3A_1499 = tpu.assume_multiple %mul3A_1498, 16 : i32
      %get3A_1500 = arith.index_cast %multiple_of3A_1499 : i32 to index
      %get3A_1501 = tpu.vector_load %arg5[%get3A_1500] {strides = array<i32>} : memref<13312xi32, #tpu.memory_space<vmem>>, vector<16xi32>,
      %get3A_1502 = vector.shape_cast %get3A_1501 : vector<16xi32> to vector<16xi32>
      %add3A_1503 = arith.addi %get3A_1502, %mul3A_93 : vector<16xi32>
      %swap3A_1504 = arith.index_cast %multiple_of3A_1499 : i32 to index
      %swap3A_1505 = tpu.vector_load %arg5[%swap3A_1504] {strides = array<i32>} : memref<13312xi32, #tpu.memory_space<vmem>>, vector<16xi32>,
      %swap3A_1506 = vector.shape_cast %swap3A_1505 : vector<16xi32> to vector<16xi32>
      %swap3A_1507 = vector.shape_cast %add3A_1503 : vector<16xi32> to vector<16xi32>
      tpu.vector_store %arg5[%swap3A_1504], %swap3A_1507 {strides = array<i32>} : memref<13312xi32, #tpu.memory_space<vmem>>, vector<16xi32>,
      %add3A_1508 = arith.constant 101 : i32
      %add3A_1509 = arith.addi %mul3A_196, %add3A_1508 : i32
      %mul3A_1510 = arith.constant 16 : i32
      %mul3A_1511 = arith.muli %add3A_1509, %mul3A_1510 : i32
      %multiple_of3A_1512 = tpu.assume_multiple %mul3A_1511, 16 : i32
      %get3A_1513 = arith.index_cast %multiple_of3A_1512 : i32 to index
      %get3A_1514 = tpu.vector_load %arg5[%get3A_1513] {strides = array<i32>} : memref<13312xi32, #tpu.memory_space<vmem>>, vector<16xi32>,
      %get3A_1515 = vector.shape_cast %get3A_1514 : vector<16xi32> to vector<16xi32>
      %add3A_1516 = arith.addi %get3A_1515, %mul3A_102 : vector<16xi32>
      %swap3A_1517 = arith.index_cast %multiple_of3A_1512 : i32 to index
      %swap3A_1518 = tpu.vector_load %arg5[%swap3A_1517] {strides = array<i32>} : memref<13312xi32, #tpu.memory_space<vmem>>, vector<16xi32>,
      %swap3A_1519 = vector.shape_cast %swap3A_1518 : vector<16xi32> to vector<16xi32>
      %swap3A_1520 = vector.shape_cast %add3A_1516 : vector<16xi32> to vector<16xi32>
      tpu.vector_store %arg5[%swap3A_1517], %swap3A_1520 {strides = array<i32>} : memref<13312xi32, #tpu.memory_space<vmem>>, vector<16xi32>,
      %add3A_1521 = arith.constant 102 : i32
      %add3A_1522 = arith.addi %mul3A_196, %add3A_1521 : i32
      %mul3A_1523 = arith.constant 16 : i32
      %mul3A_1524 = arith.muli %add3A_1522, %mul3A_1523 : i32
      %multiple_of3A_1525 = tpu.assume_multiple %mul3A_1524, 16 : i32
      %get3A_1526 = arith.index_cast %multiple_of3A_1525 : i32 to index
      %get3A_1527 = tpu.vector_load %arg5[%get3A_1526] {strides = array<i32>} : memref<13312xi32, #tpu.memory_space<vmem>>, vector<16xi32>,
      %get3A_1528 = vector.shape_cast %get3A_1527 : vector<16xi32> to vector<16xi32>
      %add3A_1529 = arith.addi %get3A_1528, %mul3A_111 : vector<16xi32>
      %swap3A_1530 = arith.index_cast %multiple_of3A_1525 : i32 to index
      %swap3A_1531 = tpu.vector_load %arg5[%swap3A_1530] {strides = array<i32>} : memref<13312xi32, #tpu.memory_space<vmem>>, vector<16xi32>,
      %swap3A_1532 = vector.shape_cast %swap3A_1531 : vector<16xi32> to vector<16xi32>
      %swap3A_1533 = vector.shape_cast %add3A_1529 : vector<16xi32> to vector<16xi32>
      tpu.vector_store %arg5[%swap3A_1530], %swap3A_1533 {strides = array<i32>} : memref<13312xi32, #tpu.memory_space<vmem>>, vector<16xi32>,
      %add3A_1534 = arith.constant 103 : i32
      %add3A_1535 = arith.addi %mul3A_196, %add3A_1534 : i32
      %mul3A_1536 = arith.constant 16 : i32
      %mul3A_1537 = arith.muli %add3A_1535, %mul3A_1536 : i32
      %multiple_of3A_1538 = tpu.assume_multiple %mul3A_1537, 16 : i32
      %get3A_1539 = arith.index_cast %multiple_of3A_1538 : i32 to index
      %get3A_1540 = tpu.vector_load %arg5[%get3A_1539] {strides = array<i32>} : memref<13312xi32, #tpu.memory_space<vmem>>, vector<16xi32>,
      %get3A_1541 = vector.shape_cast %get3A_1540 : vector<16xi32> to vector<16xi32>
      %add3A_1542 = arith.addi %get3A_1541, %mul3A_120 : vector<16xi32>
      %swap3A_1543 = arith.index_cast %multiple_of3A_1538 : i32 to index
      %swap3A_1544 = tpu.vector_load %arg5[%swap3A_1543] {strides = array<i32>} : memref<13312xi32, #tpu.memory_space<vmem>>, vector<16xi32>,
      %swap3A_1545 = vector.shape_cast %swap3A_1544 : vector<16xi32> to vector<16xi32>
      %swap3A_1546 = vector.shape_cast %add3A_1542 : vector<16xi32> to vector<16xi32>
      tpu.vector_store %arg5[%swap3A_1543], %swap3A_1546 {strides = array<i32>} : memref<13312xi32, #tpu.memory_space<vmem>>, vector<16xi32>,
    }
    %scan3A_125 = arith.constant 8 : i32
    %multiple_of3A_126 = arith.constant 0 : i32
    %multiple_of3A_127 = tpu.assume_multiple %multiple_of3A_126, 104 : i32
    %dma_start3A = tpu.memref_slice %arg5[%multiple_of3A_127] : memref<13312xi32, #tpu.memory_space<vmem>> -> memref<104xi32, #tpu.memory_space<vmem>>
    %dma_start3A_128 = arith.constant 0 : i32
    %dma_start3A_129 = arith.constant 0 : i32
    %dma_start3A_130 = tpu.memref_slice %arg3[%dma_start3A_128, %dma_start3A_129] : memref<26000x128xf32, #tpu.memory_space<hbm>> -> memref<26000x128xf32, #tpu.memory_space<hbm>>
    tpu.enqueue_indirect_dma source(%dma_start3A_130 : memref<26000x128xf32, #tpu.memory_space<hbm>>) target(%arg6 : memref<104x128xf32, #tpu.memory_space<vmem>>) offsets(%dma_start3A : memref<104xi32, #tpu.memory_space<vmem>>) semaphore(%arg14 : memref<!tpu.dma_semaphore, #tpu.memory_space<semaphore_mem>>)
    %multiple_of3A_131 = arith.constant 104 : i32
    %multiple_of3A_132 = tpu.assume_multiple %multiple_of3A_131, 104 : i32
    %dma_start3A_133 = tpu.memref_slice %arg5[%multiple_of3A_132] : memref<13312xi32, #tpu.memory_space<vmem>> -> memref<104xi32, #tpu.memory_space<vmem>>
    %dma_start3A_134 = arith.constant 0 : i32
    %dma_start3A_135 = arith.constant 0 : i32
    %dma_start3A_136 = tpu.memref_slice %arg3[%dma_start3A_134, %dma_start3A_135] : memref<26000x128xf32, #tpu.memory_space<hbm>> -> memref<26000x128xf32, #tpu.memory_space<hbm>>
    tpu.enqueue_indirect_dma source(%dma_start3A_136 : memref<26000x128xf32, #tpu.memory_space<hbm>>) target(%arg7 : memref<104x128xf32, #tpu.memory_space<vmem>>) offsets(%dma_start3A_133 : memref<104xi32, #tpu.memory_space<vmem>>) semaphore(%arg15 : memref<!tpu.dma_semaphore, #tpu.memory_space<semaphore_mem>>)
    %multiple_of3A_137 = arith.constant 208 : i32
    %multiple_of3A_138 = tpu.assume_multiple %multiple_of3A_137, 104 : i32
    %dma_start3A_139 = tpu.memref_slice %arg5[%multiple_of3A_138] : memref<13312xi32, #tpu.memory_space<vmem>> -> memref<104xi32, #tpu.memory_space<vmem>>
    %dma_start3A_140 = arith.constant 0 : i32
    %dma_start3A_141 = arith.constant 0 : i32
    %dma_start3A_142 = tpu.memref_slice %arg3[%dma_start3A_140, %dma_start3A_141] : memref<26000x128xf32, #tpu.memory_space<hbm>> -> memref<26000x128xf32, #tpu.memory_space<hbm>>
    tpu.enqueue_indirect_dma source(%dma_start3A_142 : memref<26000x128xf32, #tpu.memory_space<hbm>>) target(%arg8 : memref<104x128xf32, #tpu.memory_space<vmem>>) offsets(%dma_start3A_139 : memref<104xi32, #tpu.memory_space<vmem>>) semaphore(%arg16 : memref<!tpu.dma_semaphore, #tpu.memory_space<semaphore_mem>>)
    %multiple_of3A_143 = arith.constant 312 : i32
    %multiple_of3A_144 = tpu.assume_multiple %multiple_of3A_143, 104 : i32
    %dma_start3A_145 = tpu.memref_slice %arg5[%multiple_of3A_144] : memref<13312xi32, #tpu.memory_space<vmem>> -> memref<104xi32, #tpu.memory_space<vmem>>
    %dma_start3A_146 = arith.constant 0 : i32
    %dma_start3A_147 = arith.constant 0 : i32
    %dma_start3A_148 = tpu.memref_slice %arg3[%dma_start3A_146, %dma_start3A_147] : memref<26000x128xf32, #tpu.memory_space<hbm>> -> memref<26000x128xf32, #tpu.memory_space<hbm>>
    tpu.enqueue_indirect_dma source(%dma_start3A_148 : memref<26000x128xf32, #tpu.memory_space<hbm>>) target(%arg9 : memref<104x128xf32, #tpu.memory_space<vmem>>) offsets(%dma_start3A_145 : memref<104xi32, #tpu.memory_space<vmem>>) semaphore(%arg17 : memref<!tpu.dma_semaphore, #tpu.memory_space<semaphore_mem>>)
    %scan3A_149 = arith.constant 0 : i32
    %scan3A_150 = arith.constant 0 : i32
    %scan3A_151 = arith.constant 16 : i32
    %scan3A_152 = arith.addi %scan3A_150, %scan3A_151 : i32
    %scan3A_153 = arith.constant 1 : i32
    scf.for %scan3A_194 = %scan3A_150 to %scan3A_152 step %scan3A_153  : i32 {
      %mul3A_195 = arith.constant 8 : i32
      %mul3A_196 = arith.muli %mul3A_195, %scan3A_194 : i32
      %add3A_197 = arith.constant 0 : i32
      %add3A_198 = arith.addi %mul3A_196, %add3A_197 : i32
      %mul3A_199 = arith.constant 104 : i32
      %mul3A_200 = arith.muli %add3A_198, %mul3A_199 : i32
      %multiple_of3A_201 = tpu.assume_multiple %mul3A_200, 104 : i32
      %dma_wait3A_202 = tpu.memref_slice %arg5[%multiple_of3A_201] : memref<13312xi32, #tpu.memory_space<vmem>> -> memref<104xi32, #tpu.memory_space<vmem>>
      %dma_wait3A_203 = arith.constant 0 : i32
      %dma_wait3A_204 = arith.constant 0 : i32
      %dma_wait3A_205 = tpu.memref_slice %arg3[%dma_wait3A_203, %dma_wait3A_204] : memref<26000x128xf32, #tpu.memory_space<hbm>> -> memref<26000x128xf32, #tpu.memory_space<hbm>>
      tpu.wait_indirect_dma semaphore(%arg14 : memref<!tpu.dma_semaphore, #tpu.memory_space<semaphore_mem>>) src(%dma_wait3A_205 : memref<26000x128xf32, #tpu.memory_space<hbm>>) dst(%arg6 : memref<104x128xf32, #tpu.memory_space<vmem>>)
      %mul3A_206 = arith.constant 4 : i32
      %mul3A_207 = arith.muli %add3A_198, %mul3A_206 : i32
      %add3A_208 = arith.addi %mul3A_4, %mul3A_207 : i32
      %dma_start3A_209 = tpu.memref_reshape %arg6 : memref<104x128xf32, #tpu.memory_space<vmem>> -> memref<4x26x128xf32, #tpu.memory_space<vmem>>
      %dma_start3A_210 = arith.constant 0 : i32
      %dma_start3A_211 = arith.constant 0 : i32
      %dma_start3A_212 = tpu.memref_slice %arg4[%add3A_208, %dma_start3A_210, %dma_start3A_211] : memref<16384x26x128xf32, #tpu.memory_space<hbm>> -> memref<4x26x128xf32, #tpu.memory_space<hbm>>
      %dma_start3A_213 = arith.constant 0 : i32
      %dma_start3A_214 = arith.constant 0 : i32
      %dma_start3A_215 = tpu.memref_slice %arg4[%add3A_208, %dma_start3A_213, %dma_start3A_214] : memref<16384x26x128xf32, #tpu.memory_space<hbm>> -> memref<4x26x128xf32, #tpu.memory_space<hbm>>
      %dma_start3A_216 = tpu.memref_reshape %arg6 : memref<104x128xf32, #tpu.memory_space<vmem>> -> memref<4x26x128xf32, #tpu.memory_space<vmem>>
      tpu.enqueue_dma source(%dma_start3A_216 : memref<4x26x128xf32, #tpu.memory_space<vmem>>) target(%dma_start3A_215 : memref<4x26x128xf32, #tpu.memory_space<hbm>>) target_semaphore(%arg22 : memref<!tpu.dma_semaphore, #tpu.memory_space<semaphore_mem>>)
      %gt3A = arith.constant 0 : i32
      %gt3A_217 = arith.cmpi sgt, %scan3A_194, %gt3A : i32
      %convert_element_type3A = arith.extui %gt3A_217 : i1 to i32
      %cond3A = arith.constant 0 : i32
      %cond3A_218 = arith.cmpi ne, %convert_element_type3A, %cond3A : i32
      scf.if %cond3A_218 {
        %sub3A_494 = arith.constant 4 : i32
        %sub3A_495 = arith.subi %add3A_198, %sub3A_494 : i32
        %mul3A_496 = arith.constant 4 : i32
        %mul3A_497 = arith.muli %sub3A_495, %mul3A_496 : i32
        %add3A_498 = arith.addi %mul3A_4, %mul3A_497 : i32
        %dma_wait3A_499 = tpu.memref_reshape %arg10 : memref<104x128xf32, #tpu.memory_space<vmem>> -> memref<4x26x128xf32, #tpu.memory_space<vmem>>
        %dma_wait3A_500 = arith.constant 0 : i32
        %dma_wait3A_501 = arith.constant 0 : i32
        %dma_wait3A_502 = tpu.memref_slice %arg4[%add3A_498, %dma_wait3A_500, %dma_wait3A_501] : memref<16384x26x128xf32, #tpu.memory_space<hbm>> -> memref<4x26x128xf32, #tpu.memory_space<hbm>>
        %dma_wait3A_503 = arith.constant 0 : i32
        %dma_wait3A_504 = arith.constant 0 : i32
        %dma_wait3A_505 = tpu.memref_slice %arg4[%add3A_498, %dma_wait3A_503, %dma_wait3A_504] : memref<16384x26x128xf32, #tpu.memory_space<hbm>> -> memref<4x26x128xf32, #tpu.memory_space<hbm>>
        %dma_wait3A_506 = tpu.memref_reshape %arg10 : memref<104x128xf32, #tpu.memory_space<vmem>> -> memref<4x26x128xf32, #tpu.memory_space<vmem>>
        tpu.wait_dma2 semaphore(%arg26 : memref<!tpu.dma_semaphore, #tpu.memory_space<semaphore_mem>>) src(%dma_wait3A_506 : memref<4x26x128xf32, #tpu.memory_space<vmem>>) dst(%dma_wait3A_505 : memref<4x26x128xf32, #tpu.memory_space<hbm>>)
      } else {
      }
      %add3A_219 = arith.constant 4 : i32
      %add3A_220 = arith.addi %add3A_198, %add3A_219 : i32
      %mul3A_221 = arith.constant 104 : i32
      %mul3A_222 = arith.muli %add3A_220, %mul3A_221 : i32
      %multiple_of3A_223 = tpu.assume_multiple %mul3A_222, 104 : i32
      %dma_start3A_224 = tpu.memref_slice %arg5[%multiple_of3A_223] : memref<13312xi32, #tpu.memory_space<vmem>> -> memref<104xi32, #tpu.memory_space<vmem>>
      %dma_start3A_225 = arith.constant 0 : i32
      %dma_start3A_226 = arith.constant 0 : i32
      %dma_start3A_227 = tpu.memref_slice %arg3[%dma_start3A_225, %dma_start3A_226] : memref<26000x128xf32, #tpu.memory_space<hbm>> -> memref<26000x128xf32, #tpu.memory_space<hbm>>
      tpu.enqueue_indirect_dma source(%dma_start3A_227 : memref<26000x128xf32, #tpu.memory_space<hbm>>) target(%arg10 : memref<104x128xf32, #tpu.memory_space<vmem>>) offsets(%dma_start3A_224 : memref<104xi32, #tpu.memory_space<vmem>>) semaphore(%arg18 : memref<!tpu.dma_semaphore, #tpu.memory_space<semaphore_mem>>)
      %mul3A_228 = arith.constant 8 : i32
      %mul3A_229 = arith.muli %mul3A_228, %scan3A_194 : i32
      %add3A_230 = arith.constant 1 : i32
      %add3A_231 = arith.addi %mul3A_229, %add3A_230 : i32
      %mul3A_232 = arith.constant 104 : i32
      %mul3A_233 = arith.muli %add3A_231, %mul3A_232 : i32
      %multiple_of3A_234 = tpu.assume_multiple %mul3A_233, 104 : i32
      %dma_wait3A_235 = tpu.memref_slice %arg5[%multiple_of3A_234] : memref<13312xi32, #tpu.memory_space<vmem>> -> memref<104xi32, #tpu.memory_space<vmem>>
      %dma_wait3A_236 = arith.constant 0 : i32
      %dma_wait3A_237 = arith.constant 0 : i32
      %dma_wait3A_238 = tpu.memref_slice %arg3[%dma_wait3A_236, %dma_wait3A_237] : memref<26000x128xf32, #tpu.memory_space<hbm>> -> memref<26000x128xf32, #tpu.memory_space<hbm>>
      tpu.wait_indirect_dma semaphore(%arg15 : memref<!tpu.dma_semaphore, #tpu.memory_space<semaphore_mem>>) src(%dma_wait3A_238 : memref<26000x128xf32, #tpu.memory_space<hbm>>) dst(%arg7 : memref<104x128xf32, #tpu.memory_space<vmem>>)
      %mul3A_239 = arith.constant 4 : i32
      %mul3A_240 = arith.muli %add3A_231, %mul3A_239 : i32
      %add3A_241 = arith.addi %mul3A_4, %mul3A_240 : i32
      %dma_start3A_242 = tpu.memref_reshape %arg7 : memref<104x128xf32, #tpu.memory_space<vmem>> -> memref<4x26x128xf32, #tpu.memory_space<vmem>>
      %dma_start3A_243 = arith.constant 0 : i32
      %dma_start3A_244 = arith.constant 0 : i32
      %dma_start3A_245 = tpu.memref_slice %arg4[%add3A_241, %dma_start3A_243, %dma_start3A_244] : memref<16384x26x128xf32, #tpu.memory_space<hbm>> -> memref<4x26x128xf32, #tpu.memory_space<hbm>>
      %dma_start3A_246 = arith.constant 0 : i32
      %dma_start3A_247 = arith.constant 0 : i32
      %dma_start3A_248 = tpu.memref_slice %arg4[%add3A_241, %dma_start3A_246, %dma_start3A_247] : memref<16384x26x128xf32, #tpu.memory_space<hbm>> -> memref<4x26x128xf32, #tpu.memory_space<hbm>>
      %dma_start3A_249 = tpu.memref_reshape %arg7 : memref<104x128xf32, #tpu.memory_space<vmem>> -> memref<4x26x128xf32, #tpu.memory_space<vmem>>
      tpu.enqueue_dma source(%dma_start3A_249 : memref<4x26x128xf32, #tpu.memory_space<vmem>>) target(%dma_start3A_248 : memref<4x26x128xf32, #tpu.memory_space<hbm>>) target_semaphore(%arg23 : memref<!tpu.dma_semaphore, #tpu.memory_space<semaphore_mem>>)
      %gt3A_250 = arith.constant 0 : i32
      %gt3A_251 = arith.cmpi sgt, %scan3A_194, %gt3A_250 : i32
      %convert_element_type3A_252 = arith.extui %gt3A_251 : i1 to i32
      %cond3A_253 = arith.constant 0 : i32
      %cond3A_254 = arith.cmpi ne, %convert_element_type3A_252, %cond3A_253 : i32
      scf.if %cond3A_254 {
        %sub3A_494 = arith.constant 4 : i32
        %sub3A_495 = arith.subi %add3A_231, %sub3A_494 : i32
        %mul3A_496 = arith.constant 4 : i32
        %mul3A_497 = arith.muli %sub3A_495, %mul3A_496 : i32
        %add3A_498 = arith.addi %mul3A_4, %mul3A_497 : i32
        %dma_wait3A_499 = tpu.memref_reshape %arg11 : memref<104x128xf32, #tpu.memory_space<vmem>> -> memref<4x26x128xf32, #tpu.memory_space<vmem>>
        %dma_wait3A_500 = arith.constant 0 : i32
        %dma_wait3A_501 = arith.constant 0 : i32
        %dma_wait3A_502 = tpu.memref_slice %arg4[%add3A_498, %dma_wait3A_500, %dma_wait3A_501] : memref<16384x26x128xf32, #tpu.memory_space<hbm>> -> memref<4x26x128xf32, #tpu.memory_space<hbm>>
        %dma_wait3A_503 = arith.constant 0 : i32
        %dma_wait3A_504 = arith.constant 0 : i32
        %dma_wait3A_505 = tpu.memref_slice %arg4[%add3A_498, %dma_wait3A_503, %dma_wait3A_504] : memref<16384x26x128xf32, #tpu.memory_space<hbm>> -> memref<4x26x128xf32, #tpu.memory_space<hbm>>
        %dma_wait3A_506 = tpu.memref_reshape %arg11 : memref<104x128xf32, #tpu.memory_space<vmem>> -> memref<4x26x128xf32, #tpu.memory_space<vmem>>
        tpu.wait_dma2 semaphore(%arg27 : memref<!tpu.dma_semaphore, #tpu.memory_space<semaphore_mem>>) src(%dma_wait3A_506 : memref<4x26x128xf32, #tpu.memory_space<vmem>>) dst(%dma_wait3A_505 : memref<4x26x128xf32, #tpu.memory_space<hbm>>)
      } else {
      }
      %add3A_255 = arith.constant 4 : i32
      %add3A_256 = arith.addi %add3A_231, %add3A_255 : i32
      %mul3A_257 = arith.constant 104 : i32
      %mul3A_258 = arith.muli %add3A_256, %mul3A_257 : i32
      %multiple_of3A_259 = tpu.assume_multiple %mul3A_258, 104 : i32
      %dma_start3A_260 = tpu.memref_slice %arg5[%multiple_of3A_259] : memref<13312xi32, #tpu.memory_space<vmem>> -> memref<104xi32, #tpu.memory_space<vmem>>
      %dma_start3A_261 = arith.constant 0 : i32
      %dma_start3A_262 = arith.constant 0 : i32
      %dma_start3A_263 = tpu.memref_slice %arg3[%dma_start3A_261, %dma_start3A_262] : memref<26000x128xf32, #tpu.memory_space<hbm>> -> memref<26000x128xf32, #tpu.memory_space<hbm>>
      tpu.enqueue_indirect_dma source(%dma_start3A_263 : memref<26000x128xf32, #tpu.memory_space<hbm>>) target(%arg11 : memref<104x128xf32, #tpu.memory_space<vmem>>) offsets(%dma_start3A_260 : memref<104xi32, #tpu.memory_space<vmem>>) semaphore(%arg19 : memref<!tpu.dma_semaphore, #tpu.memory_space<semaphore_mem>>)
      %mul3A_264 = arith.constant 8 : i32
      %mul3A_265 = arith.muli %mul3A_264, %scan3A_194 : i32
      %add3A_266 = arith.constant 2 : i32
      %add3A_267 = arith.addi %mul3A_265, %add3A_266 : i32
      %mul3A_268 = arith.constant 104 : i32
      %mul3A_269 = arith.muli %add3A_267, %mul3A_268 : i32
      %multiple_of3A_270 = tpu.assume_multiple %mul3A_269, 104 : i32
      %dma_wait3A_271 = tpu.memref_slice %arg5[%multiple_of3A_270] : memref<13312xi32, #tpu.memory_space<vmem>> -> memref<104xi32, #tpu.memory_space<vmem>>
      %dma_wait3A_272 = arith.constant 0 : i32
      %dma_wait3A_273 = arith.constant 0 : i32
      %dma_wait3A_274 = tpu.memref_slice %arg3[%dma_wait3A_272, %dma_wait3A_273] : memref<26000x128xf32, #tpu.memory_space<hbm>> -> memref<26000x128xf32, #tpu.memory_space<hbm>>
      tpu.wait_indirect_dma semaphore(%arg16 : memref<!tpu.dma_semaphore, #tpu.memory_space<semaphore_mem>>) src(%dma_wait3A_274 : memref<26000x128xf32, #tpu.memory_space<hbm>>) dst(%arg8 : memref<104x128xf32, #tpu.memory_space<vmem>>)
      %mul3A_275 = arith.constant 4 : i32
      %mul3A_276 = arith.muli %add3A_267, %mul3A_275 : i32
      %add3A_277 = arith.addi %mul3A_4, %mul3A_276 : i32
      %dma_start3A_278 = tpu.memref_reshape %arg8 : memref<104x128xf32, #tpu.memory_space<vmem>> -> memref<4x26x128xf32, #tpu.memory_space<vmem>>
      %dma_start3A_279 = arith.constant 0 : i32
      %dma_start3A_280 = arith.constant 0 : i32
      %dma_start3A_281 = tpu.memref_slice %arg4[%add3A_277, %dma_start3A_279, %dma_start3A_280] : memref<16384x26x128xf32, #tpu.memory_space<hbm>> -> memref<4x26x128xf32, #tpu.memory_space<hbm>>
      %dma_start3A_282 = arith.constant 0 : i32
      %dma_start3A_283 = arith.constant 0 : i32
      %dma_start3A_284 = tpu.memref_slice %arg4[%add3A_277, %dma_start3A_282, %dma_start3A_283] : memref<16384x26x128xf32, #tpu.memory_space<hbm>> -> memref<4x26x128xf32, #tpu.memory_space<hbm>>
      %dma_start3A_285 = tpu.memref_reshape %arg8 : memref<104x128xf32, #tpu.memory_space<vmem>> -> memref<4x26x128xf32, #tpu.memory_space<vmem>>
      tpu.enqueue_dma source(%dma_start3A_285 : memref<4x26x128xf32, #tpu.memory_space<vmem>>) target(%dma_start3A_284 : memref<4x26x128xf32, #tpu.memory_space<hbm>>) target_semaphore(%arg24 : memref<!tpu.dma_semaphore, #tpu.memory_space<semaphore_mem>>)
      %gt3A_286 = arith.constant 0 : i32
      %gt3A_287 = arith.cmpi sgt, %scan3A_194, %gt3A_286 : i32
      %convert_element_type3A_288 = arith.extui %gt3A_287 : i1 to i32
      %cond3A_289 = arith.constant 0 : i32
      %cond3A_290 = arith.cmpi ne, %convert_element_type3A_288, %cond3A_289 : i32
      scf.if %cond3A_290 {
        %sub3A_494 = arith.constant 4 : i32
        %sub3A_495 = arith.subi %add3A_267, %sub3A_494 : i32
        %mul3A_496 = arith.constant 4 : i32
        %mul3A_497 = arith.muli %sub3A_495, %mul3A_496 : i32
        %add3A_498 = arith.addi %mul3A_4, %mul3A_497 : i32
        %dma_wait3A_499 = tpu.memref_reshape %arg12 : memref<104x128xf32, #tpu.memory_space<vmem>> -> memref<4x26x128xf32, #tpu.memory_space<vmem>>
        %dma_wait3A_500 = arith.constant 0 : i32
        %dma_wait3A_501 = arith.constant 0 : i32
        %dma_wait3A_502 = tpu.memref_slice %arg4[%add3A_498, %dma_wait3A_500, %dma_wait3A_501] : memref<16384x26x128xf32, #tpu.memory_space<hbm>> -> memref<4x26x128xf32, #tpu.memory_space<hbm>>
        %dma_wait3A_503 = arith.constant 0 : i32
        %dma_wait3A_504 = arith.constant 0 : i32
        %dma_wait3A_505 = tpu.memref_slice %arg4[%add3A_498, %dma_wait3A_503, %dma_wait3A_504] : memref<16384x26x128xf32, #tpu.memory_space<hbm>> -> memref<4x26x128xf32, #tpu.memory_space<hbm>>
        %dma_wait3A_506 = tpu.memref_reshape %arg12 : memref<104x128xf32, #tpu.memory_space<vmem>> -> memref<4x26x128xf32, #tpu.memory_space<vmem>>
        tpu.wait_dma2 semaphore(%arg28 : memref<!tpu.dma_semaphore, #tpu.memory_space<semaphore_mem>>) src(%dma_wait3A_506 : memref<4x26x128xf32, #tpu.memory_space<vmem>>) dst(%dma_wait3A_505 : memref<4x26x128xf32, #tpu.memory_space<hbm>>)
      } else {
      }
      %add3A_291 = arith.constant 4 : i32
      %add3A_292 = arith.addi %add3A_267, %add3A_291 : i32
      %mul3A_293 = arith.constant 104 : i32
      %mul3A_294 = arith.muli %add3A_292, %mul3A_293 : i32
      %multiple_of3A_295 = tpu.assume_multiple %mul3A_294, 104 : i32
      %dma_start3A_296 = tpu.memref_slice %arg5[%multiple_of3A_295] : memref<13312xi32, #tpu.memory_space<vmem>> -> memref<104xi32, #tpu.memory_space<vmem>>
      %dma_start3A_297 = arith.constant 0 : i32
      %dma_start3A_298 = arith.constant 0 : i32
      %dma_start3A_299 = tpu.memref_slice %arg3[%dma_start3A_297, %dma_start3A_298] : memref<26000x128xf32, #tpu.memory_space<hbm>> -> memref<26000x128xf32, #tpu.memory_space<hbm>>
      tpu.enqueue_indirect_dma source(%dma_start3A_299 : memref<26000x128xf32, #tpu.memory_space<hbm>>) target(%arg12 : memref<104x128xf32, #tpu.memory_space<vmem>>) offsets(%dma_start3A_296 : memref<104xi32, #tpu.memory_space<vmem>>) semaphore(%arg20 : memref<!tpu.dma_semaphore, #tpu.memory_space<semaphore_mem>>)
      %mul3A_300 = arith.constant 8 : i32
      %mul3A_301 = arith.muli %mul3A_300, %scan3A_194 : i32
      %add3A_302 = arith.constant 3 : i32
      %add3A_303 = arith.addi %mul3A_301, %add3A_302 : i32
      %mul3A_304 = arith.constant 104 : i32
      %mul3A_305 = arith.muli %add3A_303, %mul3A_304 : i32
      %multiple_of3A_306 = tpu.assume_multiple %mul3A_305, 104 : i32
      %dma_wait3A_307 = tpu.memref_slice %arg5[%multiple_of3A_306] : memref<13312xi32, #tpu.memory_space<vmem>> -> memref<104xi32, #tpu.memory_space<vmem>>
      %dma_wait3A_308 = arith.constant 0 : i32
      %dma_wait3A_309 = arith.constant 0 : i32
      %dma_wait3A_310 = tpu.memref_slice %arg3[%dma_wait3A_308, %dma_wait3A_309] : memref<26000x128xf32, #tpu.memory_space<hbm>> -> memref<26000x128xf32, #tpu.memory_space<hbm>>
      tpu.wait_indirect_dma semaphore(%arg17 : memref<!tpu.dma_semaphore, #tpu.memory_space<semaphore_mem>>) src(%dma_wait3A_310 : memref<26000x128xf32, #tpu.memory_space<hbm>>) dst(%arg9 : memref<104x128xf32, #tpu.memory_space<vmem>>)
      %mul3A_311 = arith.constant 4 : i32
      %mul3A_312 = arith.muli %add3A_303, %mul3A_311 : i32
      %add3A_313 = arith.addi %mul3A_4, %mul3A_312 : i32
      %dma_start3A_314 = tpu.memref_reshape %arg9 : memref<104x128xf32, #tpu.memory_space<vmem>> -> memref<4x26x128xf32, #tpu.memory_space<vmem>>
      %dma_start3A_315 = arith.constant 0 : i32
      %dma_start3A_316 = arith.constant 0 : i32
      %dma_start3A_317 = tpu.memref_slice %arg4[%add3A_313, %dma_start3A_315, %dma_start3A_316] : memref<16384x26x128xf32, #tpu.memory_space<hbm>> -> memref<4x26x128xf32, #tpu.memory_space<hbm>>
      %dma_start3A_318 = arith.constant 0 : i32
      %dma_start3A_319 = arith.constant 0 : i32
      %dma_start3A_320 = tpu.memref_slice %arg4[%add3A_313, %dma_start3A_318, %dma_start3A_319] : memref<16384x26x128xf32, #tpu.memory_space<hbm>> -> memref<4x26x128xf32, #tpu.memory_space<hbm>>
      %dma_start3A_321 = tpu.memref_reshape %arg9 : memref<104x128xf32, #tpu.memory_space<vmem>> -> memref<4x26x128xf32, #tpu.memory_space<vmem>>
      tpu.enqueue_dma source(%dma_start3A_321 : memref<4x26x128xf32, #tpu.memory_space<vmem>>) target(%dma_start3A_320 : memref<4x26x128xf32, #tpu.memory_space<hbm>>) target_semaphore(%arg25 : memref<!tpu.dma_semaphore, #tpu.memory_space<semaphore_mem>>)
      %gt3A_322 = arith.constant 0 : i32
      %gt3A_323 = arith.cmpi sgt, %scan3A_194, %gt3A_322 : i32
      %convert_element_type3A_324 = arith.extui %gt3A_323 : i1 to i32
      %cond3A_325 = arith.constant 0 : i32
      %cond3A_326 = arith.cmpi ne, %convert_element_type3A_324, %cond3A_325 : i32
      scf.if %cond3A_326 {
        %sub3A_494 = arith.constant 4 : i32
        %sub3A_495 = arith.subi %add3A_303, %sub3A_494 : i32
        %mul3A_496 = arith.constant 4 : i32
        %mul3A_497 = arith.muli %sub3A_495, %mul3A_496 : i32
        %add3A_498 = arith.addi %mul3A_4, %mul3A_497 : i32
        %dma_wait3A_499 = tpu.memref_reshape %arg13 : memref<104x128xf32, #tpu.memory_space<vmem>> -> memref<4x26x128xf32, #tpu.memory_space<vmem>>
        %dma_wait3A_500 = arith.constant 0 : i32
        %dma_wait3A_501 = arith.constant 0 : i32
        %dma_wait3A_502 = tpu.memref_slice %arg4[%add3A_498, %dma_wait3A_500, %dma_wait3A_501] : memref<16384x26x128xf32, #tpu.memory_space<hbm>> -> memref<4x26x128xf32, #tpu.memory_space<hbm>>
        %dma_wait3A_503 = arith.constant 0 : i32
        %dma_wait3A_504 = arith.constant 0 : i32
        %dma_wait3A_505 = tpu.memref_slice %arg4[%add3A_498, %dma_wait3A_503, %dma_wait3A_504] : memref<16384x26x128xf32, #tpu.memory_space<hbm>> -> memref<4x26x128xf32, #tpu.memory_space<hbm>>
        %dma_wait3A_506 = tpu.memref_reshape %arg13 : memref<104x128xf32, #tpu.memory_space<vmem>> -> memref<4x26x128xf32, #tpu.memory_space<vmem>>
        tpu.wait_dma2 semaphore(%arg29 : memref<!tpu.dma_semaphore, #tpu.memory_space<semaphore_mem>>) src(%dma_wait3A_506 : memref<4x26x128xf32, #tpu.memory_space<vmem>>) dst(%dma_wait3A_505 : memref<4x26x128xf32, #tpu.memory_space<hbm>>)
      } else {
      }
      %add3A_327 = arith.constant 4 : i32
      %add3A_328 = arith.addi %add3A_303, %add3A_327 : i32
      %mul3A_329 = arith.constant 104 : i32
      %mul3A_330 = arith.muli %add3A_328, %mul3A_329 : i32
      %multiple_of3A_331 = tpu.assume_multiple %mul3A_330, 104 : i32
      %dma_start3A_332 = tpu.memref_slice %arg5[%multiple_of3A_331] : memref<13312xi32, #tpu.memory_space<vmem>> -> memref<104xi32, #tpu.memory_space<vmem>>
      %dma_start3A_333 = arith.constant 0 : i32
      %dma_start3A_334 = arith.constant 0 : i32
      %dma_start3A_335 = tpu.memref_slice %arg3[%dma_start3A_333, %dma_start3A_334] : memref<26000x128xf32, #tpu.memory_space<hbm>> -> memref<26000x128xf32, #tpu.memory_space<hbm>>
      tpu.enqueue_indirect_dma source(%dma_start3A_335 : memref<26000x128xf32, #tpu.memory_space<hbm>>) target(%arg13 : memref<104x128xf32, #tpu.memory_space<vmem>>) offsets(%dma_start3A_332 : memref<104xi32, #tpu.memory_space<vmem>>) semaphore(%arg21 : memref<!tpu.dma_semaphore, #tpu.memory_space<semaphore_mem>>)
      %mul3A_336 = arith.constant 8 : i32
      %mul3A_337 = arith.muli %mul3A_336, %scan3A_194 : i32
      %add3A_338 = arith.constant 4 : i32
      %add3A_339 = arith.addi %mul3A_337, %add3A_338 : i32
      %mul3A_340 = arith.constant 104 : i32
      %mul3A_341 = arith.muli %add3A_339, %mul3A_340 : i32
      %multiple_of3A_342 = tpu.assume_multiple %mul3A_341, 104 : i32
      %dma_wait3A_343 = tpu.memref_slice %arg5[%multiple_of3A_342] : memref<13312xi32, #tpu.memory_space<vmem>> -> memref<104xi32, #tpu.memory_space<vmem>>
      %dma_wait3A_344 = arith.constant 0 : i32
      %dma_wait3A_345 = arith.constant 0 : i32
      %dma_wait3A_346 = tpu.memref_slice %arg3[%dma_wait3A_344, %dma_wait3A_345] : memref<26000x128xf32, #tpu.memory_space<hbm>> -> memref<26000x128xf32, #tpu.memory_space<hbm>>
      tpu.wait_indirect_dma semaphore(%arg18 : memref<!tpu.dma_semaphore, #tpu.memory_space<semaphore_mem>>) src(%dma_wait3A_346 : memref<26000x128xf32, #tpu.memory_space<hbm>>) dst(%arg10 : memref<104x128xf32, #tpu.memory_space<vmem>>)
      %mul3A_347 = arith.constant 4 : i32
      %mul3A_348 = arith.muli %add3A_339, %mul3A_347 : i32
      %add3A_349 = arith.addi %mul3A_4, %mul3A_348 : i32
      %dma_start3A_350 = tpu.memref_reshape %arg10 : memref<104x128xf32, #tpu.memory_space<vmem>> -> memref<4x26x128xf32, #tpu.memory_space<vmem>>
      %dma_start3A_351 = arith.constant 0 : i32
      %dma_start3A_352 = arith.constant 0 : i32
      %dma_start3A_353 = tpu.memref_slice %arg4[%add3A_349, %dma_start3A_351, %dma_start3A_352] : memref<16384x26x128xf32, #tpu.memory_space<hbm>> -> memref<4x26x128xf32, #tpu.memory_space<hbm>>
      %dma_start3A_354 = arith.constant 0 : i32
      %dma_start3A_355 = arith.constant 0 : i32
      %dma_start3A_356 = tpu.memref_slice %arg4[%add3A_349, %dma_start3A_354, %dma_start3A_355] : memref<16384x26x128xf32, #tpu.memory_space<hbm>> -> memref<4x26x128xf32, #tpu.memory_space<hbm>>
      %dma_start3A_357 = tpu.memref_reshape %arg10 : memref<104x128xf32, #tpu.memory_space<vmem>> -> memref<4x26x128xf32, #tpu.memory_space<vmem>>
      tpu.enqueue_dma source(%dma_start3A_357 : memref<4x26x128xf32, #tpu.memory_space<vmem>>) target(%dma_start3A_356 : memref<4x26x128xf32, #tpu.memory_space<hbm>>) target_semaphore(%arg26 : memref<!tpu.dma_semaphore, #tpu.memory_space<semaphore_mem>>)
      %sub3A = arith.constant 4 : i32
      %sub3A_358 = arith.subi %add3A_339, %sub3A : i32
      %mul3A_359 = arith.constant 4 : i32
      %mul3A_360 = arith.muli %sub3A_358, %mul3A_359 : i32
      %add3A_361 = arith.addi %mul3A_4, %mul3A_360 : i32
      %dma_wait3A_362 = tpu.memref_reshape %arg6 : memref<104x128xf32, #tpu.memory_space<vmem>> -> memref<4x26x128xf32, #tpu.memory_space<vmem>>
      %dma_wait3A_363 = arith.constant 0 : i32
      %dma_wait3A_364 = arith.constant 0 : i32
      %dma_wait3A_365 = tpu.memref_slice %arg4[%add3A_361, %dma_wait3A_363, %dma_wait3A_364] : memref<16384x26x128xf32, #tpu.memory_space<hbm>> -> memref<4x26x128xf32, #tpu.memory_space<hbm>>
      %dma_wait3A_366 = arith.constant 0 : i32
      %dma_wait3A_367 = arith.constant 0 : i32
      %dma_wait3A_368 = tpu.memref_slice %arg4[%add3A_361, %dma_wait3A_366, %dma_wait3A_367] : memref<16384x26x128xf32, #tpu.memory_space<hbm>> -> memref<4x26x128xf32, #tpu.memory_space<hbm>>
      %dma_wait3A_369 = tpu.memref_reshape %arg6 : memref<104x128xf32, #tpu.memory_space<vmem>> -> memref<4x26x128xf32, #tpu.memory_space<vmem>>
      tpu.wait_dma2 semaphore(%arg22 : memref<!tpu.dma_semaphore, #tpu.memory_space<semaphore_mem>>) src(%dma_wait3A_369 : memref<4x26x128xf32, #tpu.memory_space<vmem>>) dst(%dma_wait3A_368 : memref<4x26x128xf32, #tpu.memory_space<hbm>>)
      %lt3A = arith.constant 15 : i32
      %lt3A_370 = arith.cmpi slt, %scan3A_194, %lt3A : i32
      %convert_element_type3A_371 = arith.extui %lt3A_370 : i1 to i32
      %cond3A_372 = arith.constant 0 : i32
      %cond3A_373 = arith.cmpi ne, %convert_element_type3A_371, %cond3A_372 : i32
      scf.if %cond3A_373 {
        %add3A_494 = arith.constant 4 : i32
        %add3A_495 = arith.addi %add3A_339, %add3A_494 : i32
        %mul3A_496 = arith.constant 104 : i32
        %mul3A_497 = arith.muli %add3A_495, %mul3A_496 : i32
        %multiple_of3A_498 = tpu.assume_multiple %mul3A_497, 104 : i32
        %dma_start3A_499 = tpu.memref_slice %arg5[%multiple_of3A_498] : memref<13312xi32, #tpu.memory_space<vmem>> -> memref<104xi32, #tpu.memory_space<vmem>>
        %dma_start3A_500 = arith.constant 0 : i32
        %dma_start3A_501 = arith.constant 0 : i32
        %dma_start3A_502 = tpu.memref_slice %arg3[%dma_start3A_500, %dma_start3A_501] : memref<26000x128xf32, #tpu.memory_space<hbm>> -> memref<26000x128xf32, #tpu.memory_space<hbm>>
        tpu.enqueue_indirect_dma source(%dma_start3A_502 : memref<26000x128xf32, #tpu.memory_space<hbm>>) target(%arg6 : memref<104x128xf32, #tpu.memory_space<vmem>>) offsets(%dma_start3A_499 : memref<104xi32, #tpu.memory_space<vmem>>) semaphore(%arg14 : memref<!tpu.dma_semaphore, #tpu.memory_space<semaphore_mem>>)
      } else {
      }
      %mul3A_374 = arith.constant 8 : i32
      %mul3A_375 = arith.muli %mul3A_374, %scan3A_194 : i32
      %add3A_376 = arith.constant 5 : i32
      %add3A_377 = arith.addi %mul3A_375, %add3A_376 : i32
      %mul3A_378 = arith.constant 104 : i32
      %mul3A_379 = arith.muli %add3A_377, %mul3A_378 : i32
      %multiple_of3A_380 = tpu.assume_multiple %mul3A_379, 104 : i32
      %dma_wait3A_381 = tpu.memref_slice %arg5[%multiple_of3A_380] : memref<13312xi32, #tpu.memory_space<vmem>> -> memref<104xi32, #tpu.memory_space<vmem>>
      %dma_wait3A_382 = arith.constant 0 : i32
      %dma_wait3A_383 = arith.constant 0 : i32
      %dma_wait3A_384 = tpu.memref_slice %arg3[%dma_wait3A_382, %dma_wait3A_383] : memref<26000x128xf32, #tpu.memory_space<hbm>> -> memref<26000x128xf32, #tpu.memory_space<hbm>>
      tpu.wait_indirect_dma semaphore(%arg19 : memref<!tpu.dma_semaphore, #tpu.memory_space<semaphore_mem>>) src(%dma_wait3A_384 : memref<26000x128xf32, #tpu.memory_space<hbm>>) dst(%arg11 : memref<104x128xf32, #tpu.memory_space<vmem>>)
      %mul3A_385 = arith.constant 4 : i32
      %mul3A_386 = arith.muli %add3A_377, %mul3A_385 : i32
      %add3A_387 = arith.addi %mul3A_4, %mul3A_386 : i32
      %dma_start3A_388 = tpu.memref_reshape %arg11 : memref<104x128xf32, #tpu.memory_space<vmem>> -> memref<4x26x128xf32, #tpu.memory_space<vmem>>
      %dma_start3A_389 = arith.constant 0 : i32
      %dma_start3A_390 = arith.constant 0 : i32
      %dma_start3A_391 = tpu.memref_slice %arg4[%add3A_387, %dma_start3A_389, %dma_start3A_390] : memref<16384x26x128xf32, #tpu.memory_space<hbm>> -> memref<4x26x128xf32, #tpu.memory_space<hbm>>
      %dma_start3A_392 = arith.constant 0 : i32
      %dma_start3A_393 = arith.constant 0 : i32
      %dma_start3A_394 = tpu.memref_slice %arg4[%add3A_387, %dma_start3A_392, %dma_start3A_393] : memref<16384x26x128xf32, #tpu.memory_space<hbm>> -> memref<4x26x128xf32, #tpu.memory_space<hbm>>
      %dma_start3A_395 = tpu.memref_reshape %arg11 : memref<104x128xf32, #tpu.memory_space<vmem>> -> memref<4x26x128xf32, #tpu.memory_space<vmem>>
      tpu.enqueue_dma source(%dma_start3A_395 : memref<4x26x128xf32, #tpu.memory_space<vmem>>) target(%dma_start3A_394 : memref<4x26x128xf32, #tpu.memory_space<hbm>>) target_semaphore(%arg27 : memref<!tpu.dma_semaphore, #tpu.memory_space<semaphore_mem>>)
      %sub3A_396 = arith.constant 4 : i32
      %sub3A_397 = arith.subi %add3A_377, %sub3A_396 : i32
      %mul3A_398 = arith.constant 4 : i32
      %mul3A_399 = arith.muli %sub3A_397, %mul3A_398 : i32
      %add3A_400 = arith.addi %mul3A_4, %mul3A_399 : i32
      %dma_wait3A_401 = tpu.memref_reshape %arg7 : memref<104x128xf32, #tpu.memory_space<vmem>> -> memref<4x26x128xf32, #tpu.memory_space<vmem>>
      %dma_wait3A_402 = arith.constant 0 : i32
      %dma_wait3A_403 = arith.constant 0 : i32
      %dma_wait3A_404 = tpu.memref_slice %arg4[%add3A_400, %dma_wait3A_402, %dma_wait3A_403] : memref<16384x26x128xf32, #tpu.memory_space<hbm>> -> memref<4x26x128xf32, #tpu.memory_space<hbm>>
      %dma_wait3A_405 = arith.constant 0 : i32
      %dma_wait3A_406 = arith.constant 0 : i32
      %dma_wait3A_407 = tpu.memref_slice %arg4[%add3A_400, %dma_wait3A_405, %dma_wait3A_406] : memref<16384x26x128xf32, #tpu.memory_space<hbm>> -> memref<4x26x128xf32, #tpu.memory_space<hbm>>
      %dma_wait3A_408 = tpu.memref_reshape %arg7 : memref<104x128xf32, #tpu.memory_space<vmem>> -> memref<4x26x128xf32, #tpu.memory_space<vmem>>
      tpu.wait_dma2 semaphore(%arg23 : memref<!tpu.dma_semaphore, #tpu.memory_space<semaphore_mem>>) src(%dma_wait3A_408 : memref<4x26x128xf32, #tpu.memory_space<vmem>>) dst(%dma_wait3A_407 : memref<4x26x128xf32, #tpu.memory_space<hbm>>)
      %lt3A_409 = arith.constant 15 : i32
      %lt3A_410 = arith.cmpi slt, %scan3A_194, %lt3A_409 : i32
      %convert_element_type3A_411 = arith.extui %lt3A_410 : i1 to i32
      %cond3A_412 = arith.constant 0 : i32
      %cond3A_413 = arith.cmpi ne, %convert_element_type3A_411, %cond3A_412 : i32
      scf.if %cond3A_413 {
        %add3A_494 = arith.constant 4 : i32
        %add3A_495 = arith.addi %add3A_377, %add3A_494 : i32
        %mul3A_496 = arith.constant 104 : i32
        %mul3A_497 = arith.muli %add3A_495, %mul3A_496 : i32
        %multiple_of3A_498 = tpu.assume_multiple %mul3A_497, 104 : i32
        %dma_start3A_499 = tpu.memref_slice %arg5[%multiple_of3A_498] : memref<13312xi32, #tpu.memory_space<vmem>> -> memref<104xi32, #tpu.memory_space<vmem>>
        %dma_start3A_500 = arith.constant 0 : i32
        %dma_start3A_501 = arith.constant 0 : i32
        %dma_start3A_502 = tpu.memref_slice %arg3[%dma_start3A_500, %dma_start3A_501] : memref<26000x128xf32, #tpu.memory_space<hbm>> -> memref<26000x128xf32, #tpu.memory_space<hbm>>
        tpu.enqueue_indirect_dma source(%dma_start3A_502 : memref<26000x128xf32, #tpu.memory_space<hbm>>) target(%arg7 : memref<104x128xf32, #tpu.memory_space<vmem>>) offsets(%dma_start3A_499 : memref<104xi32, #tpu.memory_space<vmem>>) semaphore(%arg15 : memref<!tpu.dma_semaphore, #tpu.memory_space<semaphore_mem>>)
      } else {
      }
      %mul3A_414 = arith.constant 8 : i32
      %mul3A_415 = arith.muli %mul3A_414, %scan3A_194 : i32
      %add3A_416 = arith.constant 6 : i32
      %add3A_417 = arith.addi %mul3A_415, %add3A_416 : i32
      %mul3A_418 = arith.constant 104 : i32
      %mul3A_419 = arith.muli %add3A_417, %mul3A_418 : i32
      %multiple_of3A_420 = tpu.assume_multiple %mul3A_419, 104 : i32
      %dma_wait3A_421 = tpu.memref_slice %arg5[%multiple_of3A_420] : memref<13312xi32, #tpu.memory_space<vmem>> -> memref<104xi32, #tpu.memory_space<vmem>>
      %dma_wait3A_422 = arith.constant 0 : i32
      %dma_wait3A_423 = arith.constant 0 : i32
      %dma_wait3A_424 = tpu.memref_slice %arg3[%dma_wait3A_422, %dma_wait3A_423] : memref<26000x128xf32, #tpu.memory_space<hbm>> -> memref<26000x128xf32, #tpu.memory_space<hbm>>
      tpu.wait_indirect_dma semaphore(%arg20 : memref<!tpu.dma_semaphore, #tpu.memory_space<semaphore_mem>>) src(%dma_wait3A_424 : memref<26000x128xf32, #tpu.memory_space<hbm>>) dst(%arg12 : memref<104x128xf32, #tpu.memory_space<vmem>>)
      %mul3A_425 = arith.constant 4 : i32
      %mul3A_426 = arith.muli %add3A_417, %mul3A_425 : i32
      %add3A_427 = arith.addi %mul3A_4, %mul3A_426 : i32
      %dma_start3A_428 = tpu.memref_reshape %arg12 : memref<104x128xf32, #tpu.memory_space<vmem>> -> memref<4x26x128xf32, #tpu.memory_space<vmem>>
      %dma_start3A_429 = arith.constant 0 : i32
      %dma_start3A_430 = arith.constant 0 : i32
      %dma_start3A_431 = tpu.memref_slice %arg4[%add3A_427, %dma_start3A_429, %dma_start3A_430] : memref<16384x26x128xf32, #tpu.memory_space<hbm>> -> memref<4x26x128xf32, #tpu.memory_space<hbm>>
      %dma_start3A_432 = arith.constant 0 : i32
      %dma_start3A_433 = arith.constant 0 : i32
      %dma_start3A_434 = tpu.memref_slice %arg4[%add3A_427, %dma_start3A_432, %dma_start3A_433] : memref<16384x26x128xf32, #tpu.memory_space<hbm>> -> memref<4x26x128xf32, #tpu.memory_space<hbm>>
      %dma_start3A_435 = tpu.memref_reshape %arg12 : memref<104x128xf32, #tpu.memory_space<vmem>> -> memref<4x26x128xf32, #tpu.memory_space<vmem>>
      tpu.enqueue_dma source(%dma_start3A_435 : memref<4x26x128xf32, #tpu.memory_space<vmem>>) target(%dma_start3A_434 : memref<4x26x128xf32, #tpu.memory_space<hbm>>) target_semaphore(%arg28 : memref<!tpu.dma_semaphore, #tpu.memory_space<semaphore_mem>>)
      %sub3A_436 = arith.constant 4 : i32
      %sub3A_437 = arith.subi %add3A_417, %sub3A_436 : i32
      %mul3A_438 = arith.constant 4 : i32
      %mul3A_439 = arith.muli %sub3A_437, %mul3A_438 : i32
      %add3A_440 = arith.addi %mul3A_4, %mul3A_439 : i32
      %dma_wait3A_441 = tpu.memref_reshape %arg8 : memref<104x128xf32, #tpu.memory_space<vmem>> -> memref<4x26x128xf32, #tpu.memory_space<vmem>>
      %dma_wait3A_442 = arith.constant 0 : i32
      %dma_wait3A_443 = arith.constant 0 : i32
      %dma_wait3A_444 = tpu.memref_slice %arg4[%add3A_440, %dma_wait3A_442, %dma_wait3A_443] : memref<16384x26x128xf32, #tpu.memory_space<hbm>> -> memref<4x26x128xf32, #tpu.memory_space<hbm>>
      %dma_wait3A_445 = arith.constant 0 : i32
      %dma_wait3A_446 = arith.constant 0 : i32
      %dma_wait3A_447 = tpu.memref_slice %arg4[%add3A_440, %dma_wait3A_445, %dma_wait3A_446] : memref<16384x26x128xf32, #tpu.memory_space<hbm>> -> memref<4x26x128xf32, #tpu.memory_space<hbm>>
      %dma_wait3A_448 = tpu.memref_reshape %arg8 : memref<104x128xf32, #tpu.memory_space<vmem>> -> memref<4x26x128xf32, #tpu.memory_space<vmem>>
      tpu.wait_dma2 semaphore(%arg24 : memref<!tpu.dma_semaphore, #tpu.memory_space<semaphore_mem>>) src(%dma_wait3A_448 : memref<4x26x128xf32, #tpu.memory_space<vmem>>) dst(%dma_wait3A_447 : memref<4x26x128xf32, #tpu.memory_space<hbm>>)
      %lt3A_449 = arith.constant 15 : i32
      %lt3A_450 = arith.cmpi slt, %scan3A_194, %lt3A_449 : i32
      %convert_element_type3A_451 = arith.extui %lt3A_450 : i1 to i32
      %cond3A_452 = arith.constant 0 : i32
      %cond3A_453 = arith.cmpi ne, %convert_element_type3A_451, %cond3A_452 : i32
      scf.if %cond3A_453 {
        %add3A_494 = arith.constant 4 : i32
        %add3A_495 = arith.addi %add3A_417, %add3A_494 : i32
        %mul3A_496 = arith.constant 104 : i32
        %mul3A_497 = arith.muli %add3A_495, %mul3A_496 : i32
        %multiple_of3A_498 = tpu.assume_multiple %mul3A_497, 104 : i32
        %dma_start3A_499 = tpu.memref_slice %arg5[%multiple_of3A_498] : memref<13312xi32, #tpu.memory_space<vmem>> -> memref<104xi32, #tpu.memory_space<vmem>>
        %dma_start3A_500 = arith.constant 0 : i32
        %dma_start3A_501 = arith.constant 0 : i32
        %dma_start3A_502 = tpu.memref_slice %arg3[%dma_start3A_500, %dma_start3A_501] : memref<26000x128xf32, #tpu.memory_space<hbm>> -> memref<26000x128xf32, #tpu.memory_space<hbm>>
        tpu.enqueue_indirect_dma source(%dma_start3A_502 : memref<26000x128xf32, #tpu.memory_space<hbm>>) target(%arg8 : memref<104x128xf32, #tpu.memory_space<vmem>>) offsets(%dma_start3A_499 : memref<104xi32, #tpu.memory_space<vmem>>) semaphore(%arg16 : memref<!tpu.dma_semaphore, #tpu.memory_space<semaphore_mem>>)
      } else {
      }
      %mul3A_454 = arith.constant 8 : i32
      %mul3A_455 = arith.muli %mul3A_454, %scan3A_194 : i32
      %add3A_456 = arith.constant 7 : i32
      %add3A_457 = arith.addi %mul3A_455, %add3A_456 : i32
      %mul3A_458 = arith.constant 104 : i32
      %mul3A_459 = arith.muli %add3A_457, %mul3A_458 : i32
      %multiple_of3A_460 = tpu.assume_multiple %mul3A_459, 104 : i32
      %dma_wait3A_461 = tpu.memref_slice %arg5[%multiple_of3A_460] : memref<13312xi32, #tpu.memory_space<vmem>> -> memref<104xi32, #tpu.memory_space<vmem>>
      %dma_wait3A_462 = arith.constant 0 : i32
      %dma_wait3A_463 = arith.constant 0 : i32
      %dma_wait3A_464 = tpu.memref_slice %arg3[%dma_wait3A_462, %dma_wait3A_463] : memref<26000x128xf32, #tpu.memory_space<hbm>> -> memref<26000x128xf32, #tpu.memory_space<hbm>>
      tpu.wait_indirect_dma semaphore(%arg21 : memref<!tpu.dma_semaphore, #tpu.memory_space<semaphore_mem>>) src(%dma_wait3A_464 : memref<26000x128xf32, #tpu.memory_space<hbm>>) dst(%arg13 : memref<104x128xf32, #tpu.memory_space<vmem>>)
      %mul3A_465 = arith.constant 4 : i32
      %mul3A_466 = arith.muli %add3A_457, %mul3A_465 : i32
      %add3A_467 = arith.addi %mul3A_4, %mul3A_466 : i32
      %dma_start3A_468 = tpu.memref_reshape %arg13 : memref<104x128xf32, #tpu.memory_space<vmem>> -> memref<4x26x128xf32, #tpu.memory_space<vmem>>
      %dma_start3A_469 = arith.constant 0 : i32
      %dma_start3A_470 = arith.constant 0 : i32
      %dma_start3A_471 = tpu.memref_slice %arg4[%add3A_467, %dma_start3A_469, %dma_start3A_470] : memref<16384x26x128xf32, #tpu.memory_space<hbm>> -> memref<4x26x128xf32, #tpu.memory_space<hbm>>
      %dma_start3A_472 = arith.constant 0 : i32
      %dma_start3A_473 = arith.constant 0 : i32
      %dma_start3A_474 = tpu.memref_slice %arg4[%add3A_467, %dma_start3A_472, %dma_start3A_473] : memref<16384x26x128xf32, #tpu.memory_space<hbm>> -> memref<4x26x128xf32, #tpu.memory_space<hbm>>
      %dma_start3A_475 = tpu.memref_reshape %arg13 : memref<104x128xf32, #tpu.memory_space<vmem>> -> memref<4x26x128xf32, #tpu.memory_space<vmem>>
      tpu.enqueue_dma source(%dma_start3A_475 : memref<4x26x128xf32, #tpu.memory_space<vmem>>) target(%dma_start3A_474 : memref<4x26x128xf32, #tpu.memory_space<hbm>>) target_semaphore(%arg29 : memref<!tpu.dma_semaphore, #tpu.memory_space<semaphore_mem>>)
      %sub3A_476 = arith.constant 4 : i32
      %sub3A_477 = arith.subi %add3A_457, %sub3A_476 : i32
      %mul3A_478 = arith.constant 4 : i32
      %mul3A_479 = arith.muli %sub3A_477, %mul3A_478 : i32
      %add3A_480 = arith.addi %mul3A_4, %mul3A_479 : i32
      %dma_wait3A_481 = tpu.memref_reshape %arg9 : memref<104x128xf32, #tpu.memory_space<vmem>> -> memref<4x26x128xf32, #tpu.memory_space<vmem>>
      %dma_wait3A_482 = arith.constant 0 : i32
      %dma_wait3A_483 = arith.constant 0 : i32
      %dma_wait3A_484 = tpu.memref_slice %arg4[%add3A_480, %dma_wait3A_482, %dma_wait3A_483] : memref<16384x26x128xf32, #tpu.memory_space<hbm>> -> memref<4x26x128xf32, #tpu.memory_space<hbm>>
      %dma_wait3A_485 = arith.constant 0 : i32
      %dma_wait3A_486 = arith.constant 0 : i32
      %dma_wait3A_487 = tpu.memref_slice %arg4[%add3A_480, %dma_wait3A_485, %dma_wait3A_486] : memref<16384x26x128xf32, #tpu.memory_space<hbm>> -> memref<4x26x128xf32, #tpu.memory_space<hbm>>
      %dma_wait3A_488 = tpu.memref_reshape %arg9 : memref<104x128xf32, #tpu.memory_space<vmem>> -> memref<4x26x128xf32, #tpu.memory_space<vmem>>
      tpu.wait_dma2 semaphore(%arg25 : memref<!tpu.dma_semaphore, #tpu.memory_space<semaphore_mem>>) src(%dma_wait3A_488 : memref<4x26x128xf32, #tpu.memory_space<vmem>>) dst(%dma_wait3A_487 : memref<4x26x128xf32, #tpu.memory_space<hbm>>)
      %lt3A_489 = arith.constant 15 : i32
      %lt3A_490 = arith.cmpi slt, %scan3A_194, %lt3A_489 : i32
      %convert_element_type3A_491 = arith.extui %lt3A_490 : i1 to i32
      %cond3A_492 = arith.constant 0 : i32
      %cond3A_493 = arith.cmpi ne, %convert_element_type3A_491, %cond3A_492 : i32
      scf.if %cond3A_493 {
        %add3A_494 = arith.constant 4 : i32
        %add3A_495 = arith.addi %add3A_457, %add3A_494 : i32
        %mul3A_496 = arith.constant 104 : i32
        %mul3A_497 = arith.muli %add3A_495, %mul3A_496 : i32
        %multiple_of3A_498 = tpu.assume_multiple %mul3A_497, 104 : i32
        %dma_start3A_499 = tpu.memref_slice %arg5[%multiple_of3A_498] : memref<13312xi32, #tpu.memory_space<vmem>> -> memref<104xi32, #tpu.memory_space<vmem>>
        %dma_start3A_500 = arith.constant 0 : i32
        %dma_start3A_501 = arith.constant 0 : i32
        %dma_start3A_502 = tpu.memref_slice %arg3[%dma_start3A_500, %dma_start3A_501] : memref<26000x128xf32, #tpu.memory_space<hbm>> -> memref<26000x128xf32, #tpu.memory_space<hbm>>
        tpu.enqueue_indirect_dma source(%dma_start3A_502 : memref<26000x128xf32, #tpu.memory_space<hbm>>) target(%arg9 : memref<104x128xf32, #tpu.memory_space<vmem>>) offsets(%dma_start3A_499 : memref<104xi32, #tpu.memory_space<vmem>>) semaphore(%arg17 : memref<!tpu.dma_semaphore, #tpu.memory_space<semaphore_mem>>)
      } else {
      }
    }
    %scan3A_154 = arith.constant 16 : i32
    %add3A_155 = arith.constant 496 : i32
    %add3A_156 = arith.addi %mul3A_4, %add3A_155 : i32
    %dma_wait3A = tpu.memref_reshape %arg10 : memref<104x128xf32, #tpu.memory_space<vmem>> -> memref<4x26x128xf32, #tpu.memory_space<vmem>>
    %dma_wait3A_157 = arith.constant 0 : i32
    %dma_wait3A_158 = arith.constant 0 : i32
    %dma_wait3A_159 = tpu.memref_slice %arg4[%add3A_156, %dma_wait3A_157, %dma_wait3A_158] : memref<16384x26x128xf32, #tpu.memory_space<hbm>> -> memref<4x26x128xf32, #tpu.memory_space<hbm>>
    %dma_wait3A_160 = arith.constant 0 : i32
    %dma_wait3A_161 = arith.constant 0 : i32
    %dma_wait3A_162 = tpu.memref_slice %arg4[%add3A_156, %dma_wait3A_160, %dma_wait3A_161] : memref<16384x26x128xf32, #tpu.memory_space<hbm>> -> memref<4x26x128xf32, #tpu.memory_space<hbm>>
    %dma_wait3A_163 = tpu.memref_reshape %arg10 : memref<104x128xf32, #tpu.memory_space<vmem>> -> memref<4x26x128xf32, #tpu.memory_space<vmem>>
    tpu.wait_dma2 semaphore(%arg26 : memref<!tpu.dma_semaphore, #tpu.memory_space<semaphore_mem>>) src(%dma_wait3A_163 : memref<4x26x128xf32, #tpu.memory_space<vmem>>) dst(%dma_wait3A_162 : memref<4x26x128xf32, #tpu.memory_space<hbm>>)
    %add3A_164 = arith.constant 500 : i32
    %add3A_165 = arith.addi %mul3A_4, %add3A_164 : i32
    %dma_wait3A_166 = tpu.memref_reshape %arg11 : memref<104x128xf32, #tpu.memory_space<vmem>> -> memref<4x26x128xf32, #tpu.memory_space<vmem>>
    %dma_wait3A_167 = arith.constant 0 : i32
    %dma_wait3A_168 = arith.constant 0 : i32
    %dma_wait3A_169 = tpu.memref_slice %arg4[%add3A_165, %dma_wait3A_167, %dma_wait3A_168] : memref<16384x26x128xf32, #tpu.memory_space<hbm>> -> memref<4x26x128xf32, #tpu.memory_space<hbm>>
    %dma_wait3A_170 = arith.constant 0 : i32
    %dma_wait3A_171 = arith.constant 0 : i32
    %dma_wait3A_172 = tpu.memref_slice %arg4[%add3A_165, %dma_wait3A_170, %dma_wait3A_171] : memref<16384x26x128xf32, #tpu.memory_space<hbm>> -> memref<4x26x128xf32, #tpu.memory_space<hbm>>
    %dma_wait3A_173 = tpu.memref_reshape %arg11 : memref<104x128xf32, #tpu.memory_space<vmem>> -> memref<4x26x128xf32, #tpu.memory_space<vmem>>
    tpu.wait_dma2 semaphore(%arg27 : memref<!tpu.dma_semaphore, #tpu.memory_space<semaphore_mem>>) src(%dma_wait3A_173 : memref<4x26x128xf32, #tpu.memory_space<vmem>>) dst(%dma_wait3A_172 : memref<4x26x128xf32, #tpu.memory_space<hbm>>)
    %add3A_174 = arith.constant 504 : i32
    %add3A_175 = arith.addi %mul3A_4, %add3A_174 : i32
    %dma_wait3A_176 = tpu.memref_reshape %arg12 : memref<104x128xf32, #tpu.memory_space<vmem>> -> memref<4x26x128xf32, #tpu.memory_space<vmem>>
    %dma_wait3A_177 = arith.constant 0 : i32
    %dma_wait3A_178 = arith.constant 0 : i32
    %dma_wait3A_179 = tpu.memref_slice %arg4[%add3A_175, %dma_wait3A_177, %dma_wait3A_178] : memref<16384x26x128xf32, #tpu.memory_space<hbm>> -> memref<4x26x128xf32, #tpu.memory_space<hbm>>
    %dma_wait3A_180 = arith.constant 0 : i32
    %dma_wait3A_181 = arith.constant 0 : i32
    %dma_wait3A_182 = tpu.memref_slice %arg4[%add3A_175, %dma_wait3A_180, %dma_wait3A_181] : memref<16384x26x128xf32, #tpu.memory_space<hbm>> -> memref<4x26x128xf32, #tpu.memory_space<hbm>>
    %dma_wait3A_183 = tpu.memref_reshape %arg12 : memref<104x128xf32, #tpu.memory_space<vmem>> -> memref<4x26x128xf32, #tpu.memory_space<vmem>>
    tpu.wait_dma2 semaphore(%arg28 : memref<!tpu.dma_semaphore, #tpu.memory_space<semaphore_mem>>) src(%dma_wait3A_183 : memref<4x26x128xf32, #tpu.memory_space<vmem>>) dst(%dma_wait3A_182 : memref<4x26x128xf32, #tpu.memory_space<hbm>>)
    %add3A_184 = arith.constant 508 : i32
    %add3A_185 = arith.addi %mul3A_4, %add3A_184 : i32
    %dma_wait3A_186 = tpu.memref_reshape %arg13 : memref<104x128xf32, #tpu.memory_space<vmem>> -> memref<4x26x128xf32, #tpu.memory_space<vmem>>
    %dma_wait3A_187 = arith.constant 0 : i32
    %dma_wait3A_188 = arith.constant 0 : i32
    %dma_wait3A_189 = tpu.memref_slice %arg4[%add3A_185, %dma_wait3A_187, %dma_wait3A_188] : memref<16384x26x128xf32, #tpu.memory_space<hbm>> -> memref<4x26x128xf32, #tpu.memory_space<hbm>>
    %dma_wait3A_190 = arith.constant 0 : i32
    %dma_wait3A_191 = arith.constant 0 : i32
    %dma_wait3A_192 = tpu.memref_slice %arg4[%add3A_185, %dma_wait3A_190, %dma_wait3A_191] : memref<16384x26x128xf32, #tpu.memory_space<hbm>> -> memref<4x26x128xf32, #tpu.memory_space<hbm>>
    %dma_wait3A_193 = tpu.memref_reshape %arg13 : memref<104x128xf32, #tpu.memory_space<vmem>> -> memref<4x26x128xf32, #tpu.memory_space<vmem>>
    tpu.wait_dma2 semaphore(%arg29 : memref<!tpu.dma_semaphore, #tpu.memory_space<semaphore_mem>>) src(%dma_wait3A_193 : memref<4x26x128xf32, #tpu.memory_space<vmem>>) dst(%dma_wait3A_192 : memref<4x26x128xf32, #tpu.memory_space<hbm>>)
    return
  }
}

</mosaic_0001>

<sc_bundles>
// kernel: kernel.3.cloned.1.call-start
scs
__scs_entry_jumppad:
0x0: {  	(pc) =	sbr.rel $0x88, $3  }
0x1: {  	(tag) =	ssettag $0x0;
	lr =	simm.s32 $0x1  }
0x2: {  	[smem:$0x3F9F] =	sst lr;
	_ =	strace $0xD0000000  }
0x3: {  	_ = 	snop  }
0x4: {  	_ = 	snop  }
0x5: {  	_ = 	snop  }
0x6: {  	_ = 	snop  }
0x7: {  	_ = 	snop  }
__scs_overlays_trampoline_lowered:
0x8: {  	[smem:$0x3FAE] =	sst s0  }
0x9: {  	[smem:$0x3FAF] =	sst s1  }
0xa: {  	[smem:$0x3FB0] =	sst s2  }
0xb: {  	[smem:$0x3FB1] =	sst s3  }
0xc: {  	[smem:$0x3FB2] =	sst s4  }
0xd: {  	[smem:$0x3FB3] =	sst s5  }
0xe: {  	[smem:$0x3FB4] =	sst s6  }
0xf: {  	[smem:$0x3FB5] =	sst s7  }
0x10: {  	[smem:$0x3FB6] =	sst s8  }
0x11: {  	[smem:$0x3FB7] =	sst s9;
	s0 =	simm.s32 @!p0 $0x0  }
0x12: {  	s1 =	sld [smem:$0x3F9D];
	s0 =	simm.s32 @p0 $0x1  }
0x13: {  	[smem:$0x3FB8] =	sst s0;
	s0 =	simm.s32 @!p1 $0x0  }
0x14: {  	s2 =	sld [smem:$0x3F9C];
	s0 =	simm.s32 @p1 $0x1  }
0x15: {  	[smem:$0x3FB9] =	sst s0;
	s0 =	simm.s32 @!p2 $0x0  }
0x16: {  	s3 =	sld [smem:$0x3FDB];
	s0 =	simm.s32 @p2 $0x1  }
0x17: {  	s4 =	simm.s32 $0x1BF5;
	[smem:$0x3FBB] =	sst s0  }
0x18: {  	s0 =	sld [smem:$0x3F9E];
	_ =	swait.ge [sflag:s4], $0x0  }
0x19: {  	s7 =	sld [smem:$0x3F9F]  }
0x1a: {  	s8 =	sadd.s32 $0xFFFFE003, lr  }
0x1b: {  	s9 =	sadd.s32 $0xFFFFFEF7, lr;
	s5 =	simm.s32 $0xFFFFFFFF;
	p2 =	slt.u32 s8, $0xFFFFF086  }
0x1c: {  	p1 =	slt.u32 s9, $0xF7A;
	s5 =	simm.s32 @!p2 $0x0  }
0x1d: {  	s5 =	simm.s32 @p1 $0x1;
	p0 =	seq.s32 s7, s2  }
0x1e: {  	s7 =	smul.u32 @!p0 $0xF7A, s2;
	p2 =	seq.s32 @!p0 s5, $0x0  }
0x1f: {  	s9 =	smul.u32 $0xF7A, s1;
	s8 =	simm.s32 @!p0 $0x1BF5;
	p2 =	por !p2, p0  }
0x20: {  	[sflag:s8] =	ssyncset.s32 @!p0 $0xFFFFF086;
	s6 =	sadd.s32 @!p0 s3, s7;
	s7 =	simm.s32 @!p0 $0x108  }
0x21: {  	s3 =	sadd.s32 s3, s9;
	s6 =	sadd.s32 @!p0 $0x88, s6;
	s7 =	simm.s32 @p2 $0x1082  }
0x22: {  	[simem:s7], [sflag:s8] =	dma.local @!p0 [hbm:s6], $0xF7A  }
0x23: {  	s9 =	sor.u32 $0xD0000000, s2;
	s6 =	simm.s32 $0x108;
	_ =	swait.ge @!p0 [sflag:s8], $0x0  }
0x24: {  	s3 =	sadd.s32 $0x88, s3;
	s6 =	simm.s32 @!p1 $0x1082;
	[sflag:s4] =	ssyncset.s32 $0xFFFFF086  }
0x25: {  	[simem:s6], [sflag:s4] =	dma.local [hbm:s3], $0xF7A  }
0x26: {  	[smem:$0x3F9F] =	sst s1;
	(tag) =	ssettag s2;
	_ =	strace s9  }
0x27: {  	s1 =	sld [smem:$0x3FAF]  }
0x28: {  	s2 =	sld [smem:$0x3FB0]  }
0x29: {  	s4 =	sld [smem:$0x3FB2]  }
0x2a: {  	p0 =	seq.s32 s5, $0x0;
	s5 =	sld [smem:$0x3FB3]  }
0x2b: {  	s6 =	sld [smem:$0x3FB4]  }
0x2c: {  	s7 =	sld [smem:$0x3FB5]  }
0x2d: {  	s3 =	simm.s32 $0x108;
	s8 =	sld [smem:$0x3FB6]  }
0x2e: {  	s3 =	simm.s32 @!p0 $0x1082;
	s9 =	sld [smem:$0x3FB7]  }
0x2f: {  	lr =	sadd.s32 s0, s3;
	s0 =	sld [smem:$0x3FAE]  }
0x30: {  	s3 =	sld [smem:$0x3FB1]  }
0x31: {  	[smem:$0x3FBA] =	sst s10  }
0x32: {  	s10 =	sld [smem:$0x3FB8];
	_ =	sdelay $0x3  }
0x33: {  	p0 =	seq.s32 s10, $0x1;
	s10 =	sld [smem:$0x3FBA];
	_ =	sdelay $0x3  }
0x34: {  	[smem:$0x3FBA] =	sst s10  }
0x35: {  	s10 =	sld [smem:$0x3FB9];
	_ =	sdelay $0x3  }
0x36: {  	p1 =	seq.s32 s10, $0x1;
	s10 =	sld [smem:$0x3FBA];
	_ =	sdelay $0x3  }
0x37: {  	[smem:$0x3FBA] =	sst s10  }
0x38: {  	s10 =	sld [smem:$0x3FBB]  }
0x39: {  	_ = 	snop;
	(pc) =	sbr.ind lr, $3  }
0x3a: {  	_ = 	snop  }
0x3b: {  	_ = 	snop  }
0x3c: {  	p2 =	seq.s32 s10, $0x1;
	s10 =	sld [smem:$0x3FBA]  }
0x3d: {  	_ =	shalt  }
0x3e: {  	_ =	shalt  }
0x3f: {  	_ =	shalt  }
0x40: {  	_ =	shalt  }
0x41: {  	_ =	shalt  }
0x42: {  	_ =	shalt  }
0x43: {  	_ =	shalt  }
0x44: {  	_ =	shalt  }
0x45: {  	_ =	shalt  }
0x46: {  	_ =	shalt  }
0x47: {  	_ =	shalt  }
0x48: {  	_ =	shalt  }
0x49: {  	_ =	shalt  }
0x4a: {  	_ =	shalt  }
0x4b: {  	_ =	shalt  }
0x4c: {  	_ =	shalt  }
0x4d: {  	_ =	shalt  }
0x4e: {  	_ =	shalt  }
0x4f: {  	_ =	shalt  }
0x50: {  	_ =	shalt  }
0x51: {  	_ =	shalt  }
0x52: {  	_ =	shalt  }
0x53: {  	_ =	shalt  }
0x54: {  	_ =	shalt  }
0x55: {  	_ =	shalt  }
0x56: {  	_ =	shalt  }
0x57: {  	_ =	shalt  }
0x58: {  	_ =	shalt  }
0x59: {  	_ =	shalt  }
0x5a: {  	_ =	shalt  }
0x5b: {  	_ =	shalt  }
0x5c: {  	_ =	shalt  }
0x5d: {  	_ =	shalt  }
0x5e: {  	_ =	shalt  }
0x5f: {  	_ =	shalt  }
0x60: {  	_ =	shalt  }
0x61: {  	_ =	shalt  }
0x62: {  	_ =	shalt  }
0x63: {  	_ =	shalt  }
0x64: {  	_ =	shalt  }
0x65: {  	_ =	shalt  }
0x66: {  	_ =	shalt  }
0x67: {  	_ =	shalt  }
0x68: {  	_ =	shalt  }
0x69: {  	_ =	shalt  }
0x6a: {  	_ =	shalt  }
0x6b: {  	_ =	shalt  }
0x6c: {  	_ =	shalt  }
0x6d: {  	_ =	shalt  }
0x6e: {  	_ =	shalt  }
0x6f: {  	_ =	shalt  }
0x70: {  	_ =	shalt  }
0x71: {  	_ =	shalt  }
0x72: {  	_ =	shalt  }
0x73: {  	_ =	shalt  }
0x74: {  	_ =	shalt  }
0x75: {  	_ =	shalt  }
0x76: {  	_ =	shalt  }
0x77: {  	_ =	shalt  }
0x78: {  	_ =	shalt  }
0x79: {  	_ =	shalt  }
0x7a: {  	_ =	shalt  }
0x7b: {  	_ =	shalt  }
0x7c: {  	_ =	shalt  }
0x7d: {  	_ =	shalt  }
0x7e: {  	_ =	shalt  }
0x7f: {  	_ =	shalt  }
0x80: {  	_ =	shalt  }
0x81: {  	_ =	shalt  }
0x82: {  	_ =	shalt  }
0x83: {  	_ =	shalt  }
0x84: {  	_ =	shalt  }
0x85: {  	_ =	shalt  }
0x86: {  	_ =	shalt  }
0x87: {  	_ =	shalt  }
.Lfunc_end0:
.L_simem_size_0:
called_computation_lowered:
.L_overlay_start_0:
0x88: {  	s2 =	sld [smem:$0x3FD9]  }
0x89: {  	s3 =	sld [smem:$0x3FFE];
	_ =	sdelay $0x1  }
0x8a: {  	s1 =	srdreg.scid  }
0x8b: {  	s0 =	sand.u32 $0x1, s1  }
0x8c: {  	s17 =	sshll.u32 s0, $0xA;
	s2 =	sadd.s32 s3, s2  }
0x8d: {  	s2 =	sadd.s32 s2, s17  }
0x8e: {  	[smem:$0x3FC6] =	sst s2  }
0x8f: {  	_ = 	snop  }
0x90: {  	s2 =	sld [smem:$0x3FC8]  }
0x91: {  	s18 =	sld [smem:$0x3FD0];
	(tm) =	ssettm $0x1  }
0x92: {  	s4 =	sld [smem:$0x3FFB];
	_ =	sdelay $0x3  }
0x93: {  	_ =	strace s4  }
0x94: {  	s4 =	sld [smem:$0x3FFC];
	_ =	sdelay $0x3  }
0x95: {  	_ =	strace s4  }
0x96: {  	s4 =	sld [smem:$0x3FFD];
	_ =	sdelay $0x3  }
0x97: {  	_ =	strace s4  }
0x98: {  	_ =	strace $0x8FFFFFFF  }
0x99: {  	s19 =	sld [smem:$0x3FDB];
	_ =	sdelay $0x1  }
0x9a: {  	s5 =	simm.s32 $_scs_section_size  }
0x9b: {  	s6 =	simm.s32 $_size__tile_overlayer_lowered;
	s7 =	simm.s32 $_tile_overlayer_lowered  }
0x9c: {  	s22 =	simm.s32 $0x1BFF;
	s21 =	sshll.u32 s7, $0x1;
	s4 =	sadd.s32 s5, s19  }
0x9d: {  	s8 =	simm.s32 $0x0;
	s20 =	sshll.u32 s6, $0x1;
	s6 =	sadd.s32 s21, s4  }
0x9e: {  	[timem:s8], [sflag:s22] =	dma.local [hbm:s6], s20  }
0x9f: {  	_ =	swait.ge [sflag:s22], s20  }
0xa0: {  	s5 =	ssub.s32 $0x0, s20;
	[sflag:s22] =	ssyncset.done $0x0  }
0xa1: {  	[sflag:s22] =	ssyncadd.s32 s5;
	_ =	sdelay $0x1  }
0xa2: {  	s23 =	simm.s32 $0x1B8B  }
0xa3: {  	_ =	swait.ge [sflag:s23], $0x1  }
0xa4: {  	[sflag:s23] =	ssyncset.done $0x0  }
0xa5: {  	s25 =	simm.s32 $0x1B8E;
	s24 =	sld [smem:$0x3FFE];
	[sflag:s23] =	ssyncadd.s32 $0xFFFFFFFF  }
0xa6: {  	s26 =	simm.s32 $execute0_lowered;
	[smem:$0x3FD2] =	sst s25  }
0xa7: {  	s6 =	sshll.u32 s26, $0x1;
	_ =	strace $0x80000046;
	[dreg:$0x1] =	wrdreg $0xFFFFFFFF  }
0xa8: {  	s28 =	simm.s32 $_size_execute0_lowered;
	s4 =	sadd.s32 s4, s6;
	[dreg:$0x0] =	wrdreg $0x0  }
0xa9: {  	s6 =	sshll.u32 s28, $0x1;
	[dreg:$0x2] =	wrdreg s4  }
0xaa: {  	[dreg:$0x3] =	wrdreg s6  }
0xab: {  	[dreg:$0x4] =	wrdreg $0xC0  }
0xac: {  	_ =	task [dreg:s8], $0x5FFFF  }
0xad: {  	[dreg:$0x1] =	wrdreg $0xFFFFFFFF  }
0xae: {  	[dreg:$0x0] =	wrdreg $0x60  }
0xaf: {  	[dreg:$0x2] =	wrdreg s18  }
0xb0: {  	[dreg:$0x3] =	wrdreg s2  }
0xb1: {  	[dreg:$0x4] =	wrdreg s24  }
0xb2: {  	[dreg:$0x5] =	wrdreg $0x9  }
0xb3: {  	_ =	task.clear_ibuf [dreg:s8], $0x6FFFF;
	_ =	strace $0x90000046  }
0xb4: {  	s29 =	simm.s32 $0x9;
	_ =	strace $0x80000048  }
0xb5: {  	_ =	swait.ge [sflag:s29], $0x1  }
0xb6: {  	[sflag:s29] =	ssyncadd.s32 $0xFFFFFFFF  }
0xb7: {  	_ =	strace $0x90000048  }
0xb8: {  	_ =	sfence  }
0xb9: {  	s30 =	sld [smem:$0x0];
	_ =	sdelay $0x2  }
0xba: {  	s31 =	sshll.u32 s1, $0xD;
	s1 =	sshrl.u32 s1, $0x2  }
0xbb: {  	s3 =	sand.u32 $0x4000, s31;
	s1 =	sadd.s32 s1, s30  }
0xbc: {  	s0 =	sor.u32 s3, s0;
	s1 =	sshll.u32 s1, $0x11  }
0xbd: {  	s0 =	sor.u32 s1, s0  }
0xbe: {  	s0 =	sadd.s32 $0x8F2B, s0  }
0xbf: {  	[sflag:s0] =	ssyncadd.remote.s32 $0x1  }
0xc0: {  	_ =	sfence.sel $0xFFFF  }
0xc1: {  	[dreg:$0x0] =	wrdreg $0xFFFFFFFF;
	(pc) =	sbr.abs _section_cstart, $3  }
0xc2: {  	[dreg:$0x1] =	wrdreg $0xFFFFFFFF  }
0xc3: {  	_ =	task.clear_ibuf [dreg:s8], $0x2FFFF;
	_ =	strace $0x9FFFFFFF  }
0xc4: {  	(tm) =	ssettm $0x7FFFFFFF  }
0xc5: {  	_ =	shalt  }
tec
execute0_lowered:
.L_overlay_start_1:
0x0: {  	(tag) =	ssettag $0x1  }
0x1: {  	vm14 =	vcmask $0x300;
	v0 =	vimm.s32 $0x1388  }
0x2: {  	vm13 =	vcmask $0x704;
	vm12 =	vcmask $0xB08;
	vm11 =	vcmask $0xF0C  }
0x3: {  	vm10 =	vcmask $0x1310;
	vm9 =	vcmask $0x1714;
	vm8 =	vcmask $0x1B18  }
0x4: {  	vm7 =	vcmask $0x1F1C;
	vm6 =	vcmask $0x2320;
	vm5 =	vcmask $0x2724  }
0x5: {  	vm4 =	vcmask $0x2B28;
	vm3 =	vcmask $0x2F2C;
	v1 =	vlaneseq.u32  }
0x6: {  	vm2 =	vcmask $0x3330;
	vm1 =	vcmask $0x3734;
	vm0 =	vcmask $0x3B38  }
0x7: {  	v3 =	vimm.s32 $0x2AF8;
	v4 =	vimm.s32 $0x3E8;
	v5 =	vimm.s32 $0x1B58  }
0x8: {  	v8 =	vimm.s32 $0x32C8;
	v9 =	vimm.s32 $0xBB8;
	v10 =	vimm.s32 $0x2328  }
0x9: {  	v0 =	vsel vm14, $0x3E80, v0;
	v3 =	vsel vm14, $0x55F0, v3;
	v4 =	vsel vm14, $0x2EE0, v4  }
0xa: {  	v5 =	vsel vm14, $0x4650, v5;
	v8 =	vsel vm14, $0x5DC0, v8;
	v9 =	vsel vm14, $0x36B0, v9  }
0xb: {  	v10 =	vsel vm14, $0x4E20, v10;
	v0 =	vsel vm13, $0x4268, v0;
	v3 =	vsel vm13, $0x59D8, v3  }
0xc: {  	v4 =	vsel vm13, $0x32C8, v4;
	v5 =	vsel vm13, $0x4A38, v5;
	v8 =	vsel vm13, $0x61A8, v8  }
0xd: {  	v9 =	vsel vm13, $0x3A98, v9;
	v10 =	vsel vm13, $0x5208, v10;
	v0 =	vsel vm12, $0x4650, v0  }
0xe: {  	v3 =	vsel vm12, $0x5DC0, v3;
	v4 =	vsel vm12, $0x36B0, v4;
	v5 =	vsel vm12, $0x4E20, v5  }
0xf: {  	v8 =	vsel vm12, $0x0, v8;
	v9 =	vsel vm12, $0x3E80, v9;
	v10 =	vsel vm12, $0x55F0, v10  }
0x10: {  	v0 =	vsel vm11, $0x4A38, v0;
	v3 =	vsel vm11, $0x61A8, v3;
	v4 =	vsel vm11, $0x3A98, v4  }
0x11: {  	v5 =	vsel vm11, $0x5208, v5;
	v8 =	vsel vm11, $0x3E8, v8;
	v9 =	vsel vm11, $0x4268, v9  }
0x12: {  	v10 =	vsel vm11, $0x59D8, v10;
	v0 =	vsel vm10, $0x4E20, v0;
	v3 =	vsel vm10, $0x0, v3  }
0x13: {  	v4 =	vsel vm10, $0x3E80, v4;
	v5 =	vsel vm10, $0x55F0, v5;
	v8 =	vsel vm10, $0x7D0, v8  }
0x14: {  	v9 =	vsel vm10, $0x4650, v9;
	v10 =	vsel vm10, $0x5DC0, v10;
	v0 =	vsel vm9, $0x5208, v0  }
0x15: {  	v3 =	vsel vm9, $0x3E8, v3;
	v4 =	vsel vm9, $0x4268, v4;
	v5 =	vsel vm9, $0x59D8, v5  }
0x16: {  	v8 =	vsel vm9, $0xBB8, v8;
	v9 =	vsel vm9, $0x4A38, v9;
	v10 =	vsel vm9, $0x61A8, v10  }
0x17: {  	v0 =	vsel vm8, $0x55F0, v0;
	v3 =	vsel vm8, $0x7D0, v3;
	v4 =	vsel vm8, $0x4650, v4  }
0x18: {  	v5 =	vsel vm8, $0x5DC0, v5;
	v8 =	vsel vm8, $0xFA0, v8;
	v9 =	vsel vm8, $0x4E20, v9  }
0x19: {  	v10 =	vsel vm8, $0x0, v10;
	v0 =	vsel vm7, $0x59D8, v0;
	v3 =	vsel vm7, $0xBB8, v3  }
0x1a: {  	v4 =	vsel vm7, $0x4A38, v4;
	v5 =	vsel vm7, $0x61A8, v5;
	v8 =	vsel vm7, $0x1388, v8  }
0x1b: {  	s1 =	rddreg [dreg:$0x0];
	v9 =	vsel vm7, $0x5208, v9;
	v10 =	vsel vm7, $0x3E8, v10;
	v0 =	vsel vm6, $0x5DC0, v0  }
0x1c: {  	s0 =	rddreg [dreg:$0x1];
	v3 =	vsel vm6, $0xFA0, v3;
	v4 =	vsel vm6, $0x4E20, v4;
	v5 =	vsel vm6, $0x0, v5  }
0x1d: {  	s2 =	rddreg [dreg:$0x2];
	s3 =	srdreg.scid;
	v8 =	vsel vm6, $0x1770, v8;
	v9 =	vsel vm6, $0x55F0, v9;
	v10 =	vsel vm6, $0x7D0, v10  }
0x1e: {  	s4 =	simm.s32 $0x0;
	s8 =	stileid.u32;
	s12 =	simm.s32 $0x68;
	v0 =	vsel vm5, $0x61A8, v0;
	v3 =	vsel vm5, $0x1388, v3;
	v4 =	vsel vm5, $0x5208, v4  }
0x1f: {  	s18 =	simm.s32 $0xD000;
	s19 =	simm.s32 $0x1;
	s20 =	simm.s32 $0xD00;
	v5 =	vsel vm5, $0x3E8, v5;
	v8 =	vsel vm5, $0x1B58, v8;
	v9 =	vsel vm5, $0x59D8, v9  }
0x20: {  	s28 =	simm.s32 $0x4;
	s29 =	simm.s32 $0x1A000;
	s30 =	simm.s32 $0x5;
	v10 =	vsel vm5, $0xBB8, v10;
	v0 =	vsel vm4, $0x0, v0;
	v3 =	vsel vm4, $0x1770, v3  }
0x21: {  	s31 =	simm.s32 $0x9;
	s15 =	simm.s32 $0x7;
	s17 =	simm.s32 $0xB;
	v4 =	vsel vm4, $0x55F0, v4;
	v5 =	vsel vm4, $0x7D0, v5;
	v8 =	vsel vm4, $0x1F40, v8  }
0x22: {  	s3 =	sand.u32 $0x1, s3;
	[smem:$0x7FF] =	sst s4;
	s5 =	sshll.u32 s8, $0x1;
	v9 =	vsel vm4, $0x5DC0, v9;
	v10 =	vsel vm4, $0xFA0, v10;
	v2 =	vsel vm3, $0x3E8, v0  }
0x23: {  	s22 =	sshll.u32 s8, $0x13;
	s2 =	sadd.s32 $0x400, s2;
	s21 =	ssub.s32 $0x2, s3;
	v0 =	vmul.u32 $0x3E8, v1;
	v3 =	vsel vm3, $0x1B58, v3;
	v4 =	vsel vm3, $0x59D8, v4  }
0x24: {  	_ =	strace $0x80000047;
	s5 =	sor.u32 s3, s5;
	s3 =	sshll.u32 s3, $0x12;
	v5 =	vsel vm3, $0xBB8, v5;
	v8 =	vsel vm3, $0x2328, v8;
	v9 =	vsel vm3, $0x61A8, v9  }
0x25: {  	[dreg:$0x4] =	wrdreg s2;
	s2 =	simm.s32 $0xA;
	s6 =	sshrl.u32 s21, $0x1;
	v10 =	vsel vm3, $0x1388, v10;
	v1 =	vsel vm2, $0x7D0, v2;
	v3 =	vsel vm2, $0x1F40, v3  }
0x26: {  	s7 =	smul.u32 $0x680, s5;
	s3 =	sor.u32 s3, s22;
	s22 =	simm.s32 $0x10400;
	v4 =	vsel vm2, $0x5DC0, v4;
	v5 =	vsel vm2, $0xFA0, v5;
	v8 =	vsel vm2, $0x2710, v8  }
0x27: {  	s23 =	ssub.s32 s21, s6;
	s25 =	sor.u32 $0x1800, s3;
	s26 =	sor.u32 $0x1000, s3;
	v9 =	vsel vm2, $0x0, v9;
	v10 =	vsel vm2, $0x1770, v10;
	v1 =	vsel vm1, $0xBB8, v1  }
0x28: {  	s9 =	smov.u32 s3;
	s10 =	sor.u32 $0x800, s3;
	s21 =	simm.s32 $0x1000;
	v2 =	vadd.s32 $0x1770, v0;
	v3 =	vsel vm1, $0x2328, v3;
	v4 =	vsel vm1, $0x61A8, v4  }
.Ltmp0:
0x29: {  	s3 =	simm.s32 $0x8;
	s6 =	simm.s32 $0xC;
	v6 =	vsel vm1, $0x1388, v5;
	v5 =	vadd.s32 $0x7D0, v0;
	v7 =	vadd.s32 $0x1F40, v0;
	(pc) =	sbr.rel .LBB2_1-.Ltmp0, $4  }
0x2a: {  	s1 =	sadd.s32 s1, s7;
	s24 =	smax.u32 s23, $0x1;
	[dreg:$0x7] =	wrdreg s25;
	v8 =	vsel vm1, $0x2AF8, v8;
	v9 =	vsel vm1, $0x3E8, v9;
	v11 =	vsel vm1, $0x1B58, v10  }
0x2b: {  	[dreg:$0x8] =	wrdreg s26;
	s23 =	simm.s32 $0x2;
	s25 =	simm.s32 $0x3;
	v10 =	vadd.s32 $0xFA0, v0;
	v12 =	vadd.s32 $0x2710, v0;
	v1 =	vsel vm0, $0xFA0, v1  }
0x2c: {  	s26 =	simm.s32 $0x16C00;
	s7 =	simm.s32 $0x0;
	[dreg:$0x5] =	wrdreg s1;
	v3 =	vsel vm0, $0x2710, v3;
	v4 =	vsel vm0, $0x0, v4;
	v6 =	vsel vm0, $0x1770, v6  }
0x2d: {  	[dreg:$0x6] =	wrdreg s24;
	s24 =	simm.s32 $0x13800;
	s1 =	simm.s32 $0x6;
	v8 =	vsel vm0, $0x2EE0, v8;
	v9 =	vsel vm0, $0x7D0, v9;
	v11 =	vsel vm0, $0x1F40, v11  }
.LBB2_6:
0x2e: {  	s4 =	simm.s32 $0xD  }
0x2f: {  	_ =	swait.ge [sflag:s4], $0x3400  }
0x30: {  	[sflag:s4] =	ssyncset.done $0x0  }
0x31: {  	s13 =	simm.s32 $0xE;
	[sflag:s4] =	ssyncadd.s32 $0xFFFFCC00  }
0x32: {  	_ =	swait.ge [sflag:s13], $0x3400  }
0x33: {  	[sflag:s13] =	ssyncset.done $0x0  }
0x34: {  	s14 =	simm.s32 $0xF;
	[sflag:s13] =	ssyncadd.s32 $0xFFFFCC00  }
0x35: {  	_ =	swait.ge [sflag:s14], $0x3400  }
0x36: {  	[sflag:s14] =	ssyncset.done $0x0  }
0x37: {  	s5 =	simm.s32 $0x10;
	[sflag:s14] =	ssyncadd.s32 $0xFFFFCC00  }
0x38: {  	_ =	swait.ge [sflag:s5], $0x3400  }
0x39: {  	s7 =	rddreg [dreg:$0x9]  }
0x3a: {  	s16 =	rddreg [dreg:$0x6];
	s7 =	sadd.s32 $0x1, s7  }
0x3b: {  	p0 =	sne.s32 s7, s16  }
.Ltmp1:
0x3c: {  	_ = 	snop;
	(pc) =	sbr.rel @!p0 .LBB2_7-.Ltmp1, $3  }
0x3d: {  	_ =	sdelay $0x1  }
0x3e: {  	[sflag:s5] =	ssyncset.done $0x0  }
0x3f: {  	[sflag:s5] =	ssyncadd.s32 $0xFFFFCC00  }
.LBB2_1:
0x40: {  	[dreg:$0x9] =	wrdreg s7  }
0x41: {  	s4 =	simm.s32 $0x0;
	s5 =	rddreg [dreg:$0x5];
	s16 =	simm.s32 $0x11  }
0x42: {  	[tilespmem:s4], [sflag:$0x11] =	stream.linear.gather [hbm4b:s5+s4], $0x3400, $0x38;
	[tilespmem:$0x1D400] =	vst v63  }
0x43: {  	s4 =	smul.u32 $0x1A00, s4;
	_ =	swait.ge [sflag:s16], $0x3400  }
0x44: {  	[sflag:s16] =	ssyncset.done $0x0  }
0x45: {  	s11 =	sshra.s32 s4, $0x2;
	[sflag:s16] =	ssyncadd.s32 $0xFFFFCC00  }
0x46: {  	v13 =	vld [tilespmem:s11+$0x0]  }
0x47: {  	v14 =	vld [tilespmem:s11+$0x10]  }
0x48: {  	v15 =	vld [tilespmem:s11+$0x20]  }
0x49: {  	v16 =	vld [tilespmem:s11+$0x30]  }
0x4a: {  	v17 =	vld [tilespmem:s11+$0x40]  }
0x4b: {  	v18 =	vld [tilespmem:s11+$0x50];
	v13 =	vadd.s32 v0, v13  }
0x4c: {  	[tilespmem:s11+$0x0] =	vst v13;
	v13 =	vadd.s32 v1, v14;
	v14 =	vld [tilespmem:s11+$0x60]  }
0x4d: {  	[tilespmem:s11+$0x10] =	vst v13;
	v13 =	vadd.s32 v2, v15;
	v15 =	vld [tilespmem:s11+$0x70]  }
0x4e: {  	[tilespmem:s11+$0x20] =	vst v13;
	v13 =	vadd.s32 v3, v16;
	v16 =	vld [tilespmem:s11+$0x80]  }
0x4f: {  	[tilespmem:s11+$0x30] =	vst v13;
	v13 =	vadd.s32 v4, v17;
	v17 =	vld [tilespmem:s11+$0x90]  }
0x50: {  	[tilespmem:s11+$0x40] =	vst v13;
	v13 =	vadd.s32 v5, v18;
	v18 =	vld [tilespmem:s11+$0xA0]  }
0x51: {  	[tilespmem:s11+$0x50] =	vst v13;
	v13 =	vadd.s32 v6, v14;
	v14 =	vld [tilespmem:s11+$0xB0]  }
0x52: {  	[tilespmem:s11+$0x60] =	vst v13;
	v13 =	vadd.s32 v7, v15;
	v15 =	vld [tilespmem:s11+$0xC0]  }
0x53: {  	[tilespmem:s11+$0x70] =	vst v13;
	v13 =	vadd.s32 v8, v16;
	v16 =	vld [tilespmem:s11+$0xD0]  }
0x54: {  	[tilespmem:s11+$0x80] =	vst v13;
	v13 =	vadd.s32 v9, v17;
	v17 =	vld [tilespmem:s11+$0xE0]  }
0x55: {  	[tilespmem:s11+$0x90] =	vst v13;
	v13 =	vadd.s32 v10, v18;
	v18 =	vld [tilespmem:s11+$0xF0]  }
0x56: {  	[tilespmem:s11+$0xA0] =	vst v13;
	v13 =	vadd.s32 v11, v14;
	v14 =	vld [tilespmem:s11+$0x100]  }
0x57: {  	[tilespmem:s11+$0xB0] =	vst v13;
	v13 =	vadd.s32 v12, v15;
	v15 =	vld [tilespmem:s11+$0x110]  }
0x58: {  	[tilespmem:s11+$0xC0] =	vst v13;
	v13 =	vadd.s32 v0, v16;
	v16 =	vld [tilespmem:s11+$0x120]  }
0x59: {  	[tilespmem:s11+$0xD0] =	vst v13;
	v13 =	vadd.s32 v1, v17;
	v17 =	vld [tilespmem:s11+$0x130]  }
0x5a: {  	[tilespmem:s11+$0xE0] =	vst v13;
	v13 =	vadd.s32 v2, v18;
	v18 =	vld [tilespmem:s11+$0x140]  }
0x5b: {  	[tilespmem:s11+$0xF0] =	vst v13;
	v13 =	vadd.s32 v3, v14;
	v14 =	vld [tilespmem:s11+$0x150]  }
0x5c: {  	[tilespmem:s11+$0x100] =	vst v13;
	v13 =	vadd.s32 v4, v15;
	v15 =	vld [tilespmem:s11+$0x160]  }
0x5d: {  	[tilespmem:s11+$0x110] =	vst v13;
	v13 =	vadd.s32 v5, v16;
	v16 =	vld [tilespmem:s11+$0x170]  }
0x5e: {  	[tilespmem:s11+$0x120] =	vst v13;
	v13 =	vadd.s32 v6, v17;
	v17 =	vld [tilespmem:s11+$0x180]  }
0x5f: {  	[tilespmem:s11+$0x130] =	vst v13;
	v13 =	vadd.s32 v7, v18;
	v18 =	vld [tilespmem:s11+$0x190]  }
0x60: {  	[tilespmem:s11+$0x140] =	vst v13;
	v13 =	vadd.s32 v8, v14;
	v14 =	vld [tilespmem:s11+$0x1A0]  }
0x61: {  	[tilespmem:s11+$0x150] =	vst v13;
	v13 =	vadd.s32 v9, v15;
	v15 =	vld [tilespmem:s11+$0x1B0]  }
0x62: {  	[tilespmem:s11+$0x160] =	vst v13;
	v13 =	vadd.s32 v10, v16;
	v16 =	vld [tilespmem:s11+$0x1C0]  }
0x63: {  	[tilespmem:s11+$0x170] =	vst v13;
	v13 =	vadd.s32 v11, v17;
	v17 =	vld [tilespmem:s11+$0x1D0]  }
0x64: {  	[tilespmem:s11+$0x180] =	vst v13;
	v13 =	vadd.s32 v12, v18;
	v18 =	vld [tilespmem:s11+$0x1E0]  }
0x65: {  	[tilespmem:s11+$0x190] =	vst v13;
	v13 =	vadd.s32 v0, v14;
	v14 =	vld [tilespmem:s11+$0x1F0]  }
0x66: {  	[tilespmem:s11+$0x1A0] =	vst v13;
	v13 =	vadd.s32 v1, v15;
	v15 =	vld [tilespmem:s11+$0x200]  }
0x67: {  	[tilespmem:s11+$0x1B0] =	vst v13;
	v13 =	vadd.s32 v2, v16;
	v16 =	vld [tilespmem:s11+$0x210]  }
0x68: {  	[tilespmem:s11+$0x1C0] =	vst v13;
	v13 =	vadd.s32 v3, v17;
	v17 =	vld [tilespmem:s11+$0x220]  }
0x69: {  	[tilespmem:s11+$0x1D0] =	vst v13;
	v13 =	vadd.s32 v4, v18;
	v18 =	vld [tilespmem:s11+$0x230]  }
0x6a: {  	[tilespmem:s11+$0x1E0] =	vst v13;
	v13 =	vadd.s32 v5, v14;
	v14 =	vld [tilespmem:s11+$0x240]  }
0x6b: {  	[tilespmem:s11+$0x1F0] =	vst v13;
	v13 =	vadd.s32 v6, v15;
	v15 =	vld [tilespmem:s11+$0x250]  }
0x6c: {  	[tilespmem:s11+$0x200] =	vst v13;
	v13 =	vadd.s32 v7, v16;
	v16 =	vld [tilespmem:s11+$0x260]  }
0x6d: {  	[tilespmem:s11+$0x210] =	vst v13;
	v13 =	vadd.s32 v8, v17;
	v17 =	vld [tilespmem:s11+$0x270]  }
0x6e: {  	[tilespmem:s11+$0x220] =	vst v13;
	v13 =	vadd.s32 v9, v18;
	v18 =	vld [tilespmem:s11+$0x280]  }
0x6f: {  	[tilespmem:s11+$0x230] =	vst v13;
	v13 =	vadd.s32 v10, v14;
	v14 =	vld [tilespmem:s11+$0x290]  }
0x70: {  	[tilespmem:s11+$0x240] =	vst v13;
	v13 =	vadd.s32 v11, v15;
	v15 =	vld [tilespmem:s11+$0x2A0]  }
0x71: {  	[tilespmem:s11+$0x250] =	vst v13;
	v13 =	vadd.s32 v12, v16;
	v16 =	vld [tilespmem:s11+$0x2B0]  }
0x72: {  	[tilespmem:s11+$0x260] =	vst v13;
	v13 =	vadd.s32 v0, v17;
	v17 =	vld [tilespmem:s11+$0x2C0]  }
0x73: {  	[tilespmem:s11+$0x270] =	vst v13;
	v13 =	vadd.s32 v1, v18;
	v18 =	vld [tilespmem:s11+$0x2D0]  }
0x74: {  	[tilespmem:s11+$0x280] =	vst v13;
	v13 =	vadd.s32 v2, v14;
	v14 =	vld [tilespmem:s11+$0x2E0]  }
0x75: {  	[tilespmem:s11+$0x290] =	vst v13;
	v13 =	vadd.s32 v3, v15;
	v15 =	vld [tilespmem:s11+$0x2F0]  }
0x76: {  	[tilespmem:s11+$0x2A0] =	vst v13;
	v13 =	vadd.s32 v4, v16;
	v16 =	vld [tilespmem:s11+$0x300]  }
0x77: {  	[tilespmem:s11+$0x2B0] =	vst v13;
	v13 =	vadd.s32 v5, v17;
	v17 =	vld [tilespmem:s11+$0x310]  }
0x78: {  	[tilespmem:s11+$0x2C0] =	vst v13;
	v13 =	vadd.s32 v6, v18;
	v18 =	vld [tilespmem:s11+$0x320]  }
0x79: {  	[tilespmem:s11+$0x2D0] =	vst v13;
	v13 =	vadd.s32 v7, v14;
	v14 =	vld [tilespmem:s11+$0x330]  }
0x7a: {  	[tilespmem:s11+$0x2E0] =	vst v13;
	v13 =	vadd.s32 v8, v15;
	v15 =	vld [tilespmem:s11+$0x340]  }
0x7b: {  	[tilespmem:s11+$0x2F0] =	vst v13;
	v13 =	vadd.s32 v9, v16;
	v16 =	vld [tilespmem:s11+$0x350]  }
0x7c: {  	[tilespmem:s11+$0x300] =	vst v13;
	v13 =	vadd.s32 v10, v17;
	v17 =	vld [tilespmem:s11+$0x360]  }
0x7d: {  	[tilespmem:s11+$0x310] =	vst v13;
	v13 =	vadd.s32 v11, v18;
	v18 =	vld [tilespmem:s11+$0x370]  }
0x7e: {  	[tilespmem:s11+$0x320] =	vst v13;
	v13 =	vadd.s32 v12, v14;
	v14 =	vld [tilespmem:s11+$0x380]  }
0x7f: {  	[tilespmem:s11+$0x330] =	vst v13;
	v13 =	vadd.s32 v0, v15;
	v15 =	vld [tilespmem:s11+$0x390]  }
0x80: {  	[tilespmem:s11+$0x340] =	vst v13;
	v13 =	vadd.s32 v1, v16;
	v16 =	vld [tilespmem:s11+$0x3A0]  }
0x81: {  	[tilespmem:s11+$0x350] =	vst v13;
	v13 =	vadd.s32 v2, v17;
	v17 =	vld [tilespmem:s11+$0x3B0]  }
0x82: {  	[tilespmem:s11+$0x360] =	vst v13;
	v13 =	vadd.s32 v3, v18;
	v18 =	vld [tilespmem:s11+$0x3C0]  }
0x83: {  	[tilespmem:s11+$0x370] =	vst v13;
	v13 =	vadd.s32 v4, v14;
	v14 =	vld [tilespmem:s11+$0x3D0]  }
0x84: {  	[tilespmem:s11+$0x380] =	vst v13;
	v13 =	vadd.s32 v5, v15;
	v15 =	vld [tilespmem:s11+$0x3E0]  }
0x85: {  	[tilespmem:s11+$0x390] =	vst v13;
	v13 =	vadd.s32 v6, v16;
	v16 =	vld [tilespmem:s11+$0x3F0]  }
0x86: {  	[tilespmem:s11+$0x3A0] =	vst v13;
	v13 =	vadd.s32 v7, v17;
	v17 =	vld [tilespmem:s11+$0x400]  }
0x87: {  	[tilespmem:s11+$0x3B0] =	vst v13;
	v13 =	vadd.s32 v8, v18;
	v18 =	vld [tilespmem:s11+$0x410]  }
0x88: {  	[tilespmem:s11+$0x3C0] =	vst v13;
	v13 =	vadd.s32 v9, v14;
	v14 =	vld [tilespmem:s11+$0x420]  }
0x89: {  	[tilespmem:s11+$0x3D0] =	vst v13;
	v13 =	vadd.s32 v10, v15;
	v15 =	vld [tilespmem:s11+$0x430]  }
0x8a: {  	[tilespmem:s11+$0x3E0] =	vst v13;
	v13 =	vadd.s32 v11, v16;
	v16 =	vld [tilespmem:s11+$0x440]  }
0x8b: {  	[tilespmem:s11+$0x3F0] =	vst v13;
	v13 =	vadd.s32 v12, v17;
	v17 =	vld [tilespmem:s11+$0x450]  }
0x8c: {  	[tilespmem:s11+$0x400] =	vst v13;
	v13 =	vadd.s32 v0, v18;
	v18 =	vld [tilespmem:s11+$0x460]  }
0x8d: {  	[tilespmem:s11+$0x410] =	vst v13;
	v13 =	vadd.s32 v1, v14;
	v14 =	vld [tilespmem:s11+$0x470]  }
0x8e: {  	[tilespmem:s11+$0x420] =	vst v13;
	v13 =	vadd.s32 v2, v15;
	v15 =	vld [tilespmem:s11+$0x480]  }
0x8f: {  	[tilespmem:s11+$0x430] =	vst v13;
	v13 =	vadd.s32 v3, v16;
	v16 =	vld [tilespmem:s11+$0x490]  }
0x90: {  	[tilespmem:s11+$0x440] =	vst v13;
	v13 =	vadd.s32 v4, v17;
	v17 =	vld [tilespmem:s11+$0x4A0]  }
0x91: {  	[tilespmem:s11+$0x450] =	vst v13;
	v13 =	vadd.s32 v5, v18;
	v18 =	vld [tilespmem:s11+$0x4B0]  }
0x92: {  	[tilespmem:s11+$0x460] =	vst v13;
	v13 =	vadd.s32 v6, v14;
	v14 =	vld [tilespmem:s11+$0x4C0]  }
0x93: {  	[tilespmem:s11+$0x470] =	vst v13;
	v13 =	vadd.s32 v7, v15;
	v15 =	vld [tilespmem:s11+$0x4D0]  }
0x94: {  	[tilespmem:s11+$0x480] =	vst v13;
	v13 =	vadd.s32 v8, v16;
	v16 =	vld [tilespmem:s11+$0x4E0]  }
0x95: {  	[tilespmem:s11+$0x490] =	vst v13;
	v13 =	vadd.s32 v9, v17;
	v17 =	vld [tilespmem:s11+$0x4F0]  }
0x96: {  	[tilespmem:s11+$0x4A0] =	vst v13;
	v13 =	vadd.s32 v10, v18;
	v18 =	vld [tilespmem:s11+$0x500]  }
0x97: {  	[tilespmem:s11+$0x4B0] =	vst v13;
	v13 =	vadd.s32 v11, v14;
	v14 =	vld [tilespmem:s11+$0x510]  }
0x98: {  	[tilespmem:s11+$0x4C0] =	vst v13;
	v13 =	vadd.s32 v12, v15;
	v15 =	vld [tilespmem:s11+$0x520]  }
0x99: {  	[tilespmem:s11+$0x4D0] =	vst v13;
	v13 =	vadd.s32 v0, v16;
	v16 =	vld [tilespmem:s11+$0x530]  }
0x9a: {  	[tilespmem:s11+$0x4E0] =	vst v13;
	v13 =	vadd.s32 v1, v17;
	v17 =	vld [tilespmem:s11+$0x540]  }
0x9b: {  	[tilespmem:s11+$0x4F0] =	vst v13;
	v13 =	vadd.s32 v2, v18;
	v18 =	vld [tilespmem:s11+$0x550]  }
0x9c: {  	[tilespmem:s11+$0x500] =	vst v13;
	v13 =	vadd.s32 v3, v14;
	v14 =	vld [tilespmem:s11+$0x560]  }
0x9d: {  	[tilespmem:s11+$0x510] =	vst v13;
	v13 =	vadd.s32 v4, v15;
	v15 =	vld [tilespmem:s11+$0x570]  }
0x9e: {  	[tilespmem:s11+$0x520] =	vst v13;
	v13 =	vadd.s32 v5, v16;
	v16 =	vld [tilespmem:s11+$0x580]  }
0x9f: {  	[tilespmem:s11+$0x530] =	vst v13;
	v13 =	vadd.s32 v6, v17;
	v17 =	vld [tilespmem:s11+$0x590]  }
0xa0: {  	[tilespmem:s11+$0x540] =	vst v13;
	v13 =	vadd.s32 v7, v18;
	v18 =	vld [tilespmem:s11+$0x5A0]  }
0xa1: {  	[tilespmem:s11+$0x550] =	vst v13;
	v13 =	vadd.s32 v8, v14;
	v14 =	vld [tilespmem:s11+$0x5B0]  }
0xa2: {  	[tilespmem:s11+$0x560] =	vst v13;
	v13 =	vadd.s32 v9, v15;
	v15 =	vld [tilespmem:s11+$0x5C0]  }
0xa3: {  	v19 =	vld [tilespmem:s11+$0x5D0];
	[tilespmem:s11+$0x570] =	vst v13;
	v13 =	vadd.s32 v10, v16  }
0xa4: {  	v20 =	vld [tilespmem:s11+$0x5E0];
	[tilespmem:s11+$0x580] =	vst v13;
	v13 =	vadd.s32 v11, v17  }
0xa5: {  	[tilespmem:s11+$0x590] =	vst v13;
	v13 =	vadd.s32 v12, v18;
	v18 =	vld [tilespmem:s11+$0x5F0]  }
0xa6: {  	v16 =	vld [tilespmem:s11+$0x600];
	[tilespmem:s11+$0x5A0] =	vst v13;
	v13 =	vadd.s32 v0, v14  }
0xa7: {  	v17 =	vld [tilespmem:s11+$0x610];
	[tilespmem:s11+$0x5B0] =	vst v13;
	v13 =	vadd.s32 v1, v15  }
0xa8: {  	v14 =	vld [tilespmem:s11+$0x620];
	[tilespmem:s11+$0x5C0] =	vst v13;
	v13 =	vadd.s32 v2, v19  }
0xa9: {  	v15 =	vadd.s32 v3, v20;
	[tilespmem:s11+$0x5D0] =	vst v13;
	v13 =	vld [tilespmem:s11+$0x630]  }
0xaa: {  	s7 =	simm.s32 $0x1;
	[tilespmem:s11+$0x5E0] =	vst v15;
	v15 =	vld [tilespmem:s11+$0x640];
	v18 =	vadd.s32 v4, v18  }
.LBB2_2:
0xab: {  	s4 =	smul.u32 $0x1A00, s7;
	p0 =	sne.s32 s7, $0x7;
	[tilespmem:s11+$0x5F0] =	vst v18;
	v16 =	vadd.s32 v5, v16;
	v18 =	vld [tilespmem:s11+$0x650]  }
0xac: {  	[tilespmem:s11+$0x600] =	vst v16;
	v16 =	vadd.s32 v6, v17;
	v17 =	vld [tilespmem:s11+$0x660]  }
0xad: {  	s4 =	sshra.s32 s4, $0x2;
	[tilespmem:s11+$0x610] =	vst v16;
	v14 =	vadd.s32 v7, v14;
	v16 =	vld [tilespmem:s11+$0x670]  }
0xae: {  	v19 =	vld [tilespmem:s4+$0x0];
	[tilespmem:s11+$0x620] =	vst v14;
	v13 =	vadd.s32 v8, v13  }
0xaf: {  	v14 =	vld [tilespmem:s4+$0x10];
	[tilespmem:s11+$0x630] =	vst v13;
	v13 =	vadd.s32 v9, v15  }
0xb0: {  	v15 =	vld [tilespmem:s4+$0x20];
	[tilespmem:s11+$0x640] =	vst v13;
	v13 =	vadd.s32 v10, v18  }
0xb1: {  	v18 =	vld [tilespmem:s4+$0x30];
	[tilespmem:s11+$0x650] =	vst v13;
	v13 =	vadd.s32 v11, v17  }
0xb2: {  	v17 =	vld [tilespmem:s4+$0x40];
	[tilespmem:s11+$0x660] =	vst v13;
	v13 =	vadd.s32 v12, v16  }
0xb3: {  	v16 =	vadd.s32 v0, v19;
	v19 =	vld [tilespmem:s4+$0x50];
	[tilespmem:s11+$0x670] =	vst v13;
	s11 =	smov.u32 s4  }
0xb4: {  	[tilespmem:s11+$0x0] =	vst v16;
	v13 =	vadd.s32 v1, v14;
	v14 =	vld [tilespmem:s11+$0x60]  }
0xb5: {  	[tilespmem:s11+$0x10] =	vst v13;
	v13 =	vadd.s32 v2, v15;
	v15 =	vld [tilespmem:s11+$0x70]  }
0xb6: {  	[tilespmem:s11+$0x20] =	vst v13;
	v13 =	vadd.s32 v3, v18;
	v16 =	vld [tilespmem:s11+$0x80]  }
0xb7: {  	[tilespmem:s11+$0x30] =	vst v13;
	v13 =	vadd.s32 v4, v17;
	v17 =	vld [tilespmem:s11+$0x90]  }
0xb8: {  	[tilespmem:s11+$0x40] =	vst v13;
	v13 =	vadd.s32 v5, v19;
	v18 =	vld [tilespmem:s11+$0xA0]  }
0xb9: {  	[tilespmem:s11+$0x50] =	vst v13;
	v13 =	vadd.s32 v6, v14;
	v14 =	vld [tilespmem:s11+$0xB0]  }
0xba: {  	[tilespmem:s11+$0x60] =	vst v13;
	v13 =	vadd.s32 v7, v15;
	v15 =	vld [tilespmem:s11+$0xC0]  }
0xbb: {  	[tilespmem:s11+$0x70] =	vst v13;
	v13 =	vadd.s32 v8, v16;
	v16 =	vld [tilespmem:s11+$0xD0]  }
0xbc: {  	[tilespmem:s11+$0x80] =	vst v13;
	v13 =	vadd.s32 v9, v17;
	v17 =	vld [tilespmem:s11+$0xE0]  }
0xbd: {  	[tilespmem:s11+$0x90] =	vst v13;
	v13 =	vadd.s32 v10, v18;
	v18 =	vld [tilespmem:s11+$0xF0]  }
0xbe: {  	[tilespmem:s11+$0xA0] =	vst v13;
	v13 =	vadd.s32 v11, v14;
	v14 =	vld [tilespmem:s11+$0x100]  }
0xbf: {  	[tilespmem:s11+$0xB0] =	vst v13;
	v13 =	vadd.s32 v12, v15;
	v15 =	vld [tilespmem:s11+$0x110]  }
0xc0: {  	[tilespmem:s11+$0xC0] =	vst v13;
	v13 =	vadd.s32 v0, v16;
	v16 =	vld [tilespmem:s11+$0x120]  }
0xc1: {  	[tilespmem:s11+$0xD0] =	vst v13;
	v13 =	vadd.s32 v1, v17;
	v17 =	vld [tilespmem:s11+$0x130]  }
0xc2: {  	[tilespmem:s11+$0xE0] =	vst v13;
	v13 =	vadd.s32 v2, v18;
	v18 =	vld [tilespmem:s11+$0x140]  }
0xc3: {  	[tilespmem:s11+$0xF0] =	vst v13;
	v13 =	vadd.s32 v3, v14;
	v14 =	vld [tilespmem:s11+$0x150]  }
0xc4: {  	[tilespmem:s11+$0x100] =	vst v13;
	v13 =	vadd.s32 v4, v15;
	v15 =	vld [tilespmem:s11+$0x160]  }
0xc5: {  	[tilespmem:s11+$0x110] =	vst v13;
	v13 =	vadd.s32 v5, v16;
	v16 =	vld [tilespmem:s11+$0x170]  }
0xc6: {  	[tilespmem:s11+$0x120] =	vst v13;
	v13 =	vadd.s32 v6, v17;
	v17 =	vld [tilespmem:s11+$0x180]  }
0xc7: {  	[tilespmem:s11+$0x130] =	vst v13;
	v13 =	vadd.s32 v7, v18;
	v18 =	vld [tilespmem:s11+$0x190]  }
0xc8: {  	[tilespmem:s11+$0x140] =	vst v13;
	v13 =	vadd.s32 v8, v14;
	v14 =	vld [tilespmem:s11+$0x1A0]  }
0xc9: {  	[tilespmem:s11+$0x150] =	vst v13;
	v13 =	vadd.s32 v9, v15;
	v15 =	vld [tilespmem:s11+$0x1B0]  }
0xca: {  	[tilespmem:s11+$0x160] =	vst v13;
	v13 =	vadd.s32 v10, v16;
	v16 =	vld [tilespmem:s11+$0x1C0]  }
0xcb: {  	[tilespmem:s11+$0x170] =	vst v13;
	v13 =	vadd.s32 v11, v17;
	v17 =	vld [tilespmem:s11+$0x1D0]  }
0xcc: {  	[tilespmem:s11+$0x180] =	vst v13;
	v13 =	vadd.s32 v12, v18;
	v18 =	vld [tilespmem:s11+$0x1E0]  }
0xcd: {  	[tilespmem:s11+$0x190] =	vst v13;
	v13 =	vadd.s32 v0, v14;
	v14 =	vld [tilespmem:s11+$0x1F0]  }
0xce: {  	[tilespmem:s11+$0x1A0] =	vst v13;
	v13 =	vadd.s32 v1, v15;
	v15 =	vld [tilespmem:s11+$0x200]  }
0xcf: {  	[tilespmem:s11+$0x1B0] =	vst v13;
	v13 =	vadd.s32 v2, v16;
	v16 =	vld [tilespmem:s11+$0x210]  }
0xd0: {  	[tilespmem:s11+$0x1C0] =	vst v13;
	v13 =	vadd.s32 v3, v17;
	v17 =	vld [tilespmem:s11+$0x220]  }
0xd1: {  	[tilespmem:s11+$0x1D0] =	vst v13;
	v13 =	vadd.s32 v4, v18;
	v18 =	vld [tilespmem:s11+$0x230]  }
0xd2: {  	[tilespmem:s11+$0x1E0] =	vst v13;
	v13 =	vadd.s32 v5, v14;
	v14 =	vld [tilespmem:s11+$0x240]  }
0xd3: {  	[tilespmem:s11+$0x1F0] =	vst v13;
	v13 =	vadd.s32 v6, v15;
	v15 =	vld [tilespmem:s11+$0x250]  }
0xd4: {  	[tilespmem:s11+$0x200] =	vst v13;
	v13 =	vadd.s32 v7, v16;
	v16 =	vld [tilespmem:s11+$0x260]  }
0xd5: {  	[tilespmem:s11+$0x210] =	vst v13;
	v13 =	vadd.s32 v8, v17;
	v17 =	vld [tilespmem:s11+$0x270]  }
0xd6: {  	[tilespmem:s11+$0x220] =	vst v13;
	v13 =	vadd.s32 v9, v18;
	v18 =	vld [tilespmem:s11+$0x280]  }
0xd7: {  	[tilespmem:s11+$0x230] =	vst v13;
	v13 =	vadd.s32 v10, v14;
	v14 =	vld [tilespmem:s11+$0x290]  }
0xd8: {  	[tilespmem:s11+$0x240] =	vst v13;
	v13 =	vadd.s32 v11, v15;
	v15 =	vld [tilespmem:s11+$0x2A0]  }
0xd9: {  	[tilespmem:s11+$0x250] =	vst v13;
	v13 =	vadd.s32 v12, v16;
	v16 =	vld [tilespmem:s11+$0x2B0]  }
0xda: {  	[tilespmem:s11+$0x260] =	vst v13;
	v13 =	vadd.s32 v0, v17;
	v17 =	vld [tilespmem:s11+$0x2C0]  }
0xdb: {  	[tilespmem:s11+$0x270] =	vst v13;
	v13 =	vadd.s32 v1, v18;
	v18 =	vld [tilespmem:s11+$0x2D0]  }
0xdc: {  	[tilespmem:s11+$0x280] =	vst v13;
	v13 =	vadd.s32 v2, v14;
	v14 =	vld [tilespmem:s11+$0x2E0]  }
0xdd: {  	[tilespmem:s11+$0x290] =	vst v13;
	v13 =	vadd.s32 v3, v15;
	v15 =	vld [tilespmem:s11+$0x2F0]  }
0xde: {  	[tilespmem:s11+$0x2A0] =	vst v13;
	v13 =	vadd.s32 v4, v16;
	v16 =	vld [tilespmem:s11+$0x300]  }
0xdf: {  	[tilespmem:s11+$0x2B0] =	vst v13;
	v13 =	vadd.s32 v5, v17;
	v17 =	vld [tilespmem:s11+$0x310]  }
0xe0: {  	[tilespmem:s11+$0x2C0] =	vst v13;
	v13 =	vadd.s32 v6, v18;
	v18 =	vld [tilespmem:s11+$0x320]  }
0xe1: {  	[tilespmem:s11+$0x2D0] =	vst v13;
	v13 =	vadd.s32 v7, v14;
	v14 =	vld [tilespmem:s11+$0x330]  }
0xe2: {  	[tilespmem:s11+$0x2E0] =	vst v13;
	v13 =	vadd.s32 v8, v15;
	v15 =	vld [tilespmem:s11+$0x340]  }
0xe3: {  	[tilespmem:s11+$0x2F0] =	vst v13;
	v13 =	vadd.s32 v9, v16;
	v16 =	vld [tilespmem:s11+$0x350]  }
0xe4: {  	[tilespmem:s11+$0x300] =	vst v13;
	v13 =	vadd.s32 v10, v17;
	v17 =	vld [tilespmem:s11+$0x360]  }
0xe5: {  	[tilespmem:s11+$0x310] =	vst v13;
	v13 =	vadd.s32 v11, v18;
	v18 =	vld [tilespmem:s11+$0x370]  }
0xe6: {  	[tilespmem:s11+$0x320] =	vst v13;
	v13 =	vadd.s32 v12, v14;
	v14 =	vld [tilespmem:s11+$0x380]  }
0xe7: {  	[tilespmem:s11+$0x330] =	vst v13;
	v13 =	vadd.s32 v0, v15;
	v15 =	vld [tilespmem:s11+$0x390]  }
0xe8: {  	[tilespmem:s11+$0x340] =	vst v13;
	v13 =	vadd.s32 v1, v16;
	v16 =	vld [tilespmem:s11+$0x3A0]  }
0xe9: {  	[tilespmem:s11+$0x350] =	vst v13;
	v13 =	vadd.s32 v2, v17;
	v17 =	vld [tilespmem:s11+$0x3B0]  }
0xea: {  	[tilespmem:s11+$0x360] =	vst v13;
	v13 =	vadd.s32 v3, v18;
	v18 =	vld [tilespmem:s11+$0x3C0]  }
0xeb: {  	[tilespmem:s11+$0x370] =	vst v13;
	v13 =	vadd.s32 v4, v14;
	v14 =	vld [tilespmem:s11+$0x3D0]  }
0xec: {  	[tilespmem:s11+$0x380] =	vst v13;
	v13 =	vadd.s32 v5, v15;
	v15 =	vld [tilespmem:s11+$0x3E0]  }
0xed: {  	[tilespmem:s11+$0x390] =	vst v13;
	v13 =	vadd.s32 v6, v16;
	v16 =	vld [tilespmem:s11+$0x3F0]  }
0xee: {  	[tilespmem:s11+$0x3A0] =	vst v13;
	v13 =	vadd.s32 v7, v17;
	v17 =	vld [tilespmem:s11+$0x400]  }
0xef: {  	[tilespmem:s11+$0x3B0] =	vst v13;
	v13 =	vadd.s32 v8, v18;
	v18 =	vld [tilespmem:s11+$0x410]  }
0xf0: {  	[tilespmem:s11+$0x3C0] =	vst v13;
	v13 =	vadd.s32 v9, v14;
	v14 =	vld [tilespmem:s11+$0x420]  }
0xf1: {  	[tilespmem:s11+$0x3D0] =	vst v13;
	v13 =	vadd.s32 v10, v15;
	v15 =	vld [tilespmem:s11+$0x430]  }
0xf2: {  	[tilespmem:s11+$0x3E0] =	vst v13;
	v13 =	vadd.s32 v11, v16;
	v16 =	vld [tilespmem:s11+$0x440]  }
0xf3: {  	[tilespmem:s11+$0x3F0] =	vst v13;
	v13 =	vadd.s32 v12, v17;
	v17 =	vld [tilespmem:s11+$0x450]  }
0xf4: {  	[tilespmem:s11+$0x400] =	vst v13;
	v13 =	vadd.s32 v0, v18;
	v18 =	vld [tilespmem:s11+$0x460]  }
0xf5: {  	[tilespmem:s11+$0x410] =	vst v13;
	v13 =	vadd.s32 v1, v14;
	v14 =	vld [tilespmem:s11+$0x470]  }
0xf6: {  	[tilespmem:s11+$0x420] =	vst v13;
	v13 =	vadd.s32 v2, v15;
	v15 =	vld [tilespmem:s11+$0x480]  }
0xf7: {  	[tilespmem:s11+$0x430] =	vst v13;
	v13 =	vadd.s32 v3, v16;
	v16 =	vld [tilespmem:s11+$0x490]  }
0xf8: {  	[tilespmem:s11+$0x440] =	vst v13;
	v13 =	vadd.s32 v4, v17;
	v17 =	vld [tilespmem:s11+$0x4A0]  }
0xf9: {  	[tilespmem:s11+$0x450] =	vst v13;
	v13 =	vadd.s32 v5, v18;
	v18 =	vld [tilespmem:s11+$0x4B0]  }
0xfa: {  	[tilespmem:s11+$0x460] =	vst v13;
	v13 =	vadd.s32 v6, v14;
	v14 =	vld [tilespmem:s11+$0x4C0]  }
0xfb: {  	[tilespmem:s11+$0x470] =	vst v13;
	v13 =	vadd.s32 v7, v15;
	v15 =	vld [tilespmem:s11+$0x4D0]  }
0xfc: {  	[tilespmem:s11+$0x480] =	vst v13;
	v13 =	vadd.s32 v8, v16;
	v16 =	vld [tilespmem:s11+$0x4E0]  }
0xfd: {  	[tilespmem:s11+$0x490] =	vst v13;
	v13 =	vadd.s32 v9, v17;
	v17 =	vld [tilespmem:s11+$0x4F0]  }
0xfe: {  	[tilespmem:s11+$0x4A0] =	vst v13;
	v13 =	vadd.s32 v10, v18;
	v18 =	vld [tilespmem:s11+$0x500]  }
0xff: {  	[tilespmem:s11+$0x4B0] =	vst v13;
	v13 =	vadd.s32 v11, v14;
	v14 =	vld [tilespmem:s11+$0x510]  }
0x100: {  	[tilespmem:s11+$0x4C0] =	vst v13;
	v13 =	vadd.s32 v12, v15;
	v15 =	vld [tilespmem:s11+$0x520]  }
0x101: {  	[tilespmem:s11+$0x4D0] =	vst v13;
	v13 =	vadd.s32 v0, v16;
	v16 =	vld [tilespmem:s11+$0x530]  }
0x102: {  	[tilespmem:s11+$0x4E0] =	vst v13;
	v13 =	vadd.s32 v1, v17;
	v17 =	vld [tilespmem:s11+$0x540]  }
0x103: {  	[tilespmem:s11+$0x4F0] =	vst v13;
	v13 =	vadd.s32 v2, v18;
	v18 =	vld [tilespmem:s11+$0x550]  }
0x104: {  	[tilespmem:s11+$0x500] =	vst v13;
	v13 =	vadd.s32 v3, v14;
	v14 =	vld [tilespmem:s11+$0x560]  }
0x105: {  	[tilespmem:s11+$0x510] =	vst v13;
	v13 =	vadd.s32 v4, v15;
	v15 =	vld [tilespmem:s11+$0x570]  }
0x106: {  	[tilespmem:s11+$0x520] =	vst v13;
	v13 =	vadd.s32 v5, v16;
	v16 =	vld [tilespmem:s11+$0x580]  }
0x107: {  	[tilespmem:s11+$0x530] =	vst v13;
	v13 =	vadd.s32 v6, v17;
	v17 =	vld [tilespmem:s11+$0x590]  }
0x108: {  	[tilespmem:s11+$0x540] =	vst v13;
	v13 =	vadd.s32 v7, v18;
	v18 =	vld [tilespmem:s11+$0x5A0]  }
0x109: {  	[tilespmem:s11+$0x550] =	vst v13;
	v13 =	vadd.s32 v8, v14;
	v14 =	vld [tilespmem:s11+$0x5B0]  }
0x10a: {  	[tilespmem:s11+$0x560] =	vst v13;
	v13 =	vadd.s32 v9, v15;
	v15 =	vld [tilespmem:s11+$0x5C0]  }
0x10b: {  	[tilespmem:s11+$0x570] =	vst v13;
	v13 =	vadd.s32 v10, v16;
	v19 =	vld [tilespmem:s11+$0x5D0]  }
0x10c: {  	[tilespmem:s11+$0x580] =	vst v13;
	v13 =	vadd.s32 v11, v17;
	v20 =	vld [tilespmem:s11+$0x5E0]  }
0x10d: {  	[tilespmem:s11+$0x590] =	vst v13;
	v13 =	vadd.s32 v12, v18;
	v18 =	vld [tilespmem:s11+$0x5F0]  }
.Ltmp2:
0x10e: {  	[tilespmem:s11+$0x5A0] =	vst v13;
	v13 =	vadd.s32 v0, v14;
	v16 =	vld [tilespmem:s11+$0x600];
	(pc) =	sbr.rel @p0 .LBB2_2-.Ltmp2, $4  }
0x10f: {  	[tilespmem:s11+$0x5B0] =	vst v13;
	v13 =	vadd.s32 v1, v15;
	v17 =	vld [tilespmem:s11+$0x610]  }
0x110: {  	[tilespmem:s11+$0x5C0] =	vst v13;
	v13 =	vadd.s32 v2, v19;
	v14 =	vld [tilespmem:s11+$0x620]  }
0x111: {  	[tilespmem:s11+$0x5D0] =	vst v13;
	v15 =	vadd.s32 v3, v20;
	v13 =	vld [tilespmem:s11+$0x630]  }
0x112: {  	s7 =	sadd.s32 $0x1, s7;
	[tilespmem:s11+$0x5E0] =	vst v15;
	v18 =	vadd.s32 v4, v18;
	v15 =	vld [tilespmem:s11+$0x640]  }
0x113: {  	[tilespmem:s11+$0x5F0] =	vst v18;
	v16 =	vadd.s32 v5, v16;
	v60 =	vld [tilespmem:s11+$0x650]  }
0x114: {  	v62 =	vld [tilespmem:s11+$0x660];
	[tilespmem:s11+$0x600] =	vst v16;
	v61 =	vadd.s32 v6, v17  }
0x115: {  	v63 =	vld [tilespmem:s11+$0x670];
	[tilespmem:s11+$0x610] =	vst v61;
	v14 =	vadd.s32 v7, v14  }
0x116: {  	[tilespmem:s11+$0x620] =	vst v14;
	v13 =	vadd.s32 v8, v13  }
0x117: {  	[tilespmem:s11+$0x630] =	vst v13;
	v13 =	vadd.s32 v9, v15  }
0x118: {  	[tilespmem:s11+$0x640] =	vst v13;
	v13 =	vadd.s32 v10, v60  }
0x119: {  	[tilespmem:s11+$0x650] =	vst v13;
	v13 =	vadd.s32 v11, v62  }
0x11a: {  	[tilespmem:s11+$0x660] =	vst v13;
	v13 =	vadd.s32 v12, v63  }
0x11b: {  	s7 =	simm.s32 $0x0;
	s4 =	simm.s32 $0x3400;
	[tilespmem:s11+$0x670] =	vst v13  }
0x11c: {  	[tilespmem:s4], [sflag:$0x1] =	stream.indirect.gather [hbm4b:s0+s12], $0x80, s7, s12, $0xb8;
	[tilespmem:$0x1D400] =	vst v63  }
0x11d: {  	s13 =	simm.s32 $0x6800  }
0x11e: {  	[tilespmem:s13], [sflag:$0x2] =	stream.indirect.gather [hbm4b:s0+s12], $0x80, s12, s12, $0xb8;
	[tilespmem:$0x1D400] =	vst v63  }
0x11f: {  	s14 =	simm.s32 $0xD0;
	s5 =	simm.s32 $0x9C00  }
0x120: {  	[tilespmem:s5], [sflag:$0x3] =	stream.indirect.gather [hbm4b:s0+s12], $0x80, s14, s12, $0xb8;
	[tilespmem:$0x1D400] =	vst v63  }
0x121: {  	s16 =	simm.s32 $0x138;
	s11 =	rddreg [dreg:$0x4]  }
0x122: {  	[tilespmem:s18], [sflag:$0x4] =	stream.indirect.gather [hbm4b:s0+s12], $0x80, s16, s12, $0xb8;
	[tilespmem:$0x1D400] =	vst v63  }
.LBB2_4:
0x123: {  	_ =	swait.ge [sflag:s19], $0x3400  }
0x124: {  	s13 =	sadd.s32 s11, s9;
	p0 =	seq.s32 s7, $0x0;
	[sflag:s19] =	ssyncset.done $0x0  }
0x125: {  	s4 =	simm.s32 $0x3400;
	s14 =	simm.s32 @!p0 $0xD;
	[sflag:s19] =	ssyncadd.s32 $0xFFFFCC00  }
0x126: {  	[hbm4b:s13+s20] =	stream.strided.scatter [tilespmem:s4], [sflag:$0x9], $0x3400, s21, s20, $0x38;
	[tilespmem:$0x1D400] =	vst v63  }
0x127: {  	_ =	swait.ge @!p0 [sflag:s14], $0x3400  }
0x128: {  	s4 =	sshra.s32 s7, $0x2;
	[sflag:s14] =	ssyncset.done @!p0 $0x0  }
0x129: {  	s8 =	sadd.s32 $0x1A0, s4;
	[sflag:s14] =	ssyncadd.s32 @!p0 $0xFFFFCC00  }
0x12a: {  	[tilespmem:s22], [sflag:$0x5] =	stream.indirect.gather [hbm4b:s0+s12], $0x80, s8, s12, $0xb8;
	[tilespmem:$0x1D400] =	vst v63  }
0x12b: {  	_ =	swait.ge [sflag:s23], $0x3400  }
0x12c: {  	s16 =	sadd.s32 s11, s10;
	[sflag:s23] =	ssyncset.done $0x0  }
0x12d: {  	s5 =	simm.s32 $0x6800;
	s14 =	simm.s32 @!p0 $0xE;
	[sflag:s23] =	ssyncadd.s32 $0xFFFFCC00  }
0x12e: {  	[hbm4b:s16+s20] =	stream.strided.scatter [tilespmem:s5], [sflag:$0xA], $0x3400, s21, s20, $0x38;
	[tilespmem:$0x1D400] =	vst v63  }
0x12f: {  	_ =	swait.ge @!p0 [sflag:s14], $0x3400  }
0x130: {  	[sflag:s14] =	ssyncset.done @!p0 $0x0  }
0x131: {  	s8 =	sadd.s32 $0x208, s4;
	[sflag:s14] =	ssyncadd.s32 @!p0 $0xFFFFCC00  }
0x132: {  	[tilespmem:s24], [sflag:$0x6] =	stream.indirect.gather [hbm4b:s0+s12], $0x80, s8, s12, $0xb8;
	[tilespmem:$0x1D400] =	vst v63  }
0x133: {  	_ =	swait.ge [sflag:s25], $0x3400  }
0x134: {  	s14 =	simm.s32 @!p0 $0xF;
	[sflag:s25] =	ssyncset.done $0x0;
	s16 =	rddreg [dreg:$0x8]  }
0x135: {  	[sflag:s25] =	ssyncadd.s32 $0xFFFFCC00;
	s8 =	sadd.s32 s11, s16;
	s16 =	simm.s32 $0x9C00  }
0x136: {  	[hbm4b:s8+s20] =	stream.strided.scatter [tilespmem:s16], [sflag:$0xB], $0x3400, s21, s20, $0x38;
	[tilespmem:$0x1D400] =	vst v63  }
0x137: {  	_ =	swait.ge @!p0 [sflag:s14], $0x3400  }
0x138: {  	[sflag:s14] =	ssyncset.done @!p0 $0x0  }
0x139: {  	s8 =	sadd.s32 $0x270, s4;
	[sflag:s14] =	ssyncadd.s32 @!p0 $0xFFFFCC00  }
0x13a: {  	[tilespmem:s26], [sflag:$0x7] =	stream.indirect.gather [hbm4b:s0+s12], $0x80, s8, s12, $0xb8;
	[tilespmem:$0x1D400] =	vst v63  }
0x13b: {  	_ =	swait.ge [sflag:s28], $0x3400  }
0x13c: {  	[sflag:s28] =	ssyncset.done $0x0;
	s14 =	rddreg [dreg:$0x7]  }
0x13d: {  	[sflag:s28] =	ssyncadd.s32 $0xFFFFCC00;
	s16 =	sadd.s32 s11, s14;
	s14 =	simm.s32 @!p0 $0x10  }
0x13e: {  	[hbm4b:s16+s20] =	stream.strided.scatter [tilespmem:s18], [sflag:$0xC], $0x3400, s21, s20, $0x38;
	[tilespmem:$0x1D400] =	vst v63  }
0x13f: {  	_ =	swait.ge @!p0 [sflag:s14], $0x3400  }
0x140: {  	[sflag:s14] =	ssyncset.done @!p0 $0x0  }
0x141: {  	s5 =	sadd.s32 $0x2D8, s4;
	[sflag:s14] =	ssyncadd.s32 @!p0 $0xFFFFCC00  }
0x142: {  	[tilespmem:s29], [sflag:$0x8] =	stream.indirect.gather [hbm4b:s0+s12], $0x80, s5, s12, $0xb8;
	[tilespmem:$0x1D400] =	vst v63  }
0x143: {  	_ =	swait.ge [sflag:s30], $0x3400  }
0x144: {  	[sflag:s30] =	ssyncset.done $0x0  }
0x145: {  	s8 =	sadd.s32 $0x2000, s13;
	[sflag:s30] =	ssyncadd.s32 $0xFFFFCC00  }
0x146: {  	[hbm4b:s8+s20] =	stream.strided.scatter [tilespmem:s22], [sflag:$0xD], $0x3400, s21, s20, $0x38;
	[tilespmem:$0x1D400] =	vst v63  }
0x147: {  	p0 =	seq.s32 s7, $0xC300;
	_ =	swait.ge [sflag:s31], $0x3400  }
0x148: {  	s14 =	sshra.s32 @!p0 s7, $0x2;
	s5 =	simm.s32 @!p0 $0x68;
	[sflag:s31] =	ssyncset.done $0x0  }
0x149: {  	s16 =	sadd.s32 @!p0 $0x340, s14;
	s8 =	simm.s32 @!p0 $0x3400;
	[sflag:s31] =	ssyncadd.s32 $0xFFFFCC00  }
0x14a: {  	[tilespmem:s8], [sflag:$0x1] =	stream.indirect.gather @!p0 [hbm4b:s0+s5], $0x80, s16, s5, $0xb8;
	[tilespmem:$0x1D400] =	vst v63  }
0x14b: {  	_ =	swait.ge [sflag:s1], $0x3400  }
0x14c: {  	[sflag:s1] =	ssyncset.done $0x0  }
0x14d: {  	s16 =	sadd.s32 $0x2800, s13;
	[sflag:s1] =	ssyncadd.s32 $0xFFFFCC00  }
0x14e: {  	[hbm4b:s16+s20] =	stream.strided.scatter [tilespmem:s24], [sflag:$0xE], $0x3400, s21, s20, $0x38;
	[tilespmem:$0x1D400] =	vst v63  }
0x14f: {  	_ =	swait.ge [sflag:s2], $0x3400  }
0x150: {  	[sflag:s2] =	ssyncset.done $0x0  }
0x151: {  	s8 =	sadd.s32 @!p0 $0x3A8, s14;
	s16 =	simm.s32 @!p0 $0x6800;
	[sflag:s2] =	ssyncadd.s32 $0xFFFFCC00  }
0x152: {  	[tilespmem:s16], [sflag:$0x2] =	stream.indirect.gather @!p0 [hbm4b:s0+s5], $0x80, s8, s5, $0xb8;
	[tilespmem:$0x1D400] =	vst v63  }
0x153: {  	_ =	swait.ge [sflag:s15], $0x3400  }
0x154: {  	[sflag:s15] =	ssyncset.done $0x0  }
0x155: {  	s16 =	sadd.s32 $0x3000, s13;
	[sflag:s15] =	ssyncadd.s32 $0xFFFFCC00  }
0x156: {  	[hbm4b:s16+s20] =	stream.strided.scatter [tilespmem:s26], [sflag:$0xF], $0x3400, s21, s20, $0x38;
	[tilespmem:$0x1D400] =	vst v63  }
0x157: {  	_ =	swait.ge [sflag:s17], $0x3400  }
0x158: {  	[sflag:s17] =	ssyncset.done $0x0  }
0x159: {  	s8 =	sadd.s32 @!p0 $0x410, s14;
	s14 =	simm.s32 @!p0 $0x9C00;
	[sflag:s17] =	ssyncadd.s32 $0xFFFFCC00  }
0x15a: {  	[tilespmem:s14], [sflag:$0x3] =	stream.indirect.gather @!p0 [hbm4b:s0+s5], $0x80, s8, s5, $0xb8;
	[tilespmem:$0x1D400] =	vst v63  }
0x15b: {  	_ =	swait.ge [sflag:s3], $0x3400  }
0x15c: {  	[sflag:s3] =	ssyncset.done $0x0  }
.Ltmp3:
0x15d: {  	s16 =	sadd.s32 $0x3800, s13;
	[sflag:s3] =	ssyncadd.s32 $0xFFFFCC00;
	(pc) =	sbr.rel @p0 .LBB2_6-.Ltmp3, $4  }
0x15e: {  	[hbm4b:s16+s20] =	stream.strided.scatter [tilespmem:s29], [sflag:$0x10], $0x3400, s21, s20, $0x38;
	[tilespmem:$0x1D400] =	vst v63  }
0x15f: {  	_ =	swait.ge [sflag:s6], $0x3400  }
0x160: {  	[sflag:s6] =	ssyncset.done $0x0  }
0x161: {  	[sflag:s6] =	ssyncadd.s32 $0xFFFFCC00  }
.Ltmp4:
0x162: {  	(pc) =	sbr.rel .LBB2_4-.Ltmp4, $3  }
0x163: {  	_ =	sdelay $0x1  }
0x164: {  	s4 =	sadd.s32 $0x478, s4;
	s7 =	sadd.s32 $0xD00, s7;
	s11 =	sadd.s32 $0x4000, s11  }
0x165: {  	[tilespmem:s18], [sflag:$0x4] =	stream.indirect.gather [hbm4b:s0+s12], $0x80, s4, s12, $0xb8;
	[tilespmem:$0x1D400] =	vst v63  }
.LBB2_7:
0x166: {  	_ =	sfence.sel $0x180000  }
0x167: {  	[bflag:$0x0] =	sbarrier.arrive $0xFFFF  }
0x168: {  	_ =	strace $0x90000047  }
0x169: {  	s0 =	stileid.u32;
	[bflag:$0x2] =	sbarrier.arrive $0xFFFF  }
0x16a: {  	p0 =	sne.s32 s0, $0x0;
	s0 =	rddreg [dreg:$0x3]  }
0x16b: {  	s0 =	sadd.s32 @!p0 $0x100000, s0  }
0x16c: {  	[sflag:s0] =	ssyncadd.tile.s32 @!p0 $0x1;
	_ =	shalt  }
.Lfunc_end2:
_tile_overlayer_lowered:
.L_overlay_start_2:
0x16d: {  	(tag) =	ssettag $0x2  }
0x16e: {  	s0 =	rddreg [dreg:$0x0];
	s2 =	stileid.u32  }
0x16f: {  	s1 =	rddreg [dreg:$0x1];
	p0 =	sne.s32 s2, $0x0  }
0x170: {  	s3 =	rddreg [dreg:$0x2];
	[bflag:$0x3] =	sbarrier.arrive $0xFFFF;
	s2 =	simm.s32 @!p0 $0x1C11  }
0x171: {  	[timem:s3], [sflag:s2] =	dma.local @!p0 [hbm:s0], s1  }
0x172: {  	s0 =	simm.s32 @!p0 $0x11  }
0x173: {  	_ =	swait.ge @!p0 [sflag:s0], s1  }
0x174: {  	s1 =	ssub.s32 @!p0 $0x0, s1;
	[sflag:s0] =	ssyncset.done @!p0 $0x0  }
0x175: {  	[sflag:s0] =	ssyncadd.s32 @!p0 s1  }
0x176: {  	[bflag:$0x3] =	sbarrier.arrive $0xFFFF  }
0x177: {  	_ =	shalt  }

</sc_bundles>
